<compile_context>
chip_gen: v7x
topology: tpu7x:2x2x1
jax: 0.10.2.dev20260603
libtpu: 0.0.44.dev20260713+nightly
codegen_flags: <defaults>
</compile_context>

<pallas_src>
import functools

import jax
import jax.numpy as jnp
from jax import lax
from jax.experimental import pallas as pl
from jax.experimental.pallas import tpu as pltpu
from jax.experimental.pallas import tpu_sc as plsc

N = 10000
E = 320000
D = 128
ED = 4
H = 128
OUT = 3

NC = 2
NS = 16
NPAD = 10240
NW = NC * NS
EWP = E // NW
CS = 80
IS = EWP // CS
E_PAD = NW * EWP

BE = 2560
BN = 2000

_sc_mesh = plsc.VectorSubcoreMesh(
    core_axis_name="c", subcore_axis_name="s", num_cores=NC, num_subcores=NS)


@functools.partial(
    pl.kernel,
    out_type=jax.ShapeDtypeStruct((E_PAD, H), jnp.float32),
    mesh=_sc_mesh,
    scratch_types=[
        pltpu.VMEM((IS, CS), jnp.int32),
        pltpu.VMEM((CS, H), jnp.float32),
        pltpu.SemaphoreType.DMA,
    ],
)
def _sc_gather(table_hbm, idx_hbm, out_hbm, idx_v, rows_v, gsem):
    c = lax.axis_index("c")
    s = lax.axis_index("s")
    wid = c * NS + s
    pltpu.sync_copy(idx_hbm.at[wid], idx_v)
    base = wid * EWP

    def body(j, carry):
        pltpu.async_copy(table_hbm.at[idx_v.at[j]], rows_v, gsem).wait()
        pltpu.sync_copy(rows_v, out_hbm.at[pl.ds(base + j * CS, CS)])
        return carry

    lax.fori_loop(0, IS, body, 0)


@functools.partial(
    pl.kernel,
    out_type=jax.ShapeDtypeStruct((NC, NPAD, H), jnp.float32),
    mesh=_sc_mesh,
    scratch_types=[
        pltpu.VMEM((IS, CS), jnp.int32),
        pltpu.VMEM((CS, H), jnp.float32),
        pltpu.VMEM_SHARED((NPAD, H), jnp.float32),
        pltpu.SemaphoreType.DMA,
    ],
)
def _sc_scatter(m_hbm, idx_hbm, zeros_hbm, out_hbm, idx_v, rows_v, acc_sh,
                lsem):
    c = lax.axis_index("c")
    s = lax.axis_index("s")
    wid = c * NS + s
    rows_per_tile = NPAD // NS
    pltpu.sync_copy(zeros_hbm.at[pl.ds(s * rows_per_tile, rows_per_tile)],
                    acc_sh.at[pl.ds(s * rows_per_tile, rows_per_tile)])
    plsc.subcore_barrier()
    pltpu.sync_copy(idx_hbm.at[wid], idx_v)
    base = wid * EWP

    def body(j, carry):
        pltpu.async_copy(m_hbm.at[pl.ds(base + j * CS, CS)], rows_v,
                         lsem).wait()
        pltpu.sync_copy(rows_v, acc_sh.at[idx_v.at[j]], add=True)
        return carry

    lax.fori_loop(0, IS, body, 0)
    plsc.subcore_barrier()
    pltpu.sync_copy(acc_sh.at[pl.ds(s * rows_per_tile, rows_per_tile)],
                    out_hbm.at[c, pl.ds(s * rows_per_tile, rows_per_tile)])


@functools.partial(
    pl.kernel,
    out_type=jax.ShapeDtypeStruct((NC, NPAD, H), jnp.float32),
    mesh=_sc_mesh,
    scratch_types=[
        pltpu.VMEM((IS, CS), jnp.int32),
        pltpu.VMEM((CS, H), jnp.float32),
        pltpu.VMEM_SHARED((NPAD, H), jnp.float32),
        pltpu.SemaphoreType.DMA,
    ],
)
def _sc_degree(idx_hbm, ones_hbm, zeros_hbm, out_hbm, idx_v, ones_v, cnt_sh,
               sem):
    c = lax.axis_index("c")
    s = lax.axis_index("s")
    wid = c * NS + s
    rows_per_tile = NPAD // NS
    pltpu.sync_copy(zeros_hbm.at[pl.ds(s * rows_per_tile, rows_per_tile)],
                    cnt_sh.at[pl.ds(s * rows_per_tile, rows_per_tile)])
    pltpu.sync_copy(ones_hbm, ones_v)
    plsc.subcore_barrier()

    pltpu.sync_copy(idx_hbm.at[wid], idx_v)

    def body(j, carry):
        pltpu.sync_copy(ones_v, cnt_sh.at[idx_v.at[j]], add=True)
        return carry

    lax.fori_loop(0, IS, body, 0)

    plsc.subcore_barrier()
    pltpu.sync_copy(cnt_sh.at[pl.ds(s * rows_per_tile, rows_per_tile)],
                    out_hbm.at[c, pl.ds(s * rows_per_tile, rows_per_tile)])


def _lin_in_body(x_ref, w_ref, b_ref, o_ref):
    acc = jnp.dot(x_ref[...], w_ref[...], preferred_element_type=jnp.float32)
    o_ref[...] = jnp.maximum(acc + b_ref[...], 0.0)


def _lin_in(x, w, b):
    return pl.pallas_call(
        _lin_in_body,
        grid=(N // BN,),
        in_specs=[
            pl.BlockSpec((BN, D), lambda i: (i, 0)),
            pl.BlockSpec((D, H), lambda i: (0, 0)),
            pl.BlockSpec((1, H), lambda i: (0, 0)),
        ],
        out_specs=pl.BlockSpec((BN, H), lambda i: (i, 0)),
        out_shape=jax.ShapeDtypeStruct((N, H), jnp.float32),
    )(x, w, b.reshape(1, H))


def _edge_mlp_body(xj_ref, ea_ref, w1x_ref, w1e_ref, b1_ref, w2_ref, b2_ref,
                   o_ref):
    m1 = jnp.dot(xj_ref[...], w1x_ref[...],
                 preferred_element_type=jnp.float32)
    m1 += jnp.dot(ea_ref[...], w1e_ref[...], preferred_element_type=jnp.float32)
    m1 = jnp.maximum(m1 + b1_ref[...], 0.0)
    m2 = jnp.dot(m1, w2_ref[...], preferred_element_type=jnp.float32)
    o_ref[...] = jnp.maximum(m2 + b2_ref[...], 0.0)


def _edge_mlp(xj, ea, w1x, w1e, b1, w2, b2):
    return pl.pallas_call(
        _edge_mlp_body,
        grid=(E_PAD // BE,),
        in_specs=[
            pl.BlockSpec((BE, H), lambda i: (i, 0)),
            pl.BlockSpec((BE, ED), lambda i: (i, 0)),
            pl.BlockSpec((H, H), lambda i: (0, 0)),
            pl.BlockSpec((ED, H), lambda i: (0, 0)),
            pl.BlockSpec((1, H), lambda i: (0, 0)),
            pl.BlockSpec((H, H), lambda i: (0, 0)),
            pl.BlockSpec((1, H), lambda i: (0, 0)),
        ],
        out_specs=pl.BlockSpec((BE, H), lambda i: (i, 0)),
        out_shape=jax.ShapeDtypeStruct((E_PAD, H), jnp.float32),
    )(xj, ea, w1x, w1e, b1.reshape(1, H), w2, b2.reshape(1, H))


def _update_body(h_ref, p0_ref, p1_ref, c0_ref, c1_ref, u1h_ref, u1a_ref,
                 ub1_ref, u2_ref, ub2_ref, o_ref):
    deg = jnp.maximum(c0_ref[:, :1] + c1_ref[:, :1], 1.0)
    agg = (p0_ref[...] + p1_ref[...]) / deg
    h = h_ref[...]
    u = jnp.dot(h, u1h_ref[...], preferred_element_type=jnp.float32)
    u += jnp.dot(agg, u1a_ref[...], preferred_element_type=jnp.float32)
    u = jnp.maximum(u + ub1_ref[...], 0.0)
    u2 = jnp.dot(u, u2_ref[...], preferred_element_type=jnp.float32)
    o_ref[...] = jnp.maximum(u2 + ub2_ref[...] + h, 0.0)


def _update(h, p0, p1, c0, c1, u1h, u1a, ub1, u2, ub2):
    return pl.pallas_call(
        _update_body,
        grid=(N // BN,),
        in_specs=[
            pl.BlockSpec((BN, H), lambda i: (i, 0)),
            pl.BlockSpec((BN, H), lambda i: (i, 0)),
            pl.BlockSpec((BN, H), lambda i: (i, 0)),
            pl.BlockSpec((BN, H), lambda i: (i, 0)),
            pl.BlockSpec((BN, H), lambda i: (i, 0)),
            pl.BlockSpec((H, H), lambda i: (0, 0)),
            pl.BlockSpec((H, H), lambda i: (0, 0)),
            pl.BlockSpec((1, H), lambda i: (0, 0)),
            pl.BlockSpec((H, H), lambda i: (0, 0)),
            pl.BlockSpec((1, H), lambda i: (0, 0)),
        ],
        out_specs=pl.BlockSpec((BN, H), lambda i: (i, 0)),
        out_shape=jax.ShapeDtypeStruct((N, H), jnp.float32),
    )(h, p0, p1, c0, c1, u1h, u1a, ub1.reshape(1, H), u2, ub2.reshape(1, H))


def _head_body(h_ref, w1_ref, b1_ref, w2_ref, b2_ref, o_ref):
    t = jnp.dot(h_ref[...], w1_ref[...], preferred_element_type=jnp.float32)
    t = jnp.maximum(t + b1_ref[...], 0.0)
    o = jnp.dot(t, w2_ref[...], preferred_element_type=jnp.float32)
    o_ref[...] = jnp.maximum(o + b2_ref[...], 0.0)


def _head(h, w1, b1, w2, b2):
    return pl.pallas_call(
        _head_body,
        grid=(N // BN,),
        in_specs=[
            pl.BlockSpec((BN, H), lambda i: (i, 0)),
            pl.BlockSpec((H, H), lambda i: (0, 0)),
            pl.BlockSpec((1, H), lambda i: (0, 0)),
            pl.BlockSpec((H, OUT), lambda i: (0, 0)),
            pl.BlockSpec((1, OUT), lambda i: (0, 0)),
        ],
        out_specs=pl.BlockSpec((BN, OUT), lambda i: (i, 0)),
        out_shape=jax.ShapeDtypeStruct((N, OUT), jnp.float32),
    )(h, w1, b1.reshape(1, H), w2, b2.reshape(1, OUT))


def kernel(x, edge_index, edge_attr, lin_in_W, lin_in_b, msg_W1, msg_b1,
           msg_W2, msg_b2, upd_W1, upd_b1, upd_W2, upd_b2, head_W1, head_b1,
           head_W2, head_b2):
    pad = E_PAD - E
    src_p = jnp.concatenate([edge_index[0], jnp.zeros((pad,), jnp.int32)])
    dst_p = jnp.concatenate(
        [edge_index[1], N + (jnp.arange(pad, dtype=jnp.int32) % (NPAD - N))])
    ea_p = jnp.concatenate([edge_attr, jnp.zeros((pad, ED), jnp.float32)])
    src3 = src_p.reshape(NW, IS, CS)
    dst3 = dst_p.reshape(NW, IS, CS)
    zeros_nh = jnp.zeros((NPAD, H), jnp.float32)
    ones_ch = jnp.ones((CS, H), jnp.float32)

    cnt = _sc_degree(dst3, ones_ch, zeros_nh)
    h = _lin_in(x, lin_in_W, lin_in_b)
    L = msg_W1.shape[0]
    for l in range(L):
        xj = _sc_gather(h, src3)
        m = _edge_mlp(xj, ea_p, msg_W1[l][:H], msg_W1[l][H:],
                      msg_b1[l], msg_W2[l], msg_b2[l])
        p = _sc_scatter(m, dst3, zeros_nh)
        h = _update(h, p[0], p[1], cnt[0], cnt[1],
                    upd_W1[l][:H], upd_W1[l][H:], upd_b1[l],
                    upd_W2[l], upd_b2[l])
    return _head(h, head_W1, head_b1, head_W2, head_b2)

# --- scband reference (transcript-rebuilt; emitter-appended) ---
"""Pipeline reference for scband-mesh-gnn-73220602462590 (READ-ONLY COPY).

The authoritative reference and input builder live on the scoring server;
editing this copy changes nothing except your own understanding.
"""

import jax, jax.numpy as jnp
import numpy as np

N = 10000
E = 320000
D = 128
ED = 4
H = 128
L = 4
OUT = 3

def _glorot(key, shape):
    fan_in = shape[-2]
    return jax.random.normal(key, shape, jnp.float32) * (1.0 / np.sqrt(fan_in))

def setup_inputs(seed: int = 0):
    key = jax.random.key(seed)
    ks = jax.random.split(key, 16)
    inp = {}
    inp["x"] = jax.random.normal(ks[0], (N, D), jnp.float32)
    inp["edge_index"] = jax.random.randint(ks[1], (2, E), 0, N, dtype=jnp.int32)
    inp["edge_attr"] = jax.random.normal(ks[2], (E, ED), jnp.float32)
    inp["lin_in_W"] = _glorot(ks[3], (D, H))
    inp["lin_in_b"] = jnp.zeros((H,), jnp.float32)
    inp["msg_W1"] = _glorot(ks[4], (L, H + ED, H))
    inp["msg_b1"] = jnp.zeros((L, H), jnp.float32)
    inp["msg_W2"] = _glorot(ks[5], (L, H, H))
    inp["msg_b2"] = jnp.zeros((L, H), jnp.float32)
    inp["upd_W1"] = _glorot(ks[6], (L, 2 * H, H))
    inp["upd_b1"] = jnp.zeros((L, H), jnp.float32)
    inp["upd_W2"] = _glorot(ks[7], (L, H, H))
    inp["upd_b2"] = jnp.zeros((L, H), jnp.float32)
    inp["head_W1"] = _glorot(ks[8], (H, H))
    inp["head_b1"] = jnp.zeros((H,), jnp.float32)
    inp["head_W2"] = _glorot(ks[9], (H, OUT))
    inp["head_b2"] = jnp.zeros((OUT,), jnp.float32)
    return inp

def reference(x, edge_index, edge_attr, lin_in_W, lin_in_b, msg_W1, msg_b1, msg_W2, msg_b2, upd_W1, upd_b1, upd_W2, upd_b2, head_W1, head_b1, head_W2, head_b2):
    # PyG flow source_to_target: x_j = x[edge_index[0]], aggregate (mean) at edge_index[1]
    src = edge_index[0]
    dst = edge_index[1]
    deg = jnp.clip(jax.ops.segment_sum(jnp.ones((E,), jnp.float32), dst, num_segments=N), 1.0, None)
    h = jax.nn.relu(x @ lin_in_W + lin_in_b)
    for l in range(L):
        xj = jnp.take(h, src, axis=0)
        m = jnp.concatenate([xj, edge_attr], axis=1)
        m = jax.nn.relu(m @ msg_W1[l] + msg_b1[l])
        m = jax.nn.relu(m @ msg_W2[l] + msg_b2[l])
        agg = jax.ops.segment_sum(m, dst, num_segments=N) / deg[:, None]
        u = jnp.concatenate([h, agg], axis=1)
        u = jax.nn.relu(u @ upd_W1[l] + upd_b1[l])
        u = u @ upd_W2[l] + upd_b2[l]
        h = jax.nn.relu(u + h)
        # dropout is identity in eval mode
    o = jax.nn.relu(h @ head_W1 + head_b1)
    o = jax.nn.relu(o @ head_W2 + head_b2)
    return o

if __name__ == "__main__":
    import jax
    _d = setup_inputs()
    print(jax.jit(kernel)(*tuple(_d.values())))

</pallas_src>

<mosaic_0001>
#map = affine_map<(d0, d1) -> (0, 0)>
#map1 = affine_map<(d0, d1) -> (0, 0, 0)>
module attributes {stable_mosaic.version = 14 : i64} {
  func.func @_sc_scatter(%arg0: i32, %arg1: i32, %arg2: memref<320000x128xf32, #tpu.memory_space<hbm>>, %arg3: memref<32x125x80xi32, #tpu.memory_space<hbm>>, %arg4: memref<10240x128xf32, #tpu.memory_space<hbm>>, %arg5: memref<2x10240x128xf32, #tpu.memory_space<hbm>>, %arg6: memref<125x80xi32, #tpu.memory_space<vmem>>, %arg7: memref<80x128xf32, #tpu.memory_space<vmem>>, %arg8: memref<10240x128xf32, #tpu.memory_space<vmem_shared>>, %arg9: memref<!tpu.dma_semaphore, #tpu.memory_space<semaphore_mem>>) attributes {dimension_semantics = [#tpu.dimension_semantics<core_parallel>, #tpu.dimension_semantics<subcore_parallel>], iteration_bounds = array<i64: 2, 16>, scalar_prefetch = 0 : i64, scratch_operands = 4 : i64, tpu.core_type = #tpu.core_type<sc_vector_subcore>, window_params = [{transform_indices = #map}, {transform_indices = #map1}, {transform_indices = #map}, {transform_indices = #map1}]} {
    %mul3A = arith.constant 16 : i32
    %mul3A_0 = arith.muli %arg0, %mul3A : i32
    %add3A = arith.addi %mul3A_0, %arg1 : i32
    %mul3A_1 = arith.constant 640 : i32
    %mul3A_2 = arith.muli %arg1, %mul3A_1 : i32
    %mul3A_3 = arith.constant 640 : i32
    %mul3A_4 = arith.muli %arg1, %mul3A_3 : i32
    "tpu.region"() ({
      %run_scoped3A = tpu.sem_alloc : memref<!tpu.dma_semaphore, #tpu.memory_space<semaphore_mem>>
      %dma_start3A = arith.constant 0 : i32
      %dma_start3A_17 = tpu.memref_slice %arg8[%mul3A_4, %dma_start3A] : memref<10240x128xf32, #tpu.memory_space<vmem_shared>> -> memref<640x128xf32, #tpu.memory_space<vmem_shared>>
      %dma_start3A_18 = arith.constant 0 : i32
      %dma_start3A_19 = tpu.memref_slice %arg4[%mul3A_2, %dma_start3A_18] : memref<10240x128xf32, #tpu.memory_space<hbm>> -> memref<640x128xf32, #tpu.memory_space<hbm>>
      tpu.enqueue_dma source(%dma_start3A_19 : memref<640x128xf32, #tpu.memory_space<hbm>>) target(%dma_start3A_17 : memref<640x128xf32, #tpu.memory_space<vmem_shared>>) target_semaphore(%run_scoped3A : memref<!tpu.dma_semaphore, #tpu.memory_space<semaphore_mem>>)
      %dma_wait3A = arith.constant 0 : i32
      %dma_wait3A_20 = tpu.memref_slice %arg8[%mul3A_4, %dma_wait3A] : memref<10240x128xf32, #tpu.memory_space<vmem_shared>> -> memref<640x128xf32, #tpu.memory_space<vmem_shared>>
      %dma_wait3A_21 = arith.constant 0 : i32
      %dma_wait3A_22 = tpu.memref_slice %arg4[%mul3A_2, %dma_wait3A_21] : memref<10240x128xf32, #tpu.memory_space<hbm>> -> memref<640x128xf32, #tpu.memory_space<hbm>>
      tpu.wait_dma2 semaphore(%run_scoped3A : memref<!tpu.dma_semaphore, #tpu.memory_space<semaphore_mem>>) src(%dma_wait3A_22 : memref<640x128xf32, #tpu.memory_space<hbm>>) dst(%dma_wait3A_20 : memref<640x128xf32, #tpu.memory_space<vmem_shared>>)
      tpu.yield
    }) : () -> ()
    %barrier3A = arith.constant 0 : index
    tpu.barrier barrier_id(%barrier3A)
    "tpu.region"() ({
      %run_scoped3A = tpu.sem_alloc : memref<!tpu.dma_semaphore, #tpu.memory_space<semaphore_mem>>
      %dma_start3A = arith.constant 0 : i32
      %dma_start3A_17 = arith.constant 0 : i32
      %dma_start3A_18 = tpu.memref_slice %arg3[%add3A, %dma_start3A, %dma_start3A_17] : memref<32x125x80xi32, #tpu.memory_space<hbm>> -> memref<1x125x80xi32, #tpu.memory_space<hbm>>
      %dma_start3A_19 = tpu.memref_squeeze %dma_start3A_18 : memref<1x125x80xi32, #tpu.memory_space<hbm>> -> memref<125x80xi32, #tpu.memory_space<hbm>>
      %dma_start3A_20 = arith.constant 0 : i32
      %dma_start3A_21 = arith.constant 0 : i32
      %dma_start3A_22 = tpu.memref_slice %arg3[%add3A, %dma_start3A_20, %dma_start3A_21] : memref<32x125x80xi32, #tpu.memory_space<hbm>> -> memref<1x125x80xi32, #tpu.memory_space<hbm>>
      %dma_start3A_23 = tpu.memref_squeeze %dma_start3A_22 : memref<1x125x80xi32, #tpu.memory_space<hbm>> -> memref<125x80xi32, #tpu.memory_space<hbm>>
      tpu.enqueue_dma source(%dma_start3A_23 : memref<125x80xi32, #tpu.memory_space<hbm>>) target(%arg6 : memref<125x80xi32, #tpu.memory_space<vmem>>) target_semaphore(%run_scoped3A : memref<!tpu.dma_semaphore, #tpu.memory_space<semaphore_mem>>)
      %dma_wait3A = arith.constant 0 : i32
      %dma_wait3A_24 = arith.constant 0 : i32
      %dma_wait3A_25 = tpu.memref_slice %arg3[%add3A, %dma_wait3A, %dma_wait3A_24] : memref<32x125x80xi32, #tpu.memory_space<hbm>> -> memref<1x125x80xi32, #tpu.memory_space<hbm>>
      %dma_wait3A_26 = tpu.memref_squeeze %dma_wait3A_25 : memref<1x125x80xi32, #tpu.memory_space<hbm>> -> memref<125x80xi32, #tpu.memory_space<hbm>>
      %dma_wait3A_27 = arith.constant 0 : i32
      %dma_wait3A_28 = arith.constant 0 : i32
      %dma_wait3A_29 = tpu.memref_slice %arg3[%add3A, %dma_wait3A_27, %dma_wait3A_28] : memref<32x125x80xi32, #tpu.memory_space<hbm>> -> memref<1x125x80xi32, #tpu.memory_space<hbm>>
      %dma_wait3A_30 = tpu.memref_squeeze %dma_wait3A_29 : memref<1x125x80xi32, #tpu.memory_space<hbm>> -> memref<125x80xi32, #tpu.memory_space<hbm>>
      tpu.wait_dma2 semaphore(%run_scoped3A : memref<!tpu.dma_semaphore, #tpu.memory_space<semaphore_mem>>) src(%dma_wait3A_30 : memref<125x80xi32, #tpu.memory_space<hbm>>) dst(%arg6 : memref<125x80xi32, #tpu.memory_space<vmem>>)
      tpu.yield
    }) : () -> ()
    %mul3A_5 = arith.constant 10000 : i32
    %mul3A_6 = arith.muli %add3A, %mul3A_5 : i32
    %scan3A = arith.constant 0 : i32
    %scan3A_7 = arith.constant 0 : i32
    %scan3A_8 = arith.constant 125 : i32
    %scan3A_9 = arith.addi %scan3A_7, %scan3A_8 : i32
    %scan3A_10 = arith.constant 1 : i32
    scf.for %scan3A_17 = %scan3A_7 to %scan3A_9 step %scan3A_10  : i32 {
      %mul3A_18 = arith.constant 80 : i32
      %mul3A_19 = arith.muli %scan3A_17, %mul3A_18 : i32
      %add3A_20 = arith.addi %mul3A_6, %mul3A_19 : i32
      %dma_start3A = arith.constant 0 : i32
      %dma_start3A_21 = tpu.memref_slice %arg2[%add3A_20, %dma_start3A] : memref<320000x128xf32, #tpu.memory_space<hbm>> -> memref<80x128xf32, #tpu.memory_space<hbm>>
      %dma_start3A_22 = arith.constant 0 : i32
      %dma_start3A_23 = tpu.memref_slice %arg2[%add3A_20, %dma_start3A_22] : memref<320000x128xf32, #tpu.memory_space<hbm>> -> memref<80x128xf32, #tpu.memory_space<hbm>>
      tpu.enqueue_dma source(%dma_start3A_23 : memref<80x128xf32, #tpu.memory_space<hbm>>) target(%arg7 : memref<80x128xf32, #tpu.memory_space<vmem>>) target_semaphore(%arg9 : memref<!tpu.dma_semaphore, #tpu.memory_space<semaphore_mem>>)
      %dma_wait3A = arith.constant 0 : i32
      %dma_wait3A_24 = tpu.memref_slice %arg2[%add3A_20, %dma_wait3A] : memref<320000x128xf32, #tpu.memory_space<hbm>> -> memref<80x128xf32, #tpu.memory_space<hbm>>
      %dma_wait3A_25 = arith.constant 0 : i32
      %dma_wait3A_26 = tpu.memref_slice %arg2[%add3A_20, %dma_wait3A_25] : memref<320000x128xf32, #tpu.memory_space<hbm>> -> memref<80x128xf32, #tpu.memory_space<hbm>>
      tpu.wait_dma2 semaphore(%arg9 : memref<!tpu.dma_semaphore, #tpu.memory_space<semaphore_mem>>) src(%dma_wait3A_26 : memref<80x128xf32, #tpu.memory_space<hbm>>) dst(%arg7 : memref<80x128xf32, #tpu.memory_space<vmem>>)
      "tpu.region"() ({
        %run_scoped3A = tpu.sem_alloc : memref<!tpu.dma_semaphore, #tpu.memory_space<semaphore_mem>>
        %dma_start3A_27 = arith.constant 0 : i32
        %dma_start3A_28 = tpu.memref_slice %arg6[%scan3A_17, %dma_start3A_27] : memref<125x80xi32, #tpu.memory_space<vmem>> -> memref<1x80xi32, #tpu.memory_space<vmem>>
        %dma_start3A_29 = tpu.memref_squeeze %dma_start3A_28 : memref<1x80xi32, #tpu.memory_space<vmem>> -> memref<80xi32, #tpu.memory_space<vmem>>
        %dma_start3A_30 = arith.constant 0 : i32
        %dma_start3A_31 = arith.constant 0 : i32
        %dma_start3A_32 = tpu.memref_slice %arg8[%dma_start3A_30, %dma_start3A_31] : memref<10240x128xf32, #tpu.memory_space<vmem_shared>> -> memref<10240x128xf32, #tpu.memory_space<vmem_shared>>
        tpu.enqueue_indirect_dma source(%arg7 : memref<80x128xf32, #tpu.memory_space<vmem>>) target(%dma_start3A_32 : memref<10240x128xf32, #tpu.memory_space<vmem_shared>>) offsets(%dma_start3A_29 : memref<80xi32, #tpu.memory_space<vmem>>) semaphore(%run_scoped3A : memref<!tpu.dma_semaphore, #tpu.memory_space<semaphore_mem>>) {add = true}
        %dma_wait3A_33 = arith.constant 0 : i32
        %dma_wait3A_34 = tpu.memref_slice %arg6[%scan3A_17, %dma_wait3A_33] : memref<125x80xi32, #tpu.memory_space<vmem>> -> memref<1x80xi32, #tpu.memory_space<vmem>>
        %dma_wait3A_35 = tpu.memref_squeeze %dma_wait3A_34 : memref<1x80xi32, #tpu.memory_space<vmem>> -> memref<80xi32, #tpu.memory_space<vmem>>
        %dma_wait3A_36 = arith.constant 0 : i32
        %dma_wait3A_37 = arith.constant 0 : i32
        %dma_wait3A_38 = tpu.memref_slice %arg8[%dma_wait3A_36, %dma_wait3A_37] : memref<10240x128xf32, #tpu.memory_space<vmem_shared>> -> memref<10240x128xf32, #tpu.memory_space<vmem_shared>>
        tpu.wait_indirect_dma semaphore(%run_scoped3A : memref<!tpu.dma_semaphore, #tpu.memory_space<semaphore_mem>>) src(%arg7 : memref<80x128xf32, #tpu.memory_space<vmem>>) dst(%dma_wait3A_38 : memref<10240x128xf32, #tpu.memory_space<vmem_shared>>)
        tpu.yield
      }) : () -> ()
    }
    %scan3A_11 = arith.constant 125 : i32
    %barrier3A_12 = arith.constant 0 : index
    tpu.barrier barrier_id(%barrier3A_12)
    %mul3A_13 = arith.constant 640 : i32
    %mul3A_14 = arith.muli %arg1, %mul3A_13 : i32
    %mul3A_15 = arith.constant 640 : i32
    %mul3A_16 = arith.muli %arg1, %mul3A_15 : i32
    "tpu.region"() ({
      %run_scoped3A = tpu.sem_alloc : memref<!tpu.dma_semaphore, #tpu.memory_space<semaphore_mem>>
      %dma_start3A = arith.constant 0 : i32
      %dma_start3A_17 = tpu.memref_slice %arg5[%arg0, %mul3A_16, %dma_start3A] : memref<2x10240x128xf32, #tpu.memory_space<hbm>> -> memref<1x640x128xf32, #tpu.memory_space<hbm>>
      %dma_start3A_18 = tpu.memref_squeeze %dma_start3A_17 : memref<1x640x128xf32, #tpu.memory_space<hbm>> -> memref<640x128xf32, #tpu.memory_space<hbm>>
      %dma_start3A_19 = arith.constant 0 : i32
      %dma_start3A_20 = tpu.memref_slice %arg8[%mul3A_14, %dma_start3A_19] : memref<10240x128xf32, #tpu.memory_space<vmem_shared>> -> memref<640x128xf32, #tpu.memory_space<vmem_shared>>
      tpu.enqueue_dma source(%dma_start3A_20 : memref<640x128xf32, #tpu.memory_space<vmem_shared>>) target(%dma_start3A_18 : memref<640x128xf32, #tpu.memory_space<hbm>>) target_semaphore(%run_scoped3A : memref<!tpu.dma_semaphore, #tpu.memory_space<semaphore_mem>>)
      %dma_wait3A = arith.constant 0 : i32
      %dma_wait3A_21 = tpu.memref_slice %arg5[%arg0, %mul3A_16, %dma_wait3A] : memref<2x10240x128xf32, #tpu.memory_space<hbm>> -> memref<1x640x128xf32, #tpu.memory_space<hbm>>
      %dma_wait3A_22 = tpu.memref_squeeze %dma_wait3A_21 : memref<1x640x128xf32, #tpu.memory_space<hbm>> -> memref<640x128xf32, #tpu.memory_space<hbm>>
      %dma_wait3A_23 = arith.constant 0 : i32
      %dma_wait3A_24 = tpu.memref_slice %arg8[%mul3A_14, %dma_wait3A_23] : memref<10240x128xf32, #tpu.memory_space<vmem_shared>> -> memref<640x128xf32, #tpu.memory_space<vmem_shared>>
      tpu.wait_dma2 semaphore(%run_scoped3A : memref<!tpu.dma_semaphore, #tpu.memory_space<semaphore_mem>>) src(%dma_wait3A_24 : memref<640x128xf32, #tpu.memory_space<vmem_shared>>) dst(%dma_wait3A_22 : memref<640x128xf32, #tpu.memory_space<hbm>>)
      tpu.yield
    }) : () -> ()
    return
  }
}

#map = affine_map<(d0, d1) -> (0, 0)>
#map1 = affine_map<(d0, d1) -> (0, 0, 0)>
module attributes {stable_mosaic.version = 14 : i64} {
  func.func @_sc_gather(%arg0: i32, %arg1: i32, %arg2: memref<10000x128xf32, #tpu.memory_space<hbm>>, %arg3: memref<32x125x80xi32, #tpu.memory_space<hbm>>, %arg4: memref<320000x128xf32, #tpu.memory_space<hbm>>, %arg5: memref<125x80xi32, #tpu.memory_space<vmem>>, %arg6: memref<80x128xf32, #tpu.memory_space<vmem>>, %arg7: memref<!tpu.dma_semaphore, #tpu.memory_space<semaphore_mem>>) attributes {dimension_semantics = [#tpu.dimension_semantics<core_parallel>, #tpu.dimension_semantics<subcore_parallel>], iteration_bounds = array<i64: 2, 16>, scalar_prefetch = 0 : i64, scratch_operands = 3 : i64, tpu.core_type = #tpu.core_type<sc_vector_subcore>, window_params = [{transform_indices = #map}, {transform_indices = #map1}, {transform_indices = #map}]} {
    %mul3A = arith.constant 16 : i32
    %mul3A_0 = arith.muli %arg0, %mul3A : i32
    %add3A = arith.addi %mul3A_0, %arg1 : i32
    "tpu.region"() ({
      %run_scoped3A = tpu.sem_alloc : memref<!tpu.dma_semaphore, #tpu.memory_space<semaphore_mem>>
      %dma_start3A = arith.constant 0 : i32
      %dma_start3A_8 = arith.constant 0 : i32
      %dma_start3A_9 = tpu.memref_slice %arg3[%add3A, %dma_start3A, %dma_start3A_8] : memref<32x125x80xi32, #tpu.memory_space<hbm>> -> memref<1x125x80xi32, #tpu.memory_space<hbm>>
      %dma_start3A_10 = tpu.memref_squeeze %dma_start3A_9 : memref<1x125x80xi32, #tpu.memory_space<hbm>> -> memref<125x80xi32, #tpu.memory_space<hbm>>
      %dma_start3A_11 = arith.constant 0 : i32
      %dma_start3A_12 = arith.constant 0 : i32
      %dma_start3A_13 = tpu.memref_slice %arg3[%add3A, %dma_start3A_11, %dma_start3A_12] : memref<32x125x80xi32, #tpu.memory_space<hbm>> -> memref<1x125x80xi32, #tpu.memory_space<hbm>>
      %dma_start3A_14 = tpu.memref_squeeze %dma_start3A_13 : memref<1x125x80xi32, #tpu.memory_space<hbm>> -> memref<125x80xi32, #tpu.memory_space<hbm>>
      tpu.enqueue_dma source(%dma_start3A_14 : memref<125x80xi32, #tpu.memory_space<hbm>>) target(%arg5 : memref<125x80xi32, #tpu.memory_space<vmem>>) target_semaphore(%run_scoped3A : memref<!tpu.dma_semaphore, #tpu.memory_space<semaphore_mem>>)
      %dma_wait3A = arith.constant 0 : i32
      %dma_wait3A_15 = arith.constant 0 : i32
      %dma_wait3A_16 = tpu.memref_slice %arg3[%add3A, %dma_wait3A, %dma_wait3A_15] : memref<32x125x80xi32, #tpu.memory_space<hbm>> -> memref<1x125x80xi32, #tpu.memory_space<hbm>>
      %dma_wait3A_17 = tpu.memref_squeeze %dma_wait3A_16 : memref<1x125x80xi32, #tpu.memory_space<hbm>> -> memref<125x80xi32, #tpu.memory_space<hbm>>
      %dma_wait3A_18 = arith.constant 0 : i32
      %dma_wait3A_19 = arith.constant 0 : i32
      %dma_wait3A_20 = tpu.memref_slice %arg3[%add3A, %dma_wait3A_18, %dma_wait3A_19] : memref<32x125x80xi32, #tpu.memory_space<hbm>> -> memref<1x125x80xi32, #tpu.memory_space<hbm>>
      %dma_wait3A_21 = tpu.memref_squeeze %dma_wait3A_20 : memref<1x125x80xi32, #tpu.memory_space<hbm>> -> memref<125x80xi32, #tpu.memory_space<hbm>>
      tpu.wait_dma2 semaphore(%run_scoped3A : memref<!tpu.dma_semaphore, #tpu.memory_space<semaphore_mem>>) src(%dma_wait3A_21 : memref<125x80xi32, #tpu.memory_space<hbm>>) dst(%arg5 : memref<125x80xi32, #tpu.memory_space<vmem>>)
      tpu.yield
    }) : () -> ()
    %mul3A_1 = arith.constant 10000 : i32
    %mul3A_2 = arith.muli %add3A, %mul3A_1 : i32
    %scan3A = arith.constant 0 : i32
    %scan3A_3 = arith.constant 0 : i32
    %scan3A_4 = arith.constant 125 : i32
    %scan3A_5 = arith.addi %scan3A_3, %scan3A_4 : i32
    %scan3A_6 = arith.constant 1 : i32
    scf.for %scan3A_8 = %scan3A_3 to %scan3A_5 step %scan3A_6  : i32 {
      %dma_start3A = arith.constant 0 : i32
      %dma_start3A_9 = tpu.memref_slice %arg5[%scan3A_8, %dma_start3A] : memref<125x80xi32, #tpu.memory_space<vmem>> -> memref<1x80xi32, #tpu.memory_space<vmem>>
      %dma_start3A_10 = tpu.memref_squeeze %dma_start3A_9 : memref<1x80xi32, #tpu.memory_space<vmem>> -> memref<80xi32, #tpu.memory_space<vmem>>
      %dma_start3A_11 = arith.constant 0 : i32
      %dma_start3A_12 = arith.constant 0 : i32
      %dma_start3A_13 = tpu.memref_slice %arg2[%dma_start3A_11, %dma_start3A_12] : memref<10000x128xf32, #tpu.memory_space<hbm>> -> memref<10000x128xf32, #tpu.memory_space<hbm>>
      tpu.enqueue_indirect_dma source(%dma_start3A_13 : memref<10000x128xf32, #tpu.memory_space<hbm>>) target(%arg6 : memref<80x128xf32, #tpu.memory_space<vmem>>) offsets(%dma_start3A_10 : memref<80xi32, #tpu.memory_space<vmem>>) semaphore(%arg7 : memref<!tpu.dma_semaphore, #tpu.memory_space<semaphore_mem>>)
      %dma_wait3A = arith.constant 0 : i32
      %dma_wait3A_14 = tpu.memref_slice %arg5[%scan3A_8, %dma_wait3A] : memref<125x80xi32, #tpu.memory_space<vmem>> -> memref<1x80xi32, #tpu.memory_space<vmem>>
      %dma_wait3A_15 = tpu.memref_squeeze %dma_wait3A_14 : memref<1x80xi32, #tpu.memory_space<vmem>> -> memref<80xi32, #tpu.memory_space<vmem>>
      %dma_wait3A_16 = arith.constant 0 : i32
      %dma_wait3A_17 = arith.constant 0 : i32
      %dma_wait3A_18 = tpu.memref_slice %arg2[%dma_wait3A_16, %dma_wait3A_17] : memref<10000x128xf32, #tpu.memory_space<hbm>> -> memref<10000x128xf32, #tpu.memory_space<hbm>>
      tpu.wait_indirect_dma semaphore(%arg7 : memref<!tpu.dma_semaphore, #tpu.memory_space<semaphore_mem>>) src(%dma_wait3A_18 : memref<10000x128xf32, #tpu.memory_space<hbm>>) dst(%arg6 : memref<80x128xf32, #tpu.memory_space<vmem>>)
      %mul3A_19 = arith.constant 80 : i32
      %mul3A_20 = arith.muli %scan3A_8, %mul3A_19 : i32
      %add3A_21 = arith.addi %mul3A_2, %mul3A_20 : i32
      "tpu.region"() ({
        %run_scoped3A = tpu.sem_alloc : memref<!tpu.dma_semaphore, #tpu.memory_space<semaphore_mem>>
        %dma_start3A_22 = arith.constant 0 : i32
        %dma_start3A_23 = tpu.memref_slice %arg4[%add3A_21, %dma_start3A_22] : memref<320000x128xf32, #tpu.memory_space<hbm>> -> memref<80x128xf32, #tpu.memory_space<hbm>>
        %dma_start3A_24 = arith.constant 0 : i32
        %dma_start3A_25 = tpu.memref_slice %arg4[%add3A_21, %dma_start3A_24] : memref<320000x128xf32, #tpu.memory_space<hbm>> -> memref<80x128xf32, #tpu.memory_space<hbm>>
        tpu.enqueue_dma source(%arg6 : memref<80x128xf32, #tpu.memory_space<vmem>>) target(%dma_start3A_25 : memref<80x128xf32, #tpu.memory_space<hbm>>) target_semaphore(%run_scoped3A : memref<!tpu.dma_semaphore, #tpu.memory_space<semaphore_mem>>)
        %dma_wait3A_26 = arith.constant 0 : i32
        %dma_wait3A_27 = tpu.memref_slice %arg4[%add3A_21, %dma_wait3A_26] : memref<320000x128xf32, #tpu.memory_space<hbm>> -> memref<80x128xf32, #tpu.memory_space<hbm>>
        %dma_wait3A_28 = arith.constant 0 : i32
        %dma_wait3A_29 = tpu.memref_slice %arg4[%add3A_21, %dma_wait3A_28] : memref<320000x128xf32, #tpu.memory_space<hbm>> -> memref<80x128xf32, #tpu.memory_space<hbm>>
        tpu.wait_dma2 semaphore(%run_scoped3A : memref<!tpu.dma_semaphore, #tpu.memory_space<semaphore_mem>>) src(%arg6 : memref<80x128xf32, #tpu.memory_space<vmem>>) dst(%dma_wait3A_29 : memref<80x128xf32, #tpu.memory_space<hbm>>)
        tpu.yield
      }) : () -> ()
    }
    %scan3A_7 = arith.constant 125 : i32
    return
  }
}

#map = affine_map<(d0, d1) -> (0, 0, 0)>
#map1 = affine_map<(d0, d1) -> (0, 0)>
module attributes {stable_mosaic.version = 14 : i64} {
  func.func @_sc_degree(%arg0: i32, %arg1: i32, %arg2: memref<32x125x80xi32, #tpu.memory_space<hbm>>, %arg3: memref<80x128xf32, #tpu.memory_space<hbm>>, %arg4: memref<10240x128xf32, #tpu.memory_space<hbm>>, %arg5: memref<2x10240x128xf32, #tpu.memory_space<hbm>>, %arg6: memref<125x80xi32, #tpu.memory_space<vmem>>, %arg7: memref<80x128xf32, #tpu.memory_space<vmem>>, %arg8: memref<10240x128xf32, #tpu.memory_space<vmem_shared>>, %arg9: memref<!tpu.dma_semaphore, #tpu.memory_space<semaphore_mem>>) attributes {dimension_semantics = [#tpu.dimension_semantics<core_parallel>, #tpu.dimension_semantics<subcore_parallel>], iteration_bounds = array<i64: 2, 16>, scalar_prefetch = 0 : i64, scratch_operands = 4 : i64, tpu.core_type = #tpu.core_type<sc_vector_subcore>, window_params = [{transform_indices = #map}, {transform_indices = #map1}, {transform_indices = #map1}, {transform_indices = #map}]} {
    %mul3A = arith.constant 16 : i32
    %mul3A_0 = arith.muli %arg0, %mul3A : i32
    %add3A = arith.addi %mul3A_0, %arg1 : i32
    %mul3A_1 = arith.constant 640 : i32
    %mul3A_2 = arith.muli %arg1, %mul3A_1 : i32
    %mul3A_3 = arith.constant 640 : i32
    %mul3A_4 = arith.muli %arg1, %mul3A_3 : i32
    "tpu.region"() ({
      %run_scoped3A = tpu.sem_alloc : memref<!tpu.dma_semaphore, #tpu.memory_space<semaphore_mem>>
      %dma_start3A = arith.constant 0 : i32
      %dma_start3A_15 = tpu.memref_slice %arg8[%mul3A_4, %dma_start3A] : memref<10240x128xf32, #tpu.memory_space<vmem_shared>> -> memref<640x128xf32, #tpu.memory_space<vmem_shared>>
      %dma_start3A_16 = arith.constant 0 : i32
      %dma_start3A_17 = tpu.memref_slice %arg4[%mul3A_2, %dma_start3A_16] : memref<10240x128xf32, #tpu.memory_space<hbm>> -> memref<640x128xf32, #tpu.memory_space<hbm>>
      tpu.enqueue_dma source(%dma_start3A_17 : memref<640x128xf32, #tpu.memory_space<hbm>>) target(%dma_start3A_15 : memref<640x128xf32, #tpu.memory_space<vmem_shared>>) target_semaphore(%run_scoped3A : memref<!tpu.dma_semaphore, #tpu.memory_space<semaphore_mem>>)
      %dma_wait3A = arith.constant 0 : i32
      %dma_wait3A_18 = tpu.memref_slice %arg8[%mul3A_4, %dma_wait3A] : memref<10240x128xf32, #tpu.memory_space<vmem_shared>> -> memref<640x128xf32, #tpu.memory_space<vmem_shared>>
      %dma_wait3A_19 = arith.constant 0 : i32
      %dma_wait3A_20 = tpu.memref_slice %arg4[%mul3A_2, %dma_wait3A_19] : memref<10240x128xf32, #tpu.memory_space<hbm>> -> memref<640x128xf32, #tpu.memory_space<hbm>>
      tpu.wait_dma2 semaphore(%run_scoped3A : memref<!tpu.dma_semaphore, #tpu.memory_space<semaphore_mem>>) src(%dma_wait3A_20 : memref<640x128xf32, #tpu.memory_space<hbm>>) dst(%dma_wait3A_18 : memref<640x128xf32, #tpu.memory_space<vmem_shared>>)
      tpu.yield
    }) : () -> ()
    "tpu.region"() ({
      %run_scoped3A = tpu.sem_alloc : memref<!tpu.dma_semaphore, #tpu.memory_space<semaphore_mem>>
      tpu.enqueue_dma source(%arg3 : memref<80x128xf32, #tpu.memory_space<hbm>>) target(%arg7 : memref<80x128xf32, #tpu.memory_space<vmem>>) target_semaphore(%run_scoped3A : memref<!tpu.dma_semaphore, #tpu.memory_space<semaphore_mem>>)
      tpu.wait_dma2 semaphore(%run_scoped3A : memref<!tpu.dma_semaphore, #tpu.memory_space<semaphore_mem>>) src(%arg3 : memref<80x128xf32, #tpu.memory_space<hbm>>) dst(%arg7 : memref<80x128xf32, #tpu.memory_space<vmem>>)
      tpu.yield
    }) : () -> ()
    %barrier3A = arith.constant 0 : index
    tpu.barrier barrier_id(%barrier3A)
    "tpu.region"() ({
      %run_scoped3A = tpu.sem_alloc : memref<!tpu.dma_semaphore, #tpu.memory_space<semaphore_mem>>
      %dma_start3A = arith.constant 0 : i32
      %dma_start3A_15 = arith.constant 0 : i32
      %dma_start3A_16 = tpu.memref_slice %arg2[%add3A, %dma_start3A, %dma_start3A_15] : memref<32x125x80xi32, #tpu.memory_space<hbm>> -> memref<1x125x80xi32, #tpu.memory_space<hbm>>
      %dma_start3A_17 = tpu.memref_squeeze %dma_start3A_16 : memref<1x125x80xi32, #tpu.memory_space<hbm>> -> memref<125x80xi32, #tpu.memory_space<hbm>>
      %dma_start3A_18 = arith.constant 0 : i32
      %dma_start3A_19 = arith.constant 0 : i32
      %dma_start3A_20 = tpu.memref_slice %arg2[%add3A, %dma_start3A_18, %dma_start3A_19] : memref<32x125x80xi32, #tpu.memory_space<hbm>> -> memref<1x125x80xi32, #tpu.memory_space<hbm>>
      %dma_start3A_21 = tpu.memref_squeeze %dma_start3A_20 : memref<1x125x80xi32, #tpu.memory_space<hbm>> -> memref<125x80xi32, #tpu.memory_space<hbm>>
      tpu.enqueue_dma source(%dma_start3A_21 : memref<125x80xi32, #tpu.memory_space<hbm>>) target(%arg6 : memref<125x80xi32, #tpu.memory_space<vmem>>) target_semaphore(%run_scoped3A : memref<!tpu.dma_semaphore, #tpu.memory_space<semaphore_mem>>)
      %dma_wait3A = arith.constant 0 : i32
      %dma_wait3A_22 = arith.constant 0 : i32
      %dma_wait3A_23 = tpu.memref_slice %arg2[%add3A, %dma_wait3A, %dma_wait3A_22] : memref<32x125x80xi32, #tpu.memory_space<hbm>> -> memref<1x125x80xi32, #tpu.memory_space<hbm>>
      %dma_wait3A_24 = tpu.memref_squeeze %dma_wait3A_23 : memref<1x125x80xi32, #tpu.memory_space<hbm>> -> memref<125x80xi32, #tpu.memory_space<hbm>>
      %dma_wait3A_25 = arith.constant 0 : i32
      %dma_wait3A_26 = arith.constant 0 : i32
      %dma_wait3A_27 = tpu.memref_slice %arg2[%add3A, %dma_wait3A_25, %dma_wait3A_26] : memref<32x125x80xi32, #tpu.memory_space<hbm>> -> memref<1x125x80xi32, #tpu.memory_space<hbm>>
      %dma_wait3A_28 = tpu.memref_squeeze %dma_wait3A_27 : memref<1x125x80xi32, #tpu.memory_space<hbm>> -> memref<125x80xi32, #tpu.memory_space<hbm>>
      tpu.wait_dma2 semaphore(%run_scoped3A : memref<!tpu.dma_semaphore, #tpu.memory_space<semaphore_mem>>) src(%dma_wait3A_28 : memref<125x80xi32, #tpu.memory_space<hbm>>) dst(%arg6 : memref<125x80xi32, #tpu.memory_space<vmem>>)
      tpu.yield
    }) : () -> ()
    %scan3A = arith.constant 0 : i32
    %scan3A_5 = arith.constant 0 : i32
    %scan3A_6 = arith.constant 125 : i32
    %scan3A_7 = arith.addi %scan3A_5, %scan3A_6 : i32
    %scan3A_8 = arith.constant 1 : i32
    scf.for %scan3A_15 = %scan3A_5 to %scan3A_7 step %scan3A_8  : i32 {
      "tpu.region"() ({
        %run_scoped3A = tpu.sem_alloc : memref<!tpu.dma_semaphore, #tpu.memory_space<semaphore_mem>>
        %dma_start3A = arith.constant 0 : i32
        %dma_start3A_16 = tpu.memref_slice %arg6[%scan3A_15, %dma_start3A] : memref<125x80xi32, #tpu.memory_space<vmem>> -> memref<1x80xi32, #tpu.memory_space<vmem>>
        %dma_start3A_17 = tpu.memref_squeeze %dma_start3A_16 : memref<1x80xi32, #tpu.memory_space<vmem>> -> memref<80xi32, #tpu.memory_space<vmem>>
        %dma_start3A_18 = arith.constant 0 : i32
        %dma_start3A_19 = arith.constant 0 : i32
        %dma_start3A_20 = tpu.memref_slice %arg8[%dma_start3A_18, %dma_start3A_19] : memref<10240x128xf32, #tpu.memory_space<vmem_shared>> -> memref<10240x128xf32, #tpu.memory_space<vmem_shared>>
        tpu.enqueue_indirect_dma source(%arg7 : memref<80x128xf32, #tpu.memory_space<vmem>>) target(%dma_start3A_20 : memref<10240x128xf32, #tpu.memory_space<vmem_shared>>) offsets(%dma_start3A_17 : memref<80xi32, #tpu.memory_space<vmem>>) semaphore(%run_scoped3A : memref<!tpu.dma_semaphore, #tpu.memory_space<semaphore_mem>>) {add = true}
        %dma_wait3A = arith.constant 0 : i32
        %dma_wait3A_21 = tpu.memref_slice %arg6[%scan3A_15, %dma_wait3A] : memref<125x80xi32, #tpu.memory_space<vmem>> -> memref<1x80xi32, #tpu.memory_space<vmem>>
        %dma_wait3A_22 = tpu.memref_squeeze %dma_wait3A_21 : memref<1x80xi32, #tpu.memory_space<vmem>> -> memref<80xi32, #tpu.memory_space<vmem>>
        %dma_wait3A_23 = arith.constant 0 : i32
        %dma_wait3A_24 = arith.constant 0 : i32
        %dma_wait3A_25 = tpu.memref_slice %arg8[%dma_wait3A_23, %dma_wait3A_24] : memref<10240x128xf32, #tpu.memory_space<vmem_shared>> -> memref<10240x128xf32, #tpu.memory_space<vmem_shared>>
        tpu.wait_indirect_dma semaphore(%run_scoped3A : memref<!tpu.dma_semaphore, #tpu.memory_space<semaphore_mem>>) src(%arg7 : memref<80x128xf32, #tpu.memory_space<vmem>>) dst(%dma_wait3A_25 : memref<10240x128xf32, #tpu.memory_space<vmem_shared>>)
        tpu.yield
      }) : () -> ()
    }
    %scan3A_9 = arith.constant 125 : i32
    %barrier3A_10 = arith.constant 0 : index
    tpu.barrier barrier_id(%barrier3A_10)
    %mul3A_11 = arith.constant 640 : i32
    %mul3A_12 = arith.muli %arg1, %mul3A_11 : i32
    %mul3A_13 = arith.constant 640 : i32
    %mul3A_14 = arith.muli %arg1, %mul3A_13 : i32
    "tpu.region"() ({
      %run_scoped3A = tpu.sem_alloc : memref<!tpu.dma_semaphore, #tpu.memory_space<semaphore_mem>>
      %dma_start3A = arith.constant 0 : i32
      %dma_start3A_15 = tpu.memref_slice %arg5[%arg0, %mul3A_14, %dma_start3A] : memref<2x10240x128xf32, #tpu.memory_space<hbm>> -> memref<1x640x128xf32, #tpu.memory_space<hbm>>
      %dma_start3A_16 = tpu.memref_squeeze %dma_start3A_15 : memref<1x640x128xf32, #tpu.memory_space<hbm>> -> memref<640x128xf32, #tpu.memory_space<hbm>>
      %dma_start3A_17 = arith.constant 0 : i32
      %dma_start3A_18 = tpu.memref_slice %arg8[%mul3A_12, %dma_start3A_17] : memref<10240x128xf32, #tpu.memory_space<vmem_shared>> -> memref<640x128xf32, #tpu.memory_space<vmem_shared>>
      tpu.enqueue_dma source(%dma_start3A_18 : memref<640x128xf32, #tpu.memory_space<vmem_shared>>) target(%dma_start3A_16 : memref<640x128xf32, #tpu.memory_space<hbm>>) target_semaphore(%run_scoped3A : memref<!tpu.dma_semaphore, #tpu.memory_space<semaphore_mem>>)
      %dma_wait3A = arith.constant 0 : i32
      %dma_wait3A_19 = tpu.memref_slice %arg5[%arg0, %mul3A_14, %dma_wait3A] : memref<2x10240x128xf32, #tpu.memory_space<hbm>> -> memref<1x640x128xf32, #tpu.memory_space<hbm>>
      %dma_wait3A_20 = tpu.memref_squeeze %dma_wait3A_19 : memref<1x640x128xf32, #tpu.memory_space<hbm>> -> memref<640x128xf32, #tpu.memory_space<hbm>>
      %dma_wait3A_21 = arith.constant 0 : i32
      %dma_wait3A_22 = tpu.memref_slice %arg8[%mul3A_12, %dma_wait3A_21] : memref<10240x128xf32, #tpu.memory_space<vmem_shared>> -> memref<640x128xf32, #tpu.memory_space<vmem_shared>>
      tpu.wait_dma2 semaphore(%run_scoped3A : memref<!tpu.dma_semaphore, #tpu.memory_space<semaphore_mem>>) src(%dma_wait3A_22 : memref<640x128xf32, #tpu.memory_space<vmem_shared>>) dst(%dma_wait3A_20 : memref<640x128xf32, #tpu.memory_space<hbm>>)
      tpu.yield
    }) : () -> ()
    return
  }
}

#map = affine_map<(d0, d1) -> (0, 0)>
#map1 = affine_map<(d0, d1) -> (0, 0, 0)>
module attributes {stable_mosaic.version = 14 : i64} {
  func.func @_sc_gather(%arg0: i32, %arg1: i32, %arg2: memref<10000x128xf32, #tpu.memory_space<hbm>>, %arg3: memref<32x125x80xi32, #tpu.memory_space<hbm>>, %arg4: memref<320000x128xf32, #tpu.memory_space<hbm>>, %arg5: memref<125x80xi32, #tpu.memory_space<vmem>>, %arg6: memref<80x128xf32, #tpu.memory_space<vmem>>, %arg7: memref<!tpu.dma_semaphore, #tpu.memory_space<semaphore_mem>>) attributes {dimension_semantics = [#tpu.dimension_semantics<core_parallel>, #tpu.dimension_semantics<subcore_parallel>], iteration_bounds = array<i64: 2, 16>, scalar_prefetch = 0 : i64, scratch_operands = 3 : i64, tpu.core_type = #tpu.core_type<sc_vector_subcore>, window_params = [{transform_indices = #map}, {transform_indices = #map1}, {transform_indices = #map}]} {
    %mul3A = arith.constant 16 : i32
    %mul3A_0 = arith.muli %arg0, %mul3A : i32
    %add3A = arith.addi %mul3A_0, %arg1 : i32
    "tpu.region"() ({
      %run_scoped3A = tpu.sem_alloc : memref<!tpu.dma_semaphore, #tpu.memory_space<semaphore_mem>>
      %dma_start3A = arith.constant 0 : i32
      %dma_start3A_8 = arith.constant 0 : i32
      %dma_start3A_9 = tpu.memref_slice %arg3[%add3A, %dma_start3A, %dma_start3A_8] : memref<32x125x80xi32, #tpu.memory_space<hbm>> -> memref<1x125x80xi32, #tpu.memory_space<hbm>>
      %dma_start3A_10 = tpu.memref_squeeze %dma_start3A_9 : memref<1x125x80xi32, #tpu.memory_space<hbm>> -> memref<125x80xi32, #tpu.memory_space<hbm>>
      %dma_start3A_11 = arith.constant 0 : i32
      %dma_start3A_12 = arith.constant 0 : i32
      %dma_start3A_13 = tpu.memref_slice %arg3[%add3A, %dma_start3A_11, %dma_start3A_12] : memref<32x125x80xi32, #tpu.memory_space<hbm>> -> memref<1x125x80xi32, #tpu.memory_space<hbm>>
      %dma_start3A_14 = tpu.memref_squeeze %dma_start3A_13 : memref<1x125x80xi32, #tpu.memory_space<hbm>> -> memref<125x80xi32, #tpu.memory_space<hbm>>
      tpu.enqueue_dma source(%dma_start3A_14 : memref<125x80xi32, #tpu.memory_space<hbm>>) target(%arg5 : memref<125x80xi32, #tpu.memory_space<vmem>>) target_semaphore(%run_scoped3A : memref<!tpu.dma_semaphore, #tpu.memory_space<semaphore_mem>>)
      %dma_wait3A = arith.constant 0 : i32
      %dma_wait3A_15 = arith.constant 0 : i32
      %dma_wait3A_16 = tpu.memref_slice %arg3[%add3A, %dma_wait3A, %dma_wait3A_15] : memref<32x125x80xi32, #tpu.memory_space<hbm>> -> memref<1x125x80xi32, #tpu.memory_space<hbm>>
      %dma_wait3A_17 = tpu.memref_squeeze %dma_wait3A_16 : memref<1x125x80xi32, #tpu.memory_space<hbm>> -> memref<125x80xi32, #tpu.memory_space<hbm>>
      %dma_wait3A_18 = arith.constant 0 : i32
      %dma_wait3A_19 = arith.constant 0 : i32
      %dma_wait3A_20 = tpu.memref_slice %arg3[%add3A, %dma_wait3A_18, %dma_wait3A_19] : memref<32x125x80xi32, #tpu.memory_space<hbm>> -> memref<1x125x80xi32, #tpu.memory_space<hbm>>
      %dma_wait3A_21 = tpu.memref_squeeze %dma_wait3A_20 : memref<1x125x80xi32, #tpu.memory_space<hbm>> -> memref<125x80xi32, #tpu.memory_space<hbm>>
      tpu.wait_dma2 semaphore(%run_scoped3A : memref<!tpu.dma_semaphore, #tpu.memory_space<semaphore_mem>>) src(%dma_wait3A_21 : memref<125x80xi32, #tpu.memory_space<hbm>>) dst(%arg5 : memref<125x80xi32, #tpu.memory_space<vmem>>)
      tpu.yield
    }) : () -> ()
    %mul3A_1 = arith.constant 10000 : i32
    %mul3A_2 = arith.muli %add3A, %mul3A_1 : i32
    %scan3A = arith.constant 0 : i32
    %scan3A_3 = arith.constant 0 : i32
    %scan3A_4 = arith.constant 125 : i32
    %scan3A_5 = arith.addi %scan3A_3, %scan3A_4 : i32
    %scan3A_6 = arith.constant 1 : i32
    scf.for %scan3A_8 = %scan3A_3 to %scan3A_5 step %scan3A_6  : i32 {
      %dma_start3A = arith.constant 0 : i32
      %dma_start3A_9 = tpu.memref_slice %arg5[%scan3A_8, %dma_start3A] : memref<125x80xi32, #tpu.memory_space<vmem>> -> memref<1x80xi32, #tpu.memory_space<vmem>>
      %dma_start3A_10 = tpu.memref_squeeze %dma_start3A_9 : memref<1x80xi32, #tpu.memory_space<vmem>> -> memref<80xi32, #tpu.memory_space<vmem>>
      %dma_start3A_11 = arith.constant 0 : i32
      %dma_start3A_12 = arith.constant 0 : i32
      %dma_start3A_13 = tpu.memref_slice %arg2[%dma_start3A_11, %dma_start3A_12] : memref<10000x128xf32, #tpu.memory_space<hbm>> -> memref<10000x128xf32, #tpu.memory_space<hbm>>
      tpu.enqueue_indirect_dma source(%dma_start3A_13 : memref<10000x128xf32, #tpu.memory_space<hbm>>) target(%arg6 : memref<80x128xf32, #tpu.memory_space<vmem>>) offsets(%dma_start3A_10 : memref<80xi32, #tpu.memory_space<vmem>>) semaphore(%arg7 : memref<!tpu.dma_semaphore, #tpu.memory_space<semaphore_mem>>)
      %dma_wait3A = arith.constant 0 : i32
      %dma_wait3A_14 = tpu.memref_slice %arg5[%scan3A_8, %dma_wait3A] : memref<125x80xi32, #tpu.memory_space<vmem>> -> memref<1x80xi32, #tpu.memory_space<vmem>>
      %dma_wait3A_15 = tpu.memref_squeeze %dma_wait3A_14 : memref<1x80xi32, #tpu.memory_space<vmem>> -> memref<80xi32, #tpu.memory_space<vmem>>
      %dma_wait3A_16 = arith.constant 0 : i32
      %dma_wait3A_17 = arith.constant 0 : i32
      %dma_wait3A_18 = tpu.memref_slice %arg2[%dma_wait3A_16, %dma_wait3A_17] : memref<10000x128xf32, #tpu.memory_space<hbm>> -> memref<10000x128xf32, #tpu.memory_space<hbm>>
      tpu.wait_indirect_dma semaphore(%arg7 : memref<!tpu.dma_semaphore, #tpu.memory_space<semaphore_mem>>) src(%dma_wait3A_18 : memref<10000x128xf32, #tpu.memory_space<hbm>>) dst(%arg6 : memref<80x128xf32, #tpu.memory_space<vmem>>)
      %mul3A_19 = arith.constant 80 : i32
      %mul3A_20 = arith.muli %scan3A_8, %mul3A_19 : i32
      %add3A_21 = arith.addi %mul3A_2, %mul3A_20 : i32
      "tpu.region"() ({
        %run_scoped3A = tpu.sem_alloc : memref<!tpu.dma_semaphore, #tpu.memory_space<semaphore_mem>>
        %dma_start3A_22 = arith.constant 0 : i32
        %dma_start3A_23 = tpu.memref_slice %arg4[%add3A_21, %dma_start3A_22] : memref<320000x128xf32, #tpu.memory_space<hbm>> -> memref<80x128xf32, #tpu.memory_space<hbm>>
        %dma_start3A_24 = arith.constant 0 : i32
        %dma_start3A_25 = tpu.memref_slice %arg4[%add3A_21, %dma_start3A_24] : memref<320000x128xf32, #tpu.memory_space<hbm>> -> memref<80x128xf32, #tpu.memory_space<hbm>>
        tpu.enqueue_dma source(%arg6 : memref<80x128xf32, #tpu.memory_space<vmem>>) target(%dma_start3A_25 : memref<80x128xf32, #tpu.memory_space<hbm>>) target_semaphore(%run_scoped3A : memref<!tpu.dma_semaphore, #tpu.memory_space<semaphore_mem>>)
        %dma_wait3A_26 = arith.constant 0 : i32
        %dma_wait3A_27 = tpu.memref_slice %arg4[%add3A_21, %dma_wait3A_26] : memref<320000x128xf32, #tpu.memory_space<hbm>> -> memref<80x128xf32, #tpu.memory_space<hbm>>
        %dma_wait3A_28 = arith.constant 0 : i32
        %dma_wait3A_29 = tpu.memref_slice %arg4[%add3A_21, %dma_wait3A_28] : memref<320000x128xf32, #tpu.memory_space<hbm>> -> memref<80x128xf32, #tpu.memory_space<hbm>>
        tpu.wait_dma2 semaphore(%run_scoped3A : memref<!tpu.dma_semaphore, #tpu.memory_space<semaphore_mem>>) src(%arg6 : memref<80x128xf32, #tpu.memory_space<vmem>>) dst(%dma_wait3A_29 : memref<80x128xf32, #tpu.memory_space<hbm>>)
        tpu.yield
      }) : () -> ()
    }
    %scan3A_7 = arith.constant 125 : i32
    return
  }
}

#map = affine_map<(d0, d1) -> (0, 0)>
#map1 = affine_map<(d0, d1) -> (0, 0, 0)>
module attributes {stable_mosaic.version = 14 : i64} {
  func.func @_sc_scatter(%arg0: i32, %arg1: i32, %arg2: memref<320000x128xf32, #tpu.memory_space<hbm>>, %arg3: memref<32x125x80xi32, #tpu.memory_space<hbm>>, %arg4: memref<10240x128xf32, #tpu.memory_space<hbm>>, %arg5: memref<2x10240x128xf32, #tpu.memory_space<hbm>>, %arg6: memref<125x80xi32, #tpu.memory_space<vmem>>, %arg7: memref<80x128xf32, #tpu.memory_space<vmem>>, %arg8: memref<10240x128xf32, #tpu.memory_space<vmem_shared>>, %arg9: memref<!tpu.dma_semaphore, #tpu.memory_space<semaphore_mem>>) attributes {dimension_semantics = [#tpu.dimension_semantics<core_parallel>, #tpu.dimension_semantics<subcore_parallel>], iteration_bounds = array<i64: 2, 16>, scalar_prefetch = 0 : i64, scratch_operands = 4 : i64, tpu.core_type = #tpu.core_type<sc_vector_subcore>, window_params = [{transform_indices = #map}, {transform_indices = #map1}, {transform_indices = #map}, {transform_indices = #map1}]} {
    %mul3A = arith.constant 16 : i32
    %mul3A_0 = arith.muli %arg0, %mul3A : i32
    %add3A = arith.addi %mul3A_0, %arg1 : i32
    %mul3A_1 = arith.constant 640 : i32
    %mul3A_2 = arith.muli %arg1, %mul3A_1 : i32
    %mul3A_3 = arith.constant 640 : i32
    %mul3A_4 = arith.muli %arg1, %mul3A_3 : i32
    "tpu.region"() ({
      %run_scoped3A = tpu.sem_alloc : memref<!tpu.dma_semaphore, #tpu.memory_space<semaphore_mem>>
      %dma_start3A = arith.constant 0 : i32
      %dma_start3A_17 = tpu.memref_slice %arg8[%mul3A_4, %dma_start3A] : memref<10240x128xf32, #tpu.memory_space<vmem_shared>> -> memref<640x128xf32, #tpu.memory_space<vmem_shared>>
      %dma_start3A_18 = arith.constant 0 : i32
      %dma_start3A_19 = tpu.memref_slice %arg4[%mul3A_2, %dma_start3A_18] : memref<10240x128xf32, #tpu.memory_space<hbm>> -> memref<640x128xf32, #tpu.memory_space<hbm>>
      tpu.enqueue_dma source(%dma_start3A_19 : memref<640x128xf32, #tpu.memory_space<hbm>>) target(%dma_start3A_17 : memref<640x128xf32, #tpu.memory_space<vmem_shared>>) target_semaphore(%run_scoped3A : memref<!tpu.dma_semaphore, #tpu.memory_space<semaphore_mem>>)
      %dma_wait3A = arith.constant 0 : i32
      %dma_wait3A_20 = tpu.memref_slice %arg8[%mul3A_4, %dma_wait3A] : memref<10240x128xf32, #tpu.memory_space<vmem_shared>> -> memref<640x128xf32, #tpu.memory_space<vmem_shared>>
      %dma_wait3A_21 = arith.constant 0 : i32
      %dma_wait3A_22 = tpu.memref_slice %arg4[%mul3A_2, %dma_wait3A_21] : memref<10240x128xf32, #tpu.memory_space<hbm>> -> memref<640x128xf32, #tpu.memory_space<hbm>>
      tpu.wait_dma2 semaphore(%run_scoped3A : memref<!tpu.dma_semaphore, #tpu.memory_space<semaphore_mem>>) src(%dma_wait3A_22 : memref<640x128xf32, #tpu.memory_space<hbm>>) dst(%dma_wait3A_20 : memref<640x128xf32, #tpu.memory_space<vmem_shared>>)
      tpu.yield
    }) : () -> ()
    %barrier3A = arith.constant 0 : index
    tpu.barrier barrier_id(%barrier3A)
    "tpu.region"() ({
      %run_scoped3A = tpu.sem_alloc : memref<!tpu.dma_semaphore, #tpu.memory_space<semaphore_mem>>
      %dma_start3A = arith.constant 0 : i32
      %dma_start3A_17 = arith.constant 0 : i32
      %dma_start3A_18 = tpu.memref_slice %arg3[%add3A, %dma_start3A, %dma_start3A_17] : memref<32x125x80xi32, #tpu.memory_space<hbm>> -> memref<1x125x80xi32, #tpu.memory_space<hbm>>
      %dma_start3A_19 = tpu.memref_squeeze %dma_start3A_18 : memref<1x125x80xi32, #tpu.memory_space<hbm>> -> memref<125x80xi32, #tpu.memory_space<hbm>>
      %dma_start3A_20 = arith.constant 0 : i32
      %dma_start3A_21 = arith.constant 0 : i32
      %dma_start3A_22 = tpu.memref_slice %arg3[%add3A, %dma_start3A_20, %dma_start3A_21] : memref<32x125x80xi32, #tpu.memory_space<hbm>> -> memref<1x125x80xi32, #tpu.memory_space<hbm>>
      %dma_start3A_23 = tpu.memref_squeeze %dma_start3A_22 : memref<1x125x80xi32, #tpu.memory_space<hbm>> -> memref<125x80xi32, #tpu.memory_space<hbm>>
      tpu.enqueue_dma source(%dma_start3A_23 : memref<125x80xi32, #tpu.memory_space<hbm>>) target(%arg6 : memref<125x80xi32, #tpu.memory_space<vmem>>) target_semaphore(%run_scoped3A : memref<!tpu.dma_semaphore, #tpu.memory_space<semaphore_mem>>)
      %dma_wait3A = arith.constant 0 : i32
      %dma_wait3A_24 = arith.constant 0 : i32
      %dma_wait3A_25 = tpu.memref_slice %arg3[%add3A, %dma_wait3A, %dma_wait3A_24] : memref<32x125x80xi32, #tpu.memory_space<hbm>> -> memref<1x125x80xi32, #tpu.memory_space<hbm>>
      %dma_wait3A_26 = tpu.memref_squeeze %dma_wait3A_25 : memref<1x125x80xi32, #tpu.memory_space<hbm>> -> memref<125x80xi32, #tpu.memory_space<hbm>>
      %dma_wait3A_27 = arith.constant 0 : i32
      %dma_wait3A_28 = arith.constant 0 : i32
      %dma_wait3A_29 = tpu.memref_slice %arg3[%add3A, %dma_wait3A_27, %dma_wait3A_28] : memref<32x125x80xi32, #tpu.memory_space<hbm>> -> memref<1x125x80xi32, #tpu.memory_space<hbm>>
      %dma_wait3A_30 = tpu.memref_squeeze %dma_wait3A_29 : memref<1x125x80xi32, #tpu.memory_space<hbm>> -> memref<125x80xi32, #tpu.memory_space<hbm>>
      tpu.wait_dma2 semaphore(%run_scoped3A : memref<!tpu.dma_semaphore, #tpu.memory_space<semaphore_mem>>) src(%dma_wait3A_30 : memref<125x80xi32, #tpu.memory_space<hbm>>) dst(%arg6 : memref<125x80xi32, #tpu.memory_space<vmem>>)
      tpu.yield
    }) : () -> ()
    %mul3A_5 = arith.constant 10000 : i32
    %mul3A_6 = arith.muli %add3A, %mul3A_5 : i32
    %scan3A = arith.constant 0 : i32
    %scan3A_7 = arith.constant 0 : i32
    %scan3A_8 = arith.constant 125 : i32
    %scan3A_9 = arith.addi %scan3A_7, %scan3A_8 : i32
    %scan3A_10 = arith.constant 1 : i32
    scf.for %scan3A_17 = %scan3A_7 to %scan3A_9 step %scan3A_10  : i32 {
      %mul3A_18 = arith.constant 80 : i32
      %mul3A_19 = arith.muli %scan3A_17, %mul3A_18 : i32
      %add3A_20 = arith.addi %mul3A_6, %mul3A_19 : i32
      %dma_start3A = arith.constant 0 : i32
      %dma_start3A_21 = tpu.memref_slice %arg2[%add3A_20, %dma_start3A] : memref<320000x128xf32, #tpu.memory_space<hbm>> -> memref<80x128xf32, #tpu.memory_space<hbm>>
      %dma_start3A_22 = arith.constant 0 : i32
      %dma_start3A_23 = tpu.memref_slice %arg2[%add3A_20, %dma_start3A_22] : memref<320000x128xf32, #tpu.memory_space<hbm>> -> memref<80x128xf32, #tpu.memory_space<hbm>>
      tpu.enqueue_dma source(%dma_start3A_23 : memref<80x128xf32, #tpu.memory_space<hbm>>) target(%arg7 : memref<80x128xf32, #tpu.memory_space<vmem>>) target_semaphore(%arg9 : memref<!tpu.dma_semaphore, #tpu.memory_space<semaphore_mem>>)
      %dma_wait3A = arith.constant 0 : i32
      %dma_wait3A_24 = tpu.memref_slice %arg2[%add3A_20, %dma_wait3A] : memref<320000x128xf32, #tpu.memory_space<hbm>> -> memref<80x128xf32, #tpu.memory_space<hbm>>
      %dma_wait3A_25 = arith.constant 0 : i32
      %dma_wait3A_26 = tpu.memref_slice %arg2[%add3A_20, %dma_wait3A_25] : memref<320000x128xf32, #tpu.memory_space<hbm>> -> memref<80x128xf32, #tpu.memory_space<hbm>>
      tpu.wait_dma2 semaphore(%arg9 : memref<!tpu.dma_semaphore, #tpu.memory_space<semaphore_mem>>) src(%dma_wait3A_26 : memref<80x128xf32, #tpu.memory_space<hbm>>) dst(%arg7 : memref<80x128xf32, #tpu.memory_space<vmem>>)
      "tpu.region"() ({
        %run_scoped3A = tpu.sem_alloc : memref<!tpu.dma_semaphore, #tpu.memory_space<semaphore_mem>>
        %dma_start3A_27 = arith.constant 0 : i32
        %dma_start3A_28 = tpu.memref_slice %arg6[%scan3A_17, %dma_start3A_27] : memref<125x80xi32, #tpu.memory_space<vmem>> -> memref<1x80xi32, #tpu.memory_space<vmem>>
        %dma_start3A_29 = tpu.memref_squeeze %dma_start3A_28 : memref<1x80xi32, #tpu.memory_space<vmem>> -> memref<80xi32, #tpu.memory_space<vmem>>
        %dma_start3A_30 = arith.constant 0 : i32
        %dma_start3A_31 = arith.constant 0 : i32
        %dma_start3A_32 = tpu.memref_slice %arg8[%dma_start3A_30, %dma_start3A_31] : memref<10240x128xf32, #tpu.memory_space<vmem_shared>> -> memref<10240x128xf32, #tpu.memory_space<vmem_shared>>
        tpu.enqueue_indirect_dma source(%arg7 : memref<80x128xf32, #tpu.memory_space<vmem>>) target(%dma_start3A_32 : memref<10240x128xf32, #tpu.memory_space<vmem_shared>>) offsets(%dma_start3A_29 : memref<80xi32, #tpu.memory_space<vmem>>) semaphore(%run_scoped3A : memref<!tpu.dma_semaphore, #tpu.memory_space<semaphore_mem>>) {add = true}
        %dma_wait3A_33 = arith.constant 0 : i32
        %dma_wait3A_34 = tpu.memref_slice %arg6[%scan3A_17, %dma_wait3A_33] : memref<125x80xi32, #tpu.memory_space<vmem>> -> memref<1x80xi32, #tpu.memory_space<vmem>>
        %dma_wait3A_35 = tpu.memref_squeeze %dma_wait3A_34 : memref<1x80xi32, #tpu.memory_space<vmem>> -> memref<80xi32, #tpu.memory_space<vmem>>
        %dma_wait3A_36 = arith.constant 0 : i32
        %dma_wait3A_37 = arith.constant 0 : i32
        %dma_wait3A_38 = tpu.memref_slice %arg8[%dma_wait3A_36, %dma_wait3A_37] : memref<10240x128xf32, #tpu.memory_space<vmem_shared>> -> memref<10240x128xf32, #tpu.memory_space<vmem_shared>>
        tpu.wait_indirect_dma semaphore(%run_scoped3A : memref<!tpu.dma_semaphore, #tpu.memory_space<semaphore_mem>>) src(%arg7 : memref<80x128xf32, #tpu.memory_space<vmem>>) dst(%dma_wait3A_38 : memref<10240x128xf32, #tpu.memory_space<vmem_shared>>)
        tpu.yield
      }) : () -> ()
    }
    %scan3A_11 = arith.constant 125 : i32
    %barrier3A_12 = arith.constant 0 : index
    tpu.barrier barrier_id(%barrier3A_12)
    %mul3A_13 = arith.constant 640 : i32
    %mul3A_14 = arith.muli %arg1, %mul3A_13 : i32
    %mul3A_15 = arith.constant 640 : i32
    %mul3A_16 = arith.muli %arg1, %mul3A_15 : i32
    "tpu.region"() ({
      %run_scoped3A = tpu.sem_alloc : memref<!tpu.dma_semaphore, #tpu.memory_space<semaphore_mem>>
      %dma_start3A = arith.constant 0 : i32
      %dma_start3A_17 = tpu.memref_slice %arg5[%arg0, %mul3A_16, %dma_start3A] : memref<2x10240x128xf32, #tpu.memory_space<hbm>> -> memref<1x640x128xf32, #tpu.memory_space<hbm>>
      %dma_start3A_18 = tpu.memref_squeeze %dma_start3A_17 : memref<1x640x128xf32, #tpu.memory_space<hbm>> -> memref<640x128xf32, #tpu.memory_space<hbm>>
      %dma_start3A_19 = arith.constant 0 : i32
      %dma_start3A_20 = tpu.memref_slice %arg8[%mul3A_14, %dma_start3A_19] : memref<10240x128xf32, #tpu.memory_space<vmem_shared>> -> memref<640x128xf32, #tpu.memory_space<vmem_shared>>
      tpu.enqueue_dma source(%dma_start3A_20 : memref<640x128xf32, #tpu.memory_space<vmem_shared>>) target(%dma_start3A_18 : memref<640x128xf32, #tpu.memory_space<hbm>>) target_semaphore(%run_scoped3A : memref<!tpu.dma_semaphore, #tpu.memory_space<semaphore_mem>>)
      %dma_wait3A = arith.constant 0 : i32
      %dma_wait3A_21 = tpu.memref_slice %arg5[%arg0, %mul3A_16, %dma_wait3A] : memref<2x10240x128xf32, #tpu.memory_space<hbm>> -> memref<1x640x128xf32, #tpu.memory_space<hbm>>
      %dma_wait3A_22 = tpu.memref_squeeze %dma_wait3A_21 : memref<1x640x128xf32, #tpu.memory_space<hbm>> -> memref<640x128xf32, #tpu.memory_space<hbm>>
      %dma_wait3A_23 = arith.constant 0 : i32
      %dma_wait3A_24 = tpu.memref_slice %arg8[%mul3A_14, %dma_wait3A_23] : memref<10240x128xf32, #tpu.memory_space<vmem_shared>> -> memref<640x128xf32, #tpu.memory_space<vmem_shared>>
      tpu.wait_dma2 semaphore(%run_scoped3A : memref<!tpu.dma_semaphore, #tpu.memory_space<semaphore_mem>>) src(%dma_wait3A_24 : memref<640x128xf32, #tpu.memory_space<vmem_shared>>) dst(%dma_wait3A_22 : memref<640x128xf32, #tpu.memory_space<hbm>>)
      tpu.yield
    }) : () -> ()
    return
  }
}

#map = affine_map<(d0, d1) -> (0, 0)>
#map1 = affine_map<(d0, d1) -> (0, 0, 0)>
module attributes {stable_mosaic.version = 14 : i64} {
  func.func @_sc_gather(%arg0: i32, %arg1: i32, %arg2: memref<10000x128xf32, #tpu.memory_space<hbm>>, %arg3: memref<32x125x80xi32, #tpu.memory_space<hbm>>, %arg4: memref<320000x128xf32, #tpu.memory_space<hbm>>, %arg5: memref<125x80xi32, #tpu.memory_space<vmem>>, %arg6: memref<80x128xf32, #tpu.memory_space<vmem>>, %arg7: memref<!tpu.dma_semaphore, #tpu.memory_space<semaphore_mem>>) attributes {dimension_semantics = [#tpu.dimension_semantics<core_parallel>, #tpu.dimension_semantics<subcore_parallel>], iteration_bounds = array<i64: 2, 16>, scalar_prefetch = 0 : i64, scratch_operands = 3 : i64, tpu.core_type = #tpu.core_type<sc_vector_subcore>, window_params = [{transform_indices = #map}, {transform_indices = #map1}, {transform_indices = #map}]} {
    %mul3A = arith.constant 16 : i32
    %mul3A_0 = arith.muli %arg0, %mul3A : i32
    %add3A = arith.addi %mul3A_0, %arg1 : i32
    "tpu.region"() ({
      %run_scoped3A = tpu.sem_alloc : memref<!tpu.dma_semaphore, #tpu.memory_space<semaphore_mem>>
      %dma_start3A = arith.constant 0 : i32
      %dma_start3A_8 = arith.constant 0 : i32
      %dma_start3A_9 = tpu.memref_slice %arg3[%add3A, %dma_start3A, %dma_start3A_8] : memref<32x125x80xi32, #tpu.memory_space<hbm>> -> memref<1x125x80xi32, #tpu.memory_space<hbm>>
      %dma_start3A_10 = tpu.memref_squeeze %dma_start3A_9 : memref<1x125x80xi32, #tpu.memory_space<hbm>> -> memref<125x80xi32, #tpu.memory_space<hbm>>
      %dma_start3A_11 = arith.constant 0 : i32
      %dma_start3A_12 = arith.constant 0 : i32
      %dma_start3A_13 = tpu.memref_slice %arg3[%add3A, %dma_start3A_11, %dma_start3A_12] : memref<32x125x80xi32, #tpu.memory_space<hbm>> -> memref<1x125x80xi32, #tpu.memory_space<hbm>>
      %dma_start3A_14 = tpu.memref_squeeze %dma_start3A_13 : memref<1x125x80xi32, #tpu.memory_space<hbm>> -> memref<125x80xi32, #tpu.memory_space<hbm>>
      tpu.enqueue_dma source(%dma_start3A_14 : memref<125x80xi32, #tpu.memory_space<hbm>>) target(%arg5 : memref<125x80xi32, #tpu.memory_space<vmem>>) target_semaphore(%run_scoped3A : memref<!tpu.dma_semaphore, #tpu.memory_space<semaphore_mem>>)
      %dma_wait3A = arith.constant 0 : i32
      %dma_wait3A_15 = arith.constant 0 : i32
      %dma_wait3A_16 = tpu.memref_slice %arg3[%add3A, %dma_wait3A, %dma_wait3A_15] : memref<32x125x80xi32, #tpu.memory_space<hbm>> -> memref<1x125x80xi32, #tpu.memory_space<hbm>>
      %dma_wait3A_17 = tpu.memref_squeeze %dma_wait3A_16 : memref<1x125x80xi32, #tpu.memory_space<hbm>> -> memref<125x80xi32, #tpu.memory_space<hbm>>
      %dma_wait3A_18 = arith.constant 0 : i32
      %dma_wait3A_19 = arith.constant 0 : i32
      %dma_wait3A_20 = tpu.memref_slice %arg3[%add3A, %dma_wait3A_18, %dma_wait3A_19] : memref<32x125x80xi32, #tpu.memory_space<hbm>> -> memref<1x125x80xi32, #tpu.memory_space<hbm>>
      %dma_wait3A_21 = tpu.memref_squeeze %dma_wait3A_20 : memref<1x125x80xi32, #tpu.memory_space<hbm>> -> memref<125x80xi32, #tpu.memory_space<hbm>>
      tpu.wait_dma2 semaphore(%run_scoped3A : memref<!tpu.dma_semaphore, #tpu.memory_space<semaphore_mem>>) src(%dma_wait3A_21 : memref<125x80xi32, #tpu.memory_space<hbm>>) dst(%arg5 : memref<125x80xi32, #tpu.memory_space<vmem>>)
      tpu.yield
    }) : () -> ()
    %mul3A_1 = arith.constant 10000 : i32
    %mul3A_2 = arith.muli %add3A, %mul3A_1 : i32
    %scan3A = arith.constant 0 : i32
    %scan3A_3 = arith.constant 0 : i32
    %scan3A_4 = arith.constant 125 : i32
    %scan3A_5 = arith.addi %scan3A_3, %scan3A_4 : i32
    %scan3A_6 = arith.constant 1 : i32
    scf.for %scan3A_8 = %scan3A_3 to %scan3A_5 step %scan3A_6  : i32 {
      %dma_start3A = arith.constant 0 : i32
      %dma_start3A_9 = tpu.memref_slice %arg5[%scan3A_8, %dma_start3A] : memref<125x80xi32, #tpu.memory_space<vmem>> -> memref<1x80xi32, #tpu.memory_space<vmem>>
      %dma_start3A_10 = tpu.memref_squeeze %dma_start3A_9 : memref<1x80xi32, #tpu.memory_space<vmem>> -> memref<80xi32, #tpu.memory_space<vmem>>
      %dma_start3A_11 = arith.constant 0 : i32
      %dma_start3A_12 = arith.constant 0 : i32
      %dma_start3A_13 = tpu.memref_slice %arg2[%dma_start3A_11, %dma_start3A_12] : memref<10000x128xf32, #tpu.memory_space<hbm>> -> memref<10000x128xf32, #tpu.memory_space<hbm>>
      tpu.enqueue_indirect_dma source(%dma_start3A_13 : memref<10000x128xf32, #tpu.memory_space<hbm>>) target(%arg6 : memref<80x128xf32, #tpu.memory_space<vmem>>) offsets(%dma_start3A_10 : memref<80xi32, #tpu.memory_space<vmem>>) semaphore(%arg7 : memref<!tpu.dma_semaphore, #tpu.memory_space<semaphore_mem>>)
      %dma_wait3A = arith.constant 0 : i32
      %dma_wait3A_14 = tpu.memref_slice %arg5[%scan3A_8, %dma_wait3A] : memref<125x80xi32, #tpu.memory_space<vmem>> -> memref<1x80xi32, #tpu.memory_space<vmem>>
      %dma_wait3A_15 = tpu.memref_squeeze %dma_wait3A_14 : memref<1x80xi32, #tpu.memory_space<vmem>> -> memref<80xi32, #tpu.memory_space<vmem>>
      %dma_wait3A_16 = arith.constant 0 : i32
      %dma_wait3A_17 = arith.constant 0 : i32
      %dma_wait3A_18 = tpu.memref_slice %arg2[%dma_wait3A_16, %dma_wait3A_17] : memref<10000x128xf32, #tpu.memory_space<hbm>> -> memref<10000x128xf32, #tpu.memory_space<hbm>>
      tpu.wait_indirect_dma semaphore(%arg7 : memref<!tpu.dma_semaphore, #tpu.memory_space<semaphore_mem>>) src(%dma_wait3A_18 : memref<10000x128xf32, #tpu.memory_space<hbm>>) dst(%arg6 : memref<80x128xf32, #tpu.memory_space<vmem>>)
      %mul3A_19 = arith.constant 80 : i32
      %mul3A_20 = arith.muli %scan3A_8, %mul3A_19 : i32
      %add3A_21 = arith.addi %mul3A_2, %mul3A_20 : i32
      "tpu.region"() ({
        %run_scoped3A = tpu.sem_alloc : memref<!tpu.dma_semaphore, #tpu.memory_space<semaphore_mem>>
        %dma_start3A_22 = arith.constant 0 : i32
        %dma_start3A_23 = tpu.memref_slice %arg4[%add3A_21, %dma_start3A_22] : memref<320000x128xf32, #tpu.memory_space<hbm>> -> memref<80x128xf32, #tpu.memory_space<hbm>>
        %dma_start3A_24 = arith.constant 0 : i32
        %dma_start3A_25 = tpu.memref_slice %arg4[%add3A_21, %dma_start3A_24] : memref<320000x128xf32, #tpu.memory_space<hbm>> -> memref<80x128xf32, #tpu.memory_space<hbm>>
        tpu.enqueue_dma source(%arg6 : memref<80x128xf32, #tpu.memory_space<vmem>>) target(%dma_start3A_25 : memref<80x128xf32, #tpu.memory_space<hbm>>) target_semaphore(%run_scoped3A : memref<!tpu.dma_semaphore, #tpu.memory_space<semaphore_mem>>)
        %dma_wait3A_26 = arith.constant 0 : i32
        %dma_wait3A_27 = tpu.memref_slice %arg4[%add3A_21, %dma_wait3A_26] : memref<320000x128xf32, #tpu.memory_space<hbm>> -> memref<80x128xf32, #tpu.memory_space<hbm>>
        %dma_wait3A_28 = arith.constant 0 : i32
        %dma_wait3A_29 = tpu.memref_slice %arg4[%add3A_21, %dma_wait3A_28] : memref<320000x128xf32, #tpu.memory_space<hbm>> -> memref<80x128xf32, #tpu.memory_space<hbm>>
        tpu.wait_dma2 semaphore(%run_scoped3A : memref<!tpu.dma_semaphore, #tpu.memory_space<semaphore_mem>>) src(%arg6 : memref<80x128xf32, #tpu.memory_space<vmem>>) dst(%dma_wait3A_29 : memref<80x128xf32, #tpu.memory_space<hbm>>)
        tpu.yield
      }) : () -> ()
    }
    %scan3A_7 = arith.constant 125 : i32
    return
  }
}

#map = affine_map<(d0, d1) -> (0, 0)>
#map1 = affine_map<(d0, d1) -> (0, 0, 0)>
module attributes {stable_mosaic.version = 14 : i64} {
  func.func @_sc_scatter(%arg0: i32, %arg1: i32, %arg2: memref<320000x128xf32, #tpu.memory_space<hbm>>, %arg3: memref<32x125x80xi32, #tpu.memory_space<hbm>>, %arg4: memref<10240x128xf32, #tpu.memory_space<hbm>>, %arg5: memref<2x10240x128xf32, #tpu.memory_space<hbm>>, %arg6: memref<125x80xi32, #tpu.memory_space<vmem>>, %arg7: memref<80x128xf32, #tpu.memory_space<vmem>>, %arg8: memref<10240x128xf32, #tpu.memory_space<vmem_shared>>, %arg9: memref<!tpu.dma_semaphore, #tpu.memory_space<semaphore_mem>>) attributes {dimension_semantics = [#tpu.dimension_semantics<core_parallel>, #tpu.dimension_semantics<subcore_parallel>], iteration_bounds = array<i64: 2, 16>, scalar_prefetch = 0 : i64, scratch_operands = 4 : i64, tpu.core_type = #tpu.core_type<sc_vector_subcore>, window_params = [{transform_indices = #map}, {transform_indices = #map1}, {transform_indices = #map}, {transform_indices = #map1}]} {
    %mul3A = arith.constant 16 : i32
    %mul3A_0 = arith.muli %arg0, %mul3A : i32
    %add3A = arith.addi %mul3A_0, %arg1 : i32
    %mul3A_1 = arith.constant 640 : i32
    %mul3A_2 = arith.muli %arg1, %mul3A_1 : i32
    %mul3A_3 = arith.constant 640 : i32
    %mul3A_4 = arith.muli %arg1, %mul3A_3 : i32
    "tpu.region"() ({
      %run_scoped3A = tpu.sem_alloc : memref<!tpu.dma_semaphore, #tpu.memory_space<semaphore_mem>>
      %dma_start3A = arith.constant 0 : i32
      %dma_start3A_17 = tpu.memref_slice %arg8[%mul3A_4, %dma_start3A] : memref<10240x128xf32, #tpu.memory_space<vmem_shared>> -> memref<640x128xf32, #tpu.memory_space<vmem_shared>>
      %dma_start3A_18 = arith.constant 0 : i32
      %dma_start3A_19 = tpu.memref_slice %arg4[%mul3A_2, %dma_start3A_18] : memref<10240x128xf32, #tpu.memory_space<hbm>> -> memref<640x128xf32, #tpu.memory_space<hbm>>
      tpu.enqueue_dma source(%dma_start3A_19 : memref<640x128xf32, #tpu.memory_space<hbm>>) target(%dma_start3A_17 : memref<640x128xf32, #tpu.memory_space<vmem_shared>>) target_semaphore(%run_scoped3A : memref<!tpu.dma_semaphore, #tpu.memory_space<semaphore_mem>>)
      %dma_wait3A = arith.constant 0 : i32
      %dma_wait3A_20 = tpu.memref_slice %arg8[%mul3A_4, %dma_wait3A] : memref<10240x128xf32, #tpu.memory_space<vmem_shared>> -> memref<640x128xf32, #tpu.memory_space<vmem_shared>>
      %dma_wait3A_21 = arith.constant 0 : i32
      %dma_wait3A_22 = tpu.memref_slice %arg4[%mul3A_2, %dma_wait3A_21] : memref<10240x128xf32, #tpu.memory_space<hbm>> -> memref<640x128xf32, #tpu.memory_space<hbm>>
      tpu.wait_dma2 semaphore(%run_scoped3A : memref<!tpu.dma_semaphore, #tpu.memory_space<semaphore_mem>>) src(%dma_wait3A_22 : memref<640x128xf32, #tpu.memory_space<hbm>>) dst(%dma_wait3A_20 : memref<640x128xf32, #tpu.memory_space<vmem_shared>>)
      tpu.yield
    }) : () -> ()
    %barrier3A = arith.constant 0 : index
    tpu.barrier barrier_id(%barrier3A)
    "tpu.region"() ({
      %run_scoped3A = tpu.sem_alloc : memref<!tpu.dma_semaphore, #tpu.memory_space<semaphore_mem>>
      %dma_start3A = arith.constant 0 : i32
      %dma_start3A_17 = arith.constant 0 : i32
      %dma_start3A_18 = tpu.memref_slice %arg3[%add3A, %dma_start3A, %dma_start3A_17] : memref<32x125x80xi32, #tpu.memory_space<hbm>> -> memref<1x125x80xi32, #tpu.memory_space<hbm>>
      %dma_start3A_19 = tpu.memref_squeeze %dma_start3A_18 : memref<1x125x80xi32, #tpu.memory_space<hbm>> -> memref<125x80xi32, #tpu.memory_space<hbm>>
      %dma_start3A_20 = arith.constant 0 : i32
      %dma_start3A_21 = arith.constant 0 : i32
      %dma_start3A_22 = tpu.memref_slice %arg3[%add3A, %dma_start3A_20, %dma_start3A_21] : memref<32x125x80xi32, #tpu.memory_space<hbm>> -> memref<1x125x80xi32, #tpu.memory_space<hbm>>
      %dma_start3A_23 = tpu.memref_squeeze %dma_start3A_22 : memref<1x125x80xi32, #tpu.memory_space<hbm>> -> memref<125x80xi32, #tpu.memory_space<hbm>>
      tpu.enqueue_dma source(%dma_start3A_23 : memref<125x80xi32, #tpu.memory_space<hbm>>) target(%arg6 : memref<125x80xi32, #tpu.memory_space<vmem>>) target_semaphore(%run_scoped3A : memref<!tpu.dma_semaphore, #tpu.memory_space<semaphore_mem>>)
      %dma_wait3A = arith.constant 0 : i32
      %dma_wait3A_24 = arith.constant 0 : i32
      %dma_wait3A_25 = tpu.memref_slice %arg3[%add3A, %dma_wait3A, %dma_wait3A_24] : memref<32x125x80xi32, #tpu.memory_space<hbm>> -> memref<1x125x80xi32, #tpu.memory_space<hbm>>
      %dma_wait3A_26 = tpu.memref_squeeze %dma_wait3A_25 : memref<1x125x80xi32, #tpu.memory_space<hbm>> -> memref<125x80xi32, #tpu.memory_space<hbm>>
      %dma_wait3A_27 = arith.constant 0 : i32
      %dma_wait3A_28 = arith.constant 0 : i32
      %dma_wait3A_29 = tpu.memref_slice %arg3[%add3A, %dma_wait3A_27, %dma_wait3A_28] : memref<32x125x80xi32, #tpu.memory_space<hbm>> -> memref<1x125x80xi32, #tpu.memory_space<hbm>>
      %dma_wait3A_30 = tpu.memref_squeeze %dma_wait3A_29 : memref<1x125x80xi32, #tpu.memory_space<hbm>> -> memref<125x80xi32, #tpu.memory_space<hbm>>
      tpu.wait_dma2 semaphore(%run_scoped3A : memref<!tpu.dma_semaphore, #tpu.memory_space<semaphore_mem>>) src(%dma_wait3A_30 : memref<125x80xi32, #tpu.memory_space<hbm>>) dst(%arg6 : memref<125x80xi32, #tpu.memory_space<vmem>>)
      tpu.yield
    }) : () -> ()
    %mul3A_5 = arith.constant 10000 : i32
    %mul3A_6 = arith.muli %add3A, %mul3A_5 : i32
    %scan3A = arith.constant 0 : i32
    %scan3A_7 = arith.constant 0 : i32
    %scan3A_8 = arith.constant 125 : i32
    %scan3A_9 = arith.addi %scan3A_7, %scan3A_8 : i32
    %scan3A_10 = arith.constant 1 : i32
    scf.for %scan3A_17 = %scan3A_7 to %scan3A_9 step %scan3A_10  : i32 {
      %mul3A_18 = arith.constant 80 : i32
      %mul3A_19 = arith.muli %scan3A_17, %mul3A_18 : i32
      %add3A_20 = arith.addi %mul3A_6, %mul3A_19 : i32
      %dma_start3A = arith.constant 0 : i32
      %dma_start3A_21 = tpu.memref_slice %arg2[%add3A_20, %dma_start3A] : memref<320000x128xf32, #tpu.memory_space<hbm>> -> memref<80x128xf32, #tpu.memory_space<hbm>>
      %dma_start3A_22 = arith.constant 0 : i32
      %dma_start3A_23 = tpu.memref_slice %arg2[%add3A_20, %dma_start3A_22] : memref<320000x128xf32, #tpu.memory_space<hbm>> -> memref<80x128xf32, #tpu.memory_space<hbm>>
      tpu.enqueue_dma source(%dma_start3A_23 : memref<80x128xf32, #tpu.memory_space<hbm>>) target(%arg7 : memref<80x128xf32, #tpu.memory_space<vmem>>) target_semaphore(%arg9 : memref<!tpu.dma_semaphore, #tpu.memory_space<semaphore_mem>>)
      %dma_wait3A = arith.constant 0 : i32
      %dma_wait3A_24 = tpu.memref_slice %arg2[%add3A_20, %dma_wait3A] : memref<320000x128xf32, #tpu.memory_space<hbm>> -> memref<80x128xf32, #tpu.memory_space<hbm>>
      %dma_wait3A_25 = arith.constant 0 : i32
      %dma_wait3A_26 = tpu.memref_slice %arg2[%add3A_20, %dma_wait3A_25] : memref<320000x128xf32, #tpu.memory_space<hbm>> -> memref<80x128xf32, #tpu.memory_space<hbm>>
      tpu.wait_dma2 semaphore(%arg9 : memref<!tpu.dma_semaphore, #tpu.memory_space<semaphore_mem>>) src(%dma_wait3A_26 : memref<80x128xf32, #tpu.memory_space<hbm>>) dst(%arg7 : memref<80x128xf32, #tpu.memory_space<vmem>>)
      "tpu.region"() ({
        %run_scoped3A = tpu.sem_alloc : memref<!tpu.dma_semaphore, #tpu.memory_space<semaphore_mem>>
        %dma_start3A_27 = arith.constant 0 : i32
        %dma_start3A_28 = tpu.memref_slice %arg6[%scan3A_17, %dma_start3A_27] : memref<125x80xi32, #tpu.memory_space<vmem>> -> memref<1x80xi32, #tpu.memory_space<vmem>>
        %dma_start3A_29 = tpu.memref_squeeze %dma_start3A_28 : memref<1x80xi32, #tpu.memory_space<vmem>> -> memref<80xi32, #tpu.memory_space<vmem>>
        %dma_start3A_30 = arith.constant 0 : i32
        %dma_start3A_31 = arith.constant 0 : i32
        %dma_start3A_32 = tpu.memref_slice %arg8[%dma_start3A_30, %dma_start3A_31] : memref<10240x128xf32, #tpu.memory_space<vmem_shared>> -> memref<10240x128xf32, #tpu.memory_space<vmem_shared>>
        tpu.enqueue_indirect_dma source(%arg7 : memref<80x128xf32, #tpu.memory_space<vmem>>) target(%dma_start3A_32 : memref<10240x128xf32, #tpu.memory_space<vmem_shared>>) offsets(%dma_start3A_29 : memref<80xi32, #tpu.memory_space<vmem>>) semaphore(%run_scoped3A : memref<!tpu.dma_semaphore, #tpu.memory_space<semaphore_mem>>) {add = true}
        %dma_wait3A_33 = arith.constant 0 : i32
        %dma_wait3A_34 = tpu.memref_slice %arg6[%scan3A_17, %dma_wait3A_33] : memref<125x80xi32, #tpu.memory_space<vmem>> -> memref<1x80xi32, #tpu.memory_space<vmem>>
        %dma_wait3A_35 = tpu.memref_squeeze %dma_wait3A_34 : memref<1x80xi32, #tpu.memory_space<vmem>> -> memref<80xi32, #tpu.memory_space<vmem>>
        %dma_wait3A_36 = arith.constant 0 : i32
        %dma_wait3A_37 = arith.constant 0 : i32
        %dma_wait3A_38 = tpu.memref_slice %arg8[%dma_wait3A_36, %dma_wait3A_37] : memref<10240x128xf32, #tpu.memory_space<vmem_shared>> -> memref<10240x128xf32, #tpu.memory_space<vmem_shared>>
        tpu.wait_indirect_dma semaphore(%run_scoped3A : memref<!tpu.dma_semaphore, #tpu.memory_space<semaphore_mem>>) src(%arg7 : memref<80x128xf32, #tpu.memory_space<vmem>>) dst(%dma_wait3A_38 : memref<10240x128xf32, #tpu.memory_space<vmem_shared>>)
        tpu.yield
      }) : () -> ()
    }
    %scan3A_11 = arith.constant 125 : i32
    %barrier3A_12 = arith.constant 0 : index
    tpu.barrier barrier_id(%barrier3A_12)
    %mul3A_13 = arith.constant 640 : i32
    %mul3A_14 = arith.muli %arg1, %mul3A_13 : i32
    %mul3A_15 = arith.constant 640 : i32
    %mul3A_16 = arith.muli %arg1, %mul3A_15 : i32
    "tpu.region"() ({
      %run_scoped3A = tpu.sem_alloc : memref<!tpu.dma_semaphore, #tpu.memory_space<semaphore_mem>>
      %dma_start3A = arith.constant 0 : i32
      %dma_start3A_17 = tpu.memref_slice %arg5[%arg0, %mul3A_16, %dma_start3A] : memref<2x10240x128xf32, #tpu.memory_space<hbm>> -> memref<1x640x128xf32, #tpu.memory_space<hbm>>
      %dma_start3A_18 = tpu.memref_squeeze %dma_start3A_17 : memref<1x640x128xf32, #tpu.memory_space<hbm>> -> memref<640x128xf32, #tpu.memory_space<hbm>>
      %dma_start3A_19 = arith.constant 0 : i32
      %dma_start3A_20 = tpu.memref_slice %arg8[%mul3A_14, %dma_start3A_19] : memref<10240x128xf32, #tpu.memory_space<vmem_shared>> -> memref<640x128xf32, #tpu.memory_space<vmem_shared>>
      tpu.enqueue_dma source(%dma_start3A_20 : memref<640x128xf32, #tpu.memory_space<vmem_shared>>) target(%dma_start3A_18 : memref<640x128xf32, #tpu.memory_space<hbm>>) target_semaphore(%run_scoped3A : memref<!tpu.dma_semaphore, #tpu.memory_space<semaphore_mem>>)
      %dma_wait3A = arith.constant 0 : i32
      %dma_wait3A_21 = tpu.memref_slice %arg5[%arg0, %mul3A_16, %dma_wait3A] : memref<2x10240x128xf32, #tpu.memory_space<hbm>> -> memref<1x640x128xf32, #tpu.memory_space<hbm>>
      %dma_wait3A_22 = tpu.memref_squeeze %dma_wait3A_21 : memref<1x640x128xf32, #tpu.memory_space<hbm>> -> memref<640x128xf32, #tpu.memory_space<hbm>>
      %dma_wait3A_23 = arith.constant 0 : i32
      %dma_wait3A_24 = tpu.memref_slice %arg8[%mul3A_14, %dma_wait3A_23] : memref<10240x128xf32, #tpu.memory_space<vmem_shared>> -> memref<640x128xf32, #tpu.memory_space<vmem_shared>>
      tpu.wait_dma2 semaphore(%run_scoped3A : memref<!tpu.dma_semaphore, #tpu.memory_space<semaphore_mem>>) src(%dma_wait3A_24 : memref<640x128xf32, #tpu.memory_space<vmem_shared>>) dst(%dma_wait3A_22 : memref<640x128xf32, #tpu.memory_space<hbm>>)
      tpu.yield
    }) : () -> ()
    return
  }
}

#map = affine_map<(d0, d1) -> (0, 0)>
#map1 = affine_map<(d0, d1) -> (0, 0, 0)>
module attributes {stable_mosaic.version = 14 : i64} {
  func.func @_sc_scatter(%arg0: i32, %arg1: i32, %arg2: memref<320000x128xf32, #tpu.memory_space<hbm>>, %arg3: memref<32x125x80xi32, #tpu.memory_space<hbm>>, %arg4: memref<10240x128xf32, #tpu.memory_space<hbm>>, %arg5: memref<2x10240x128xf32, #tpu.memory_space<hbm>>, %arg6: memref<125x80xi32, #tpu.memory_space<vmem>>, %arg7: memref<80x128xf32, #tpu.memory_space<vmem>>, %arg8: memref<10240x128xf32, #tpu.memory_space<vmem_shared>>, %arg9: memref<!tpu.dma_semaphore, #tpu.memory_space<semaphore_mem>>) attributes {dimension_semantics = [#tpu.dimension_semantics<core_parallel>, #tpu.dimension_semantics<subcore_parallel>], iteration_bounds = array<i64: 2, 16>, scalar_prefetch = 0 : i64, scratch_operands = 4 : i64, tpu.core_type = #tpu.core_type<sc_vector_subcore>, window_params = [{transform_indices = #map}, {transform_indices = #map1}, {transform_indices = #map}, {transform_indices = #map1}]} {
    %mul3A = arith.constant 16 : i32
    %mul3A_0 = arith.muli %arg0, %mul3A : i32
    %add3A = arith.addi %mul3A_0, %arg1 : i32
    %mul3A_1 = arith.constant 640 : i32
    %mul3A_2 = arith.muli %arg1, %mul3A_1 : i32
    %mul3A_3 = arith.constant 640 : i32
    %mul3A_4 = arith.muli %arg1, %mul3A_3 : i32
    "tpu.region"() ({
      %run_scoped3A = tpu.sem_alloc : memref<!tpu.dma_semaphore, #tpu.memory_space<semaphore_mem>>
      %dma_start3A = arith.constant 0 : i32
      %dma_start3A_17 = tpu.memref_slice %arg8[%mul3A_4, %dma_start3A] : memref<10240x128xf32, #tpu.memory_space<vmem_shared>> -> memref<640x128xf32, #tpu.memory_space<vmem_shared>>
      %dma_start3A_18 = arith.constant 0 : i32
      %dma_start3A_19 = tpu.memref_slice %arg4[%mul3A_2, %dma_start3A_18] : memref<10240x128xf32, #tpu.memory_space<hbm>> -> memref<640x128xf32, #tpu.memory_space<hbm>>
      tpu.enqueue_dma source(%dma_start3A_19 : memref<640x128xf32, #tpu.memory_space<hbm>>) target(%dma_start3A_17 : memref<640x128xf32, #tpu.memory_space<vmem_shared>>) target_semaphore(%run_scoped3A : memref<!tpu.dma_semaphore, #tpu.memory_space<semaphore_mem>>)
      %dma_wait3A = arith.constant 0 : i32
      %dma_wait3A_20 = tpu.memref_slice %arg8[%mul3A_4, %dma_wait3A] : memref<10240x128xf32, #tpu.memory_space<vmem_shared>> -> memref<640x128xf32, #tpu.memory_space<vmem_shared>>
      %dma_wait3A_21 = arith.constant 0 : i32
      %dma_wait3A_22 = tpu.memref_slice %arg4[%mul3A_2, %dma_wait3A_21] : memref<10240x128xf32, #tpu.memory_space<hbm>> -> memref<640x128xf32, #tpu.memory_space<hbm>>
      tpu.wait_dma2 semaphore(%run_scoped3A : memref<!tpu.dma_semaphore, #tpu.memory_space<semaphore_mem>>) src(%dma_wait3A_22 : memref<640x128xf32, #tpu.memory_space<hbm>>) dst(%dma_wait3A_20 : memref<640x128xf32, #tpu.memory_space<vmem_shared>>)
      tpu.yield
    }) : () -> ()
    %barrier3A = arith.constant 0 : index
    tpu.barrier barrier_id(%barrier3A)
    "tpu.region"() ({
      %run_scoped3A = tpu.sem_alloc : memref<!tpu.dma_semaphore, #tpu.memory_space<semaphore_mem>>
      %dma_start3A = arith.constant 0 : i32
      %dma_start3A_17 = arith.constant 0 : i32
      %dma_start3A_18 = tpu.memref_slice %arg3[%add3A, %dma_start3A, %dma_start3A_17] : memref<32x125x80xi32, #tpu.memory_space<hbm>> -> memref<1x125x80xi32, #tpu.memory_space<hbm>>
      %dma_start3A_19 = tpu.memref_squeeze %dma_start3A_18 : memref<1x125x80xi32, #tpu.memory_space<hbm>> -> memref<125x80xi32, #tpu.memory_space<hbm>>
      %dma_start3A_20 = arith.constant 0 : i32
      %dma_start3A_21 = arith.constant 0 : i32
      %dma_start3A_22 = tpu.memref_slice %arg3[%add3A, %dma_start3A_20, %dma_start3A_21] : memref<32x125x80xi32, #tpu.memory_space<hbm>> -> memref<1x125x80xi32, #tpu.memory_space<hbm>>
      %dma_start3A_23 = tpu.memref_squeeze %dma_start3A_22 : memref<1x125x80xi32, #tpu.memory_space<hbm>> -> memref<125x80xi32, #tpu.memory_space<hbm>>
      tpu.enqueue_dma source(%dma_start3A_23 : memref<125x80xi32, #tpu.memory_space<hbm>>) target(%arg6 : memref<125x80xi32, #tpu.memory_space<vmem>>) target_semaphore(%run_scoped3A : memref<!tpu.dma_semaphore, #tpu.memory_space<semaphore_mem>>)
      %dma_wait3A = arith.constant 0 : i32
      %dma_wait3A_24 = arith.constant 0 : i32
      %dma_wait3A_25 = tpu.memref_slice %arg3[%add3A, %dma_wait3A, %dma_wait3A_24] : memref<32x125x80xi32, #tpu.memory_space<hbm>> -> memref<1x125x80xi32, #tpu.memory_space<hbm>>
      %dma_wait3A_26 = tpu.memref_squeeze %dma_wait3A_25 : memref<1x125x80xi32, #tpu.memory_space<hbm>> -> memref<125x80xi32, #tpu.memory_space<hbm>>
      %dma_wait3A_27 = arith.constant 0 : i32
      %dma_wait3A_28 = arith.constant 0 : i32
      %dma_wait3A_29 = tpu.memref_slice %arg3[%add3A, %dma_wait3A_27, %dma_wait3A_28] : memref<32x125x80xi32, #tpu.memory_space<hbm>> -> memref<1x125x80xi32, #tpu.memory_space<hbm>>
      %dma_wait3A_30 = tpu.memref_squeeze %dma_wait3A_29 : memref<1x125x80xi32, #tpu.memory_space<hbm>> -> memref<125x80xi32, #tpu.memory_space<hbm>>
      tpu.wait_dma2 semaphore(%run_scoped3A : memref<!tpu.dma_semaphore, #tpu.memory_space<semaphore_mem>>) src(%dma_wait3A_30 : memref<125x80xi32, #tpu.memory_space<hbm>>) dst(%arg6 : memref<125x80xi32, #tpu.memory_space<vmem>>)
      tpu.yield
    }) : () -> ()
    %mul3A_5 = arith.constant 10000 : i32
    %mul3A_6 = arith.muli %add3A, %mul3A_5 : i32
    %scan3A = arith.constant 0 : i32
    %scan3A_7 = arith.constant 0 : i32
    %scan3A_8 = arith.constant 125 : i32
    %scan3A_9 = arith.addi %scan3A_7, %scan3A_8 : i32
    %scan3A_10 = arith.constant 1 : i32
    scf.for %scan3A_17 = %scan3A_7 to %scan3A_9 step %scan3A_10  : i32 {
      %mul3A_18 = arith.constant 80 : i32
      %mul3A_19 = arith.muli %scan3A_17, %mul3A_18 : i32
      %add3A_20 = arith.addi %mul3A_6, %mul3A_19 : i32
      %dma_start3A = arith.constant 0 : i32
      %dma_start3A_21 = tpu.memref_slice %arg2[%add3A_20, %dma_start3A] : memref<320000x128xf32, #tpu.memory_space<hbm>> -> memref<80x128xf32, #tpu.memory_space<hbm>>
      %dma_start3A_22 = arith.constant 0 : i32
      %dma_start3A_23 = tpu.memref_slice %arg2[%add3A_20, %dma_start3A_22] : memref<320000x128xf32, #tpu.memory_space<hbm>> -> memref<80x128xf32, #tpu.memory_space<hbm>>
      tpu.enqueue_dma source(%dma_start3A_23 : memref<80x128xf32, #tpu.memory_space<hbm>>) target(%arg7 : memref<80x128xf32, #tpu.memory_space<vmem>>) target_semaphore(%arg9 : memref<!tpu.dma_semaphore, #tpu.memory_space<semaphore_mem>>)
      %dma_wait3A = arith.constant 0 : i32
      %dma_wait3A_24 = tpu.memref_slice %arg2[%add3A_20, %dma_wait3A] : memref<320000x128xf32, #tpu.memory_space<hbm>> -> memref<80x128xf32, #tpu.memory_space<hbm>>
      %dma_wait3A_25 = arith.constant 0 : i32
      %dma_wait3A_26 = tpu.memref_slice %arg2[%add3A_20, %dma_wait3A_25] : memref<320000x128xf32, #tpu.memory_space<hbm>> -> memref<80x128xf32, #tpu.memory_space<hbm>>
      tpu.wait_dma2 semaphore(%arg9 : memref<!tpu.dma_semaphore, #tpu.memory_space<semaphore_mem>>) src(%dma_wait3A_26 : memref<80x128xf32, #tpu.memory_space<hbm>>) dst(%arg7 : memref<80x128xf32, #tpu.memory_space<vmem>>)
      "tpu.region"() ({
        %run_scoped3A = tpu.sem_alloc : memref<!tpu.dma_semaphore, #tpu.memory_space<semaphore_mem>>
        %dma_start3A_27 = arith.constant 0 : i32
        %dma_start3A_28 = tpu.memref_slice %arg6[%scan3A_17, %dma_start3A_27] : memref<125x80xi32, #tpu.memory_space<vmem>> -> memref<1x80xi32, #tpu.memory_space<vmem>>
        %dma_start3A_29 = tpu.memref_squeeze %dma_start3A_28 : memref<1x80xi32, #tpu.memory_space<vmem>> -> memref<80xi32, #tpu.memory_space<vmem>>
        %dma_start3A_30 = arith.constant 0 : i32
        %dma_start3A_31 = arith.constant 0 : i32
        %dma_start3A_32 = tpu.memref_slice %arg8[%dma_start3A_30, %dma_start3A_31] : memref<10240x128xf32, #tpu.memory_space<vmem_shared>> -> memref<10240x128xf32, #tpu.memory_space<vmem_shared>>
        tpu.enqueue_indirect_dma source(%arg7 : memref<80x128xf32, #tpu.memory_space<vmem>>) target(%dma_start3A_32 : memref<10240x128xf32, #tpu.memory_space<vmem_shared>>) offsets(%dma_start3A_29 : memref<80xi32, #tpu.memory_space<vmem>>) semaphore(%run_scoped3A : memref<!tpu.dma_semaphore, #tpu.memory_space<semaphore_mem>>) {add = true}
        %dma_wait3A_33 = arith.constant 0 : i32
        %dma_wait3A_34 = tpu.memref_slice %arg6[%scan3A_17, %dma_wait3A_33] : memref<125x80xi32, #tpu.memory_space<vmem>> -> memref<1x80xi32, #tpu.memory_space<vmem>>
        %dma_wait3A_35 = tpu.memref_squeeze %dma_wait3A_34 : memref<1x80xi32, #tpu.memory_space<vmem>> -> memref<80xi32, #tpu.memory_space<vmem>>
        %dma_wait3A_36 = arith.constant 0 : i32
        %dma_wait3A_37 = arith.constant 0 : i32
        %dma_wait3A_38 = tpu.memref_slice %arg8[%dma_wait3A_36, %dma_wait3A_37] : memref<10240x128xf32, #tpu.memory_space<vmem_shared>> -> memref<10240x128xf32, #tpu.memory_space<vmem_shared>>
        tpu.wait_indirect_dma semaphore(%run_scoped3A : memref<!tpu.dma_semaphore, #tpu.memory_space<semaphore_mem>>) src(%arg7 : memref<80x128xf32, #tpu.memory_space<vmem>>) dst(%dma_wait3A_38 : memref<10240x128xf32, #tpu.memory_space<vmem_shared>>)
        tpu.yield
      }) : () -> ()
    }
    %scan3A_11 = arith.constant 125 : i32
    %barrier3A_12 = arith.constant 0 : index
    tpu.barrier barrier_id(%barrier3A_12)
    %mul3A_13 = arith.constant 640 : i32
    %mul3A_14 = arith.muli %arg1, %mul3A_13 : i32
    %mul3A_15 = arith.constant 640 : i32
    %mul3A_16 = arith.muli %arg1, %mul3A_15 : i32
    "tpu.region"() ({
      %run_scoped3A = tpu.sem_alloc : memref<!tpu.dma_semaphore, #tpu.memory_space<semaphore_mem>>
      %dma_start3A = arith.constant 0 : i32
      %dma_start3A_17 = tpu.memref_slice %arg5[%arg0, %mul3A_16, %dma_start3A] : memref<2x10240x128xf32, #tpu.memory_space<hbm>> -> memref<1x640x128xf32, #tpu.memory_space<hbm>>
      %dma_start3A_18 = tpu.memref_squeeze %dma_start3A_17 : memref<1x640x128xf32, #tpu.memory_space<hbm>> -> memref<640x128xf32, #tpu.memory_space<hbm>>
      %dma_start3A_19 = arith.constant 0 : i32
      %dma_start3A_20 = tpu.memref_slice %arg8[%mul3A_14, %dma_start3A_19] : memref<10240x128xf32, #tpu.memory_space<vmem_shared>> -> memref<640x128xf32, #tpu.memory_space<vmem_shared>>
      tpu.enqueue_dma source(%dma_start3A_20 : memref<640x128xf32, #tpu.memory_space<vmem_shared>>) target(%dma_start3A_18 : memref<640x128xf32, #tpu.memory_space<hbm>>) target_semaphore(%run_scoped3A : memref<!tpu.dma_semaphore, #tpu.memory_space<semaphore_mem>>)
      %dma_wait3A = arith.constant 0 : i32
      %dma_wait3A_21 = tpu.memref_slice %arg5[%arg0, %mul3A_16, %dma_wait3A] : memref<2x10240x128xf32, #tpu.memory_space<hbm>> -> memref<1x640x128xf32, #tpu.memory_space<hbm>>
      %dma_wait3A_22 = tpu.memref_squeeze %dma_wait3A_21 : memref<1x640x128xf32, #tpu.memory_space<hbm>> -> memref<640x128xf32, #tpu.memory_space<hbm>>
      %dma_wait3A_23 = arith.constant 0 : i32
      %dma_wait3A_24 = tpu.memref_slice %arg8[%mul3A_14, %dma_wait3A_23] : memref<10240x128xf32, #tpu.memory_space<vmem_shared>> -> memref<640x128xf32, #tpu.memory_space<vmem_shared>>
      tpu.wait_dma2 semaphore(%run_scoped3A : memref<!tpu.dma_semaphore, #tpu.memory_space<semaphore_mem>>) src(%dma_wait3A_24 : memref<640x128xf32, #tpu.memory_space<vmem_shared>>) dst(%dma_wait3A_22 : memref<640x128xf32, #tpu.memory_space<hbm>>)
      tpu.yield
    }) : () -> ()
    return
  }
}

#map = affine_map<(d0, d1) -> (0, 0)>
#map1 = affine_map<(d0, d1) -> (0, 0, 0)>
module attributes {stable_mosaic.version = 14 : i64} {
  func.func @_sc_gather(%arg0: i32, %arg1: i32, %arg2: memref<10000x128xf32, #tpu.memory_space<hbm>>, %arg3: memref<32x125x80xi32, #tpu.memory_space<hbm>>, %arg4: memref<320000x128xf32, #tpu.memory_space<hbm>>, %arg5: memref<125x80xi32, #tpu.memory_space<vmem>>, %arg6: memref<80x128xf32, #tpu.memory_space<vmem>>, %arg7: memref<!tpu.dma_semaphore, #tpu.memory_space<semaphore_mem>>) attributes {dimension_semantics = [#tpu.dimension_semantics<core_parallel>, #tpu.dimension_semantics<subcore_parallel>], iteration_bounds = array<i64: 2, 16>, scalar_prefetch = 0 : i64, scratch_operands = 3 : i64, tpu.core_type = #tpu.core_type<sc_vector_subcore>, window_params = [{transform_indices = #map}, {transform_indices = #map1}, {transform_indices = #map}]} {
    %mul3A = arith.constant 16 : i32
    %mul3A_0 = arith.muli %arg0, %mul3A : i32
    %add3A = arith.addi %mul3A_0, %arg1 : i32
    "tpu.region"() ({
      %run_scoped3A = tpu.sem_alloc : memref<!tpu.dma_semaphore, #tpu.memory_space<semaphore_mem>>
      %dma_start3A = arith.constant 0 : i32
      %dma_start3A_8 = arith.constant 0 : i32
      %dma_start3A_9 = tpu.memref_slice %arg3[%add3A, %dma_start3A, %dma_start3A_8] : memref<32x125x80xi32, #tpu.memory_space<hbm>> -> memref<1x125x80xi32, #tpu.memory_space<hbm>>
      %dma_start3A_10 = tpu.memref_squeeze %dma_start3A_9 : memref<1x125x80xi32, #tpu.memory_space<hbm>> -> memref<125x80xi32, #tpu.memory_space<hbm>>
      %dma_start3A_11 = arith.constant 0 : i32
      %dma_start3A_12 = arith.constant 0 : i32
      %dma_start3A_13 = tpu.memref_slice %arg3[%add3A, %dma_start3A_11, %dma_start3A_12] : memref<32x125x80xi32, #tpu.memory_space<hbm>> -> memref<1x125x80xi32, #tpu.memory_space<hbm>>
      %dma_start3A_14 = tpu.memref_squeeze %dma_start3A_13 : memref<1x125x80xi32, #tpu.memory_space<hbm>> -> memref<125x80xi32, #tpu.memory_space<hbm>>
      tpu.enqueue_dma source(%dma_start3A_14 : memref<125x80xi32, #tpu.memory_space<hbm>>) target(%arg5 : memref<125x80xi32, #tpu.memory_space<vmem>>) target_semaphore(%run_scoped3A : memref<!tpu.dma_semaphore, #tpu.memory_space<semaphore_mem>>)
      %dma_wait3A = arith.constant 0 : i32
      %dma_wait3A_15 = arith.constant 0 : i32
      %dma_wait3A_16 = tpu.memref_slice %arg3[%add3A, %dma_wait3A, %dma_wait3A_15] : memref<32x125x80xi32, #tpu.memory_space<hbm>> -> memref<1x125x80xi32, #tpu.memory_space<hbm>>
      %dma_wait3A_17 = tpu.memref_squeeze %dma_wait3A_16 : memref<1x125x80xi32, #tpu.memory_space<hbm>> -> memref<125x80xi32, #tpu.memory_space<hbm>>
      %dma_wait3A_18 = arith.constant 0 : i32
      %dma_wait3A_19 = arith.constant 0 : i32
      %dma_wait3A_20 = tpu.memref_slice %arg3[%add3A, %dma_wait3A_18, %dma_wait3A_19] : memref<32x125x80xi32, #tpu.memory_space<hbm>> -> memref<1x125x80xi32, #tpu.memory_space<hbm>>
      %dma_wait3A_21 = tpu.memref_squeeze %dma_wait3A_20 : memref<1x125x80xi32, #tpu.memory_space<hbm>> -> memref<125x80xi32, #tpu.memory_space<hbm>>
      tpu.wait_dma2 semaphore(%run_scoped3A : memref<!tpu.dma_semaphore, #tpu.memory_space<semaphore_mem>>) src(%dma_wait3A_21 : memref<125x80xi32, #tpu.memory_space<hbm>>) dst(%arg5 : memref<125x80xi32, #tpu.memory_space<vmem>>)
      tpu.yield
    }) : () -> ()
    %mul3A_1 = arith.constant 10000 : i32
    %mul3A_2 = arith.muli %add3A, %mul3A_1 : i32
    %scan3A = arith.constant 0 : i32
    %scan3A_3 = arith.constant 0 : i32
    %scan3A_4 = arith.constant 125 : i32
    %scan3A_5 = arith.addi %scan3A_3, %scan3A_4 : i32
    %scan3A_6 = arith.constant 1 : i32
    scf.for %scan3A_8 = %scan3A_3 to %scan3A_5 step %scan3A_6  : i32 {
      %dma_start3A = arith.constant 0 : i32
      %dma_start3A_9 = tpu.memref_slice %arg5[%scan3A_8, %dma_start3A] : memref<125x80xi32, #tpu.memory_space<vmem>> -> memref<1x80xi32, #tpu.memory_space<vmem>>
      %dma_start3A_10 = tpu.memref_squeeze %dma_start3A_9 : memref<1x80xi32, #tpu.memory_space<vmem>> -> memref<80xi32, #tpu.memory_space<vmem>>
      %dma_start3A_11 = arith.constant 0 : i32
      %dma_start3A_12 = arith.constant 0 : i32
      %dma_start3A_13 = tpu.memref_slice %arg2[%dma_start3A_11, %dma_start3A_12] : memref<10000x128xf32, #tpu.memory_space<hbm>> -> memref<10000x128xf32, #tpu.memory_space<hbm>>
      tpu.enqueue_indirect_dma source(%dma_start3A_13 : memref<10000x128xf32, #tpu.memory_space<hbm>>) target(%arg6 : memref<80x128xf32, #tpu.memory_space<vmem>>) offsets(%dma_start3A_10 : memref<80xi32, #tpu.memory_space<vmem>>) semaphore(%arg7 : memref<!tpu.dma_semaphore, #tpu.memory_space<semaphore_mem>>)
      %dma_wait3A = arith.constant 0 : i32
      %dma_wait3A_14 = tpu.memref_slice %arg5[%scan3A_8, %dma_wait3A] : memref<125x80xi32, #tpu.memory_space<vmem>> -> memref<1x80xi32, #tpu.memory_space<vmem>>
      %dma_wait3A_15 = tpu.memref_squeeze %dma_wait3A_14 : memref<1x80xi32, #tpu.memory_space<vmem>> -> memref<80xi32, #tpu.memory_space<vmem>>
      %dma_wait3A_16 = arith.constant 0 : i32
      %dma_wait3A_17 = arith.constant 0 : i32
      %dma_wait3A_18 = tpu.memref_slice %arg2[%dma_wait3A_16, %dma_wait3A_17] : memref<10000x128xf32, #tpu.memory_space<hbm>> -> memref<10000x128xf32, #tpu.memory_space<hbm>>
      tpu.wait_indirect_dma semaphore(%arg7 : memref<!tpu.dma_semaphore, #tpu.memory_space<semaphore_mem>>) src(%dma_wait3A_18 : memref<10000x128xf32, #tpu.memory_space<hbm>>) dst(%arg6 : memref<80x128xf32, #tpu.memory_space<vmem>>)
      %mul3A_19 = arith.constant 80 : i32
      %mul3A_20 = arith.muli %scan3A_8, %mul3A_19 : i32
      %add3A_21 = arith.addi %mul3A_2, %mul3A_20 : i32
      "tpu.region"() ({
        %run_scoped3A = tpu.sem_alloc : memref<!tpu.dma_semaphore, #tpu.memory_space<semaphore_mem>>
        %dma_start3A_22 = arith.constant 0 : i32
        %dma_start3A_23 = tpu.memref_slice %arg4[%add3A_21, %dma_start3A_22] : memref<320000x128xf32, #tpu.memory_space<hbm>> -> memref<80x128xf32, #tpu.memory_space<hbm>>
        %dma_start3A_24 = arith.constant 0 : i32
        %dma_start3A_25 = tpu.memref_slice %arg4[%add3A_21, %dma_start3A_24] : memref<320000x128xf32, #tpu.memory_space<hbm>> -> memref<80x128xf32, #tpu.memory_space<hbm>>
        tpu.enqueue_dma source(%arg6 : memref<80x128xf32, #tpu.memory_space<vmem>>) target(%dma_start3A_25 : memref<80x128xf32, #tpu.memory_space<hbm>>) target_semaphore(%run_scoped3A : memref<!tpu.dma_semaphore, #tpu.memory_space<semaphore_mem>>)
        %dma_wait3A_26 = arith.constant 0 : i32
        %dma_wait3A_27 = tpu.memref_slice %arg4[%add3A_21, %dma_wait3A_26] : memref<320000x128xf32, #tpu.memory_space<hbm>> -> memref<80x128xf32, #tpu.memory_space<hbm>>
        %dma_wait3A_28 = arith.constant 0 : i32
        %dma_wait3A_29 = tpu.memref_slice %arg4[%add3A_21, %dma_wait3A_28] : memref<320000x128xf32, #tpu.memory_space<hbm>> -> memref<80x128xf32, #tpu.memory_space<hbm>>
        tpu.wait_dma2 semaphore(%run_scoped3A : memref<!tpu.dma_semaphore, #tpu.memory_space<semaphore_mem>>) src(%arg6 : memref<80x128xf32, #tpu.memory_space<vmem>>) dst(%dma_wait3A_29 : memref<80x128xf32, #tpu.memory_space<hbm>>)
        tpu.yield
      }) : () -> ()
    }
    %scan3A_7 = arith.constant 125 : i32
    return
  }
}

module attributes {stable_mosaic.version = 14 : i64} {
  func.func @_lin_in_body(%arg0: i32, %arg1: memref<2000x128xf32, #tpu.memory_space<vmem>>, %arg2: memref<128x128xf32, #tpu.memory_space<vmem>>, %arg3: memref<1x128xf32, #tpu.memory_space<vmem>>, %arg4: memref<2000x128xf32, #tpu.memory_space<vmem>>) attributes {dimension_semantics = [#tpu.dimension_semantics<arbitrary>], iteration_bounds = array<i64: 5>, scalar_prefetch = 0 : i64, scratch_operands = 0 : i64, tpu.core_type = #tpu.core_type<tc>, window_params = [{transform_indices = @transform_0, window_bounds = array<i64: 2000, 128>}, {pipeline_mode = #tpu.pipeline_mode<synchronous>, transform_indices = @transform_1, window_bounds = array<i64: 128, 128>}, {pipeline_mode = #tpu.pipeline_mode<synchronous>, transform_indices = @transform_2, window_bounds = array<i64: 1, 128>}, {transform_indices = @transform_3, window_bounds = array<i64: 2000, 128>}]} {
    %get3A = arith.constant 0 : index
    %get3A_0 = arith.constant 0 : index
    %get3A_1 = vector.load %arg1[%get3A, %get3A_0] : memref<2000x128xf32, #tpu.memory_space<vmem>>, vector<2000x128xf32>
    %get3A_2 = arith.constant 0 : index
    %get3A_3 = arith.constant 0 : index
    %get3A_4 = vector.load %arg2[%get3A_2, %get3A_3] : memref<128x128xf32, #tpu.memory_space<vmem>>, vector<128x128xf32>
    %dot_general3A = arith.constant dense<0.000000e+00> : vector<2000x128xf32>
    %dot_general3A_5 = tpu.matmul %get3A_1, %get3A_4, %dot_general3A {dimension_numbers = #tpu.dot_dimension_numbers<[1], [0], [0], [1], [0, 0, 1, 1], [], []>, transpose_lhs_hint = false} : vector<2000x128xf32>, vector<128x128xf32>, vector<2000x128xf32> -> vector<2000x128xf32>
    %get3A_6 = arith.constant 0 : index
    %get3A_7 = arith.constant 0 : index
    %get3A_8 = vector.load %arg3[%get3A_6, %get3A_7] : memref<1x128xf32, #tpu.memory_space<vmem>>, vector<1x128xf32>
    %add3A = vector.broadcast %get3A_8 : vector<1x128xf32> to vector<2000x128xf32>
    %add3A_9 = arith.addf %dot_general3A_5, %add3A : vector<2000x128xf32>
    %max3A = arith.constant 0.000000e+00 : f32
    %max3A_10 = vector.broadcast %max3A : f32 to vector<2000x128xf32>
    %max3A_11 = arith.maximumf %add3A_9, %max3A_10 : vector<2000x128xf32>
    %swap3A = arith.constant 0 : index
    %swap3A_12 = arith.constant 0 : index
    %swap3A_13 = vector.load %arg4[%swap3A, %swap3A_12] : memref<2000x128xf32, #tpu.memory_space<vmem>>, vector<2000x128xf32>
    tpu.vector_store %arg4[%swap3A, %swap3A_12], %max3A_11 {strides = array<i32>} : memref<2000x128xf32, #tpu.memory_space<vmem>>, vector<2000x128xf32>,
    return
  }
  func.func @transform_0(%arg0: i32) -> (i32, i32) {
    %c0_i32 = arith.constant 0 : i32
    %c0_i32_0 = arith.constant 0 : i32
    return %arg0, %c0_i32 : i32, i32
  }
  func.func @transform_1(%arg0: i32) -> (i32, i32) {
    %c0_i32 = arith.constant 0 : i32
    %c0_i32_0 = arith.constant 0 : i32
    %c0_i32_1 = arith.constant 0 : i32
    return %c0_i32, %c0_i32_0 : i32, i32
  }
  func.func @transform_2(%arg0: i32) -> (i32, i32) {
    %c0_i32 = arith.constant 0 : i32
    %c0_i32_0 = arith.constant 0 : i32
    %c0_i32_1 = arith.constant 0 : i32
    return %c0_i32, %c0_i32_0 : i32, i32
  }
  func.func @transform_3(%arg0: i32) -> (i32, i32) {
    %c0_i32 = arith.constant 0 : i32
    %c0_i32_0 = arith.constant 0 : i32
    return %arg0, %c0_i32 : i32, i32
  }
}

module attributes {stable_mosaic.version = 14 : i64} {
  func.func @_edge_mlp_body(%arg0: i32, %arg1: memref<2560x128xf32, #tpu.memory_space<vmem>>, %arg2: memref<2560x4xf32, #tpu.memory_space<vmem>>, %arg3: memref<128x128xf32, #tpu.memory_space<vmem>>, %arg4: memref<4x128xf32, #tpu.memory_space<vmem>>, %arg5: memref<1x128xf32, #tpu.memory_space<vmem>>, %arg6: memref<128x128xf32, #tpu.memory_space<vmem>>, %arg7: memref<1x128xf32, #tpu.memory_space<vmem>>, %arg8: memref<2560x128xf32, #tpu.memory_space<vmem>>) attributes {dimension_semantics = [#tpu.dimension_semantics<arbitrary>], iteration_bounds = array<i64: 125>, scalar_prefetch = 0 : i64, scratch_operands = 0 : i64, tpu.core_type = #tpu.core_type<tc>, window_params = [{transform_indices = @transform_0, window_bounds = array<i64: 2560, 128>}, {transform_indices = @transform_1, window_bounds = array<i64: 2560, 4>}, {pipeline_mode = #tpu.pipeline_mode<synchronous>, transform_indices = @transform_2, window_bounds = array<i64: 128, 128>}, {pipeline_mode = #tpu.pipeline_mode<synchronous>, transform_indices = @transform_3, window_bounds = array<i64: 4, 128>}, {pipeline_mode = #tpu.pipeline_mode<synchronous>, transform_indices = @transform_4, window_bounds = array<i64: 1, 128>}, {pipeline_mode = #tpu.pipeline_mode<synchronous>, transform_indices = @transform_5, window_bounds = array<i64: 128, 128>}, {pipeline_mode = #tpu.pipeline_mode<synchronous>, transform_indices = @transform_6, window_bounds = array<i64: 1, 128>}, {transform_indices = @transform_7, window_bounds = array<i64: 2560, 128>}]} {
    %get3A = arith.constant 0 : index
    %get3A_0 = arith.constant 0 : index
    %get3A_1 = vector.load %arg1[%get3A, %get3A_0] : memref<2560x128xf32, #tpu.memory_space<vmem>>, vector<2560x128xf32>
    %get3A_2 = arith.constant 0 : index
    %get3A_3 = arith.constant 0 : index
    %get3A_4 = vector.load %arg3[%get3A_2, %get3A_3] : memref<128x128xf32, #tpu.memory_space<vmem>>, vector<128x128xf32>
    %dot_general3A = arith.constant dense<0.000000e+00> : vector<2560x128xf32>
    %dot_general3A_5 = tpu.matmul %get3A_1, %get3A_4, %dot_general3A {dimension_numbers = #tpu.dot_dimension_numbers<[1], [0], [0], [1], [0, 0, 1, 1], [], []>, transpose_lhs_hint = false} : vector<2560x128xf32>, vector<128x128xf32>, vector<2560x128xf32> -> vector<2560x128xf32>
    %get3A_6 = arith.constant 0 : index
    %get3A_7 = arith.constant 0 : index
    %get3A_8 = vector.load %arg2[%get3A_6, %get3A_7] : memref<2560x4xf32, #tpu.memory_space<vmem>>, vector<2560x4xf32>
    %get3A_9 = arith.constant 0 : index
    %get3A_10 = arith.constant 0 : index
    %get3A_11 = vector.load %arg4[%get3A_9, %get3A_10] : memref<4x128xf32, #tpu.memory_space<vmem>>, vector<4x128xf32>
    %dot_general3A_12 = arith.constant dense<0.000000e+00> : vector<2560x128xf32>
    %dot_general3A_13 = tpu.matmul %get3A_8, %get3A_11, %dot_general3A_12 {dimension_numbers = #tpu.dot_dimension_numbers<[1], [0], [0], [1], [0, 0, 1, 1], [], []>, transpose_lhs_hint = false} : vector<2560x4xf32>, vector<4x128xf32>, vector<2560x128xf32> -> vector<2560x128xf32>
    %add3A = arith.addf %dot_general3A_5, %dot_general3A_13 : vector<2560x128xf32>
    %get3A_14 = arith.constant 0 : index
    %get3A_15 = arith.constant 0 : index
    %get3A_16 = vector.load %arg5[%get3A_14, %get3A_15] : memref<1x128xf32, #tpu.memory_space<vmem>>, vector<1x128xf32>
    %add3A_17 = vector.broadcast %get3A_16 : vector<1x128xf32> to vector<2560x128xf32>
    %add3A_18 = arith.addf %add3A, %add3A_17 : vector<2560x128xf32>
    %max3A = arith.constant 0.000000e+00 : f32
    %max3A_19 = vector.broadcast %max3A : f32 to vector<2560x128xf32>
    %max3A_20 = arith.maximumf %add3A_18, %max3A_19 : vector<2560x128xf32>
    %get3A_21 = arith.constant 0 : index
    %get3A_22 = arith.constant 0 : index
    %get3A_23 = vector.load %arg6[%get3A_21, %get3A_22] : memref<128x128xf32, #tpu.memory_space<vmem>>, vector<128x128xf32>
    %dot_general3A_24 = arith.constant dense<0.000000e+00> : vector<2560x128xf32>
    %dot_general3A_25 = tpu.matmul %max3A_20, %get3A_23, %dot_general3A_24 {dimension_numbers = #tpu.dot_dimension_numbers<[1], [0], [0], [1], [0, 0, 1, 1], [], []>, transpose_lhs_hint = false} : vector<2560x128xf32>, vector<128x128xf32>, vector<2560x128xf32> -> vector<2560x128xf32>
    %get3A_26 = arith.constant 0 : index
    %get3A_27 = arith.constant 0 : index
    %get3A_28 = vector.load %arg7[%get3A_26, %get3A_27] : memref<1x128xf32, #tpu.memory_space<vmem>>, vector<1x128xf32>
    %add3A_29 = vector.broadcast %get3A_28 : vector<1x128xf32> to vector<2560x128xf32>
    %add3A_30 = arith.addf %dot_general3A_25, %add3A_29 : vector<2560x128xf32>
    %max3A_31 = arith.constant 0.000000e+00 : f32
    %max3A_32 = vector.broadcast %max3A_31 : f32 to vector<2560x128xf32>
    %max3A_33 = arith.maximumf %add3A_30, %max3A_32 : vector<2560x128xf32>
    %swap3A = arith.constant 0 : index
    %swap3A_34 = arith.constant 0 : index
    %swap3A_35 = vector.load %arg8[%swap3A, %swap3A_34] : memref<2560x128xf32, #tpu.memory_space<vmem>>, vector<2560x128xf32>
    tpu.vector_store %arg8[%swap3A, %swap3A_34], %max3A_33 {strides = array<i32>} : memref<2560x128xf32, #tpu.memory_space<vmem>>, vector<2560x128xf32>,
    return
  }
  func.func @transform_0(%arg0: i32) -> (i32, i32) {
    %c0_i32 = arith.constant 0 : i32
    %c0_i32_0 = arith.constant 0 : i32
    return %arg0, %c0_i32 : i32, i32
  }
  func.func @transform_1(%arg0: i32) -> (i32, i32) {
    %c0_i32 = arith.constant 0 : i32
    %c0_i32_0 = arith.constant 0 : i32
    return %arg0, %c0_i32 : i32, i32
  }
  func.func @transform_2(%arg0: i32) -> (i32, i32) {
    %c0_i32 = arith.constant 0 : i32
    %c0_i32_0 = arith.constant 0 : i32
    %c0_i32_1 = arith.constant 0 : i32
    return %c0_i32, %c0_i32_0 : i32, i32
  }
  func.func @transform_3(%arg0: i32) -> (i32, i32) {
    %c0_i32 = arith.constant 0 : i32
    %c0_i32_0 = arith.constant 0 : i32
    %c0_i32_1 = arith.constant 0 : i32
    return %c0_i32, %c0_i32_0 : i32, i32
  }
  func.func @transform_4(%arg0: i32) -> (i32, i32) {
    %c0_i32 = arith.constant 0 : i32
    %c0_i32_0 = arith.constant 0 : i32
    %c0_i32_1 = arith.constant 0 : i32
    return %c0_i32, %c0_i32_0 : i32, i32
  }
  func.func @transform_5(%arg0: i32) -> (i32, i32) {
    %c0_i32 = arith.constant 0 : i32
    %c0_i32_0 = arith.constant 0 : i32
    %c0_i32_1 = arith.constant 0 : i32
    return %c0_i32, %c0_i32_0 : i32, i32
  }
  func.func @transform_6(%arg0: i32) -> (i32, i32) {
    %c0_i32 = arith.constant 0 : i32
    %c0_i32_0 = arith.constant 0 : i32
    %c0_i32_1 = arith.constant 0 : i32
    return %c0_i32, %c0_i32_0 : i32, i32
  }
  func.func @transform_7(%arg0: i32) -> (i32, i32) {
    %c0_i32 = arith.constant 0 : i32
    %c0_i32_0 = arith.constant 0 : i32
    return %arg0, %c0_i32 : i32, i32
  }
}

module attributes {stable_mosaic.version = 14 : i64} {
  func.func @_update_body(%arg0: i32, %arg1: memref<2000x128xf32, #tpu.memory_space<vmem>>, %arg2: memref<2000x128xf32, #tpu.memory_space<vmem>>, %arg3: memref<2000x128xf32, #tpu.memory_space<vmem>>, %arg4: memref<2000x128xf32, #tpu.memory_space<vmem>>, %arg5: memref<2000x128xf32, #tpu.memory_space<vmem>>, %arg6: memref<128x128xf32, #tpu.memory_space<vmem>>, %arg7: memref<128x128xf32, #tpu.memory_space<vmem>>, %arg8: memref<1x128xf32, #tpu.memory_space<vmem>>, %arg9: memref<128x128xf32, #tpu.memory_space<vmem>>, %arg10: memref<1x128xf32, #tpu.memory_space<vmem>>, %arg11: memref<2000x128xf32, #tpu.memory_space<vmem>>) attributes {dimension_semantics = [#tpu.dimension_semantics<arbitrary>], iteration_bounds = array<i64: 5>, scalar_prefetch = 0 : i64, scratch_operands = 0 : i64, tpu.core_type = #tpu.core_type<tc>, window_params = [{transform_indices = @transform_0, window_bounds = array<i64: 2000, 128>}, {transform_indices = @transform_1, window_bounds = array<i64: 2000, 128>}, {transform_indices = @transform_2, window_bounds = array<i64: 2000, 128>}, {transform_indices = @transform_3, window_bounds = array<i64: 2000, 128>}, {transform_indices = @transform_4, window_bounds = array<i64: 2000, 128>}, {pipeline_mode = #tpu.pipeline_mode<synchronous>, transform_indices = @transform_5, window_bounds = array<i64: 128, 128>}, {pipeline_mode = #tpu.pipeline_mode<synchronous>, transform_indices = @transform_6, window_bounds = array<i64: 128, 128>}, {pipeline_mode = #tpu.pipeline_mode<synchronous>, transform_indices = @transform_7, window_bounds = array<i64: 1, 128>}, {pipeline_mode = #tpu.pipeline_mode<synchronous>, transform_indices = @transform_8, window_bounds = array<i64: 128, 128>}, {pipeline_mode = #tpu.pipeline_mode<synchronous>, transform_indices = @transform_9, window_bounds = array<i64: 1, 128>}, {transform_indices = @transform_10, window_bounds = array<i64: 2000, 128>}]} {
    %get3A = arith.constant 0 : index
    %get3A_0 = arith.constant 0 : index
    %get3A_1 = vector.load %arg4[%get3A, %get3A_0] : memref<2000x128xf32, #tpu.memory_space<vmem>>, vector<2000x1xf32>
    %get3A_2 = arith.constant 0 : index
    %get3A_3 = arith.constant 0 : index
    %get3A_4 = vector.load %arg5[%get3A_2, %get3A_3] : memref<2000x128xf32, #tpu.memory_space<vmem>>, vector<2000x1xf32>
    %add3A = arith.addf %get3A_1, %get3A_4 : vector<2000x1xf32>
    %max3A = arith.constant 1.000000e+00 : f32
    %max3A_5 = vector.broadcast %max3A : f32 to vector<2000x1xf32>
    %max3A_6 = arith.maximumf %add3A, %max3A_5 : vector<2000x1xf32>
    %get3A_7 = arith.constant 0 : index
    %get3A_8 = arith.constant 0 : index
    %get3A_9 = vector.load %arg2[%get3A_7, %get3A_8] : memref<2000x128xf32, #tpu.memory_space<vmem>>, vector<2000x128xf32>
    %get3A_10 = arith.constant 0 : index
    %get3A_11 = arith.constant 0 : index
    %get3A_12 = vector.load %arg3[%get3A_10, %get3A_11] : memref<2000x128xf32, #tpu.memory_space<vmem>>, vector<2000x128xf32>
    %add3A_13 = arith.addf %get3A_9, %get3A_12 : vector<2000x128xf32>
    %div3A = vector.broadcast %max3A_6 : vector<2000x1xf32> to vector<2000x128xf32>
    %div3A_14 = arith.divf %add3A_13, %div3A : vector<2000x128xf32>
    %get3A_15 = arith.constant 0 : index
    %get3A_16 = arith.constant 0 : index
    %get3A_17 = vector.load %arg1[%get3A_15, %get3A_16] : memref<2000x128xf32, #tpu.memory_space<vmem>>, vector<2000x128xf32>
    %get3A_18 = arith.constant 0 : index
    %get3A_19 = arith.constant 0 : index
    %get3A_20 = vector.load %arg6[%get3A_18, %get3A_19] : memref<128x128xf32, #tpu.memory_space<vmem>>, vector<128x128xf32>
    %dot_general3A = arith.constant dense<0.000000e+00> : vector<2000x128xf32>
    %dot_general3A_21 = tpu.matmul %get3A_17, %get3A_20, %dot_general3A {dimension_numbers = #tpu.dot_dimension_numbers<[1], [0], [0], [1], [0, 0, 1, 1], [], []>, transpose_lhs_hint = false} : vector<2000x128xf32>, vector<128x128xf32>, vector<2000x128xf32> -> vector<2000x128xf32>
    %get3A_22 = arith.constant 0 : index
    %get3A_23 = arith.constant 0 : index
    %get3A_24 = vector.load %arg7[%get3A_22, %get3A_23] : memref<128x128xf32, #tpu.memory_space<vmem>>, vector<128x128xf32>
    %dot_general3A_25 = arith.constant dense<0.000000e+00> : vector<2000x128xf32>
    %dot_general3A_26 = tpu.matmul %div3A_14, %get3A_24, %dot_general3A_25 {dimension_numbers = #tpu.dot_dimension_numbers<[1], [0], [0], [1], [0, 0, 1, 1], [], []>, transpose_lhs_hint = false} : vector<2000x128xf32>, vector<128x128xf32>, vector<2000x128xf32> -> vector<2000x128xf32>
    %add3A_27 = arith.addf %dot_general3A_21, %dot_general3A_26 : vector<2000x128xf32>
    %get3A_28 = arith.constant 0 : index
    %get3A_29 = arith.constant 0 : index
    %get3A_30 = vector.load %arg8[%get3A_28, %get3A_29] : memref<1x128xf32, #tpu.memory_space<vmem>>, vector<1x128xf32>
    %add3A_31 = vector.broadcast %get3A_30 : vector<1x128xf32> to vector<2000x128xf32>
    %add3A_32 = arith.addf %add3A_27, %add3A_31 : vector<2000x128xf32>
    %max3A_33 = arith.constant 0.000000e+00 : f32
    %max3A_34 = vector.broadcast %max3A_33 : f32 to vector<2000x128xf32>
    %max3A_35 = arith.maximumf %add3A_32, %max3A_34 : vector<2000x128xf32>
    %get3A_36 = arith.constant 0 : index
    %get3A_37 = arith.constant 0 : index
    %get3A_38 = vector.load %arg9[%get3A_36, %get3A_37] : memref<128x128xf32, #tpu.memory_space<vmem>>, vector<128x128xf32>
    %dot_general3A_39 = arith.constant dense<0.000000e+00> : vector<2000x128xf32>
    %dot_general3A_40 = tpu.matmul %max3A_35, %get3A_38, %dot_general3A_39 {dimension_numbers = #tpu.dot_dimension_numbers<[1], [0], [0], [1], [0, 0, 1, 1], [], []>, transpose_lhs_hint = false} : vector<2000x128xf32>, vector<128x128xf32>, vector<2000x128xf32> -> vector<2000x128xf32>
    %get3A_41 = arith.constant 0 : index
    %get3A_42 = arith.constant 0 : index
    %get3A_43 = vector.load %arg10[%get3A_41, %get3A_42] : memref<1x128xf32, #tpu.memory_space<vmem>>, vector<1x128xf32>
    %add3A_44 = vector.broadcast %get3A_43 : vector<1x128xf32> to vector<2000x128xf32>
    %add3A_45 = arith.addf %dot_general3A_40, %add3A_44 : vector<2000x128xf32>
    %add3A_46 = arith.addf %add3A_45, %get3A_17 : vector<2000x128xf32>
    %max3A_47 = arith.constant 0.000000e+00 : f32
    %max3A_48 = vector.broadcast %max3A_47 : f32 to vector<2000x128xf32>
    %max3A_49 = arith.maximumf %add3A_46, %max3A_48 : vector<2000x128xf32>
    %swap3A = arith.constant 0 : index
    %swap3A_50 = arith.constant 0 : index
    %swap3A_51 = vector.load %arg11[%swap3A, %swap3A_50] : memref<2000x128xf32, #tpu.memory_space<vmem>>, vector<2000x128xf32>
    tpu.vector_store %arg11[%swap3A, %swap3A_50], %max3A_49 {strides = array<i32>} : memref<2000x128xf32, #tpu.memory_space<vmem>>, vector<2000x128xf32>,
    return
  }
  func.func @transform_0(%arg0: i32) -> (i32, i32) {
    %c0_i32 = arith.constant 0 : i32
    %c0_i32_0 = arith.constant 0 : i32
    return %arg0, %c0_i32 : i32, i32
  }
  func.func @transform_1(%arg0: i32) -> (i32, i32) {
    %c0_i32 = arith.constant 0 : i32
    %c0_i32_0 = arith.constant 0 : i32
    return %arg0, %c0_i32 : i32, i32
  }
  func.func @transform_2(%arg0: i32) -> (i32, i32) {
    %c0_i32 = arith.constant 0 : i32
    %c0_i32_0 = arith.constant 0 : i32
    return %arg0, %c0_i32 : i32, i32
  }
  func.func @transform_3(%arg0: i32) -> (i32, i32) {
    %c0_i32 = arith.constant 0 : i32
    %c0_i32_0 = arith.constant 0 : i32
    return %arg0, %c0_i32 : i32, i32
  }
  func.func @transform_4(%arg0: i32) -> (i32, i32) {
    %c0_i32 = arith.constant 0 : i32
    %c0_i32_0 = arith.constant 0 : i32
    return %arg0, %c0_i32 : i32, i32
  }
  func.func @transform_5(%arg0: i32) -> (i32, i32) {
    %c0_i32 = arith.constant 0 : i32
    %c0_i32_0 = arith.constant 0 : i32
    %c0_i32_1 = arith.constant 0 : i32
    return %c0_i32, %c0_i32_0 : i32, i32
  }
  func.func @transform_6(%arg0: i32) -> (i32, i32) {
    %c0_i32 = arith.constant 0 : i32
    %c0_i32_0 = arith.constant 0 : i32
    %c0_i32_1 = arith.constant 0 : i32
    return %c0_i32, %c0_i32_0 : i32, i32
  }
  func.func @transform_7(%arg0: i32) -> (i32, i32) {
    %c0_i32 = arith.constant 0 : i32
    %c0_i32_0 = arith.constant 0 : i32
    %c0_i32_1 = arith.constant 0 : i32
    return %c0_i32, %c0_i32_0 : i32, i32
  }
  func.func @transform_8(%arg0: i32) -> (i32, i32) {
    %c0_i32 = arith.constant 0 : i32
    %c0_i32_0 = arith.constant 0 : i32
    %c0_i32_1 = arith.constant 0 : i32
    return %c0_i32, %c0_i32_0 : i32, i32
  }
  func.func @transform_9(%arg0: i32) -> (i32, i32) {
    %c0_i32 = arith.constant 0 : i32
    %c0_i32_0 = arith.constant 0 : i32
    %c0_i32_1 = arith.constant 0 : i32
    return %c0_i32, %c0_i32_0 : i32, i32
  }
  func.func @transform_10(%arg0: i32) -> (i32, i32) {
    %c0_i32 = arith.constant 0 : i32
    %c0_i32_0 = arith.constant 0 : i32
    return %arg0, %c0_i32 : i32, i32
  }
}

module attributes {stable_mosaic.version = 14 : i64} {
  func.func @_head_body(%arg0: i32, %arg1: memref<2000x128xf32, #tpu.memory_space<vmem>>, %arg2: memref<128x128xf32, #tpu.memory_space<vmem>>, %arg3: memref<1x128xf32, #tpu.memory_space<vmem>>, %arg4: memref<128x3xf32, #tpu.memory_space<vmem>>, %arg5: memref<1x3xf32, #tpu.memory_space<vmem>>, %arg6: memref<2000x3xf32, #tpu.memory_space<vmem>>) attributes {dimension_semantics = [#tpu.dimension_semantics<arbitrary>], iteration_bounds = array<i64: 5>, scalar_prefetch = 0 : i64, scratch_operands = 0 : i64, tpu.core_type = #tpu.core_type<tc>, window_params = [{transform_indices = @transform_0, window_bounds = array<i64: 2000, 128>}, {pipeline_mode = #tpu.pipeline_mode<synchronous>, transform_indices = @transform_1, window_bounds = array<i64: 128, 128>}, {pipeline_mode = #tpu.pipeline_mode<synchronous>, transform_indices = @transform_2, window_bounds = array<i64: 1, 128>}, {pipeline_mode = #tpu.pipeline_mode<synchronous>, transform_indices = @transform_3, window_bounds = array<i64: 128, 3>}, {pipeline_mode = #tpu.pipeline_mode<synchronous>, transform_indices = @transform_4, window_bounds = array<i64: 1, 3>}, {transform_indices = @transform_5, window_bounds = array<i64: 2000, 3>}]} {
    %get3A = arith.constant 0 : index
    %get3A_0 = arith.constant 0 : index
    %get3A_1 = vector.load %arg1[%get3A, %get3A_0] : memref<2000x128xf32, #tpu.memory_space<vmem>>, vector<2000x128xf32>
    %get3A_2 = arith.constant 0 : index
    %get3A_3 = arith.constant 0 : index
    %get3A_4 = vector.load %arg2[%get3A_2, %get3A_3] : memref<128x128xf32, #tpu.memory_space<vmem>>, vector<128x128xf32>
    %dot_general3A = arith.constant dense<0.000000e+00> : vector<2000x128xf32>
    %dot_general3A_5 = tpu.matmul %get3A_1, %get3A_4, %dot_general3A {dimension_numbers = #tpu.dot_dimension_numbers<[1], [0], [0], [1], [0, 0, 1, 1], [], []>, transpose_lhs_hint = false} : vector<2000x128xf32>, vector<128x128xf32>, vector<2000x128xf32> -> vector<2000x128xf32>
    %get3A_6 = arith.constant 0 : index
    %get3A_7 = arith.constant 0 : index
    %get3A_8 = vector.load %arg3[%get3A_6, %get3A_7] : memref<1x128xf32, #tpu.memory_space<vmem>>, vector<1x128xf32>
    %add3A = vector.broadcast %get3A_8 : vector<1x128xf32> to vector<2000x128xf32>
    %add3A_9 = arith.addf %dot_general3A_5, %add3A : vector<2000x128xf32>
    %max3A = arith.constant 0.000000e+00 : f32
    %max3A_10 = vector.broadcast %max3A : f32 to vector<2000x128xf32>
    %max3A_11 = arith.maximumf %add3A_9, %max3A_10 : vector<2000x128xf32>
    %get3A_12 = arith.constant 0 : index
    %get3A_13 = arith.constant 0 : index
    %get3A_14 = vector.load %arg4[%get3A_12, %get3A_13] : memref<128x3xf32, #tpu.memory_space<vmem>>, vector<128x3xf32>
    %dot_general3A_15 = arith.constant dense<0.000000e+00> : vector<2000x3xf32>
    %dot_general3A_16 = tpu.matmul %max3A_11, %get3A_14, %dot_general3A_15 {dimension_numbers = #tpu.dot_dimension_numbers<[1], [0], [0], [1], [0, 0, 1, 1], [], []>, transpose_lhs_hint = false} : vector<2000x128xf32>, vector<128x3xf32>, vector<2000x3xf32> -> vector<2000x3xf32>
    %get3A_17 = arith.constant 0 : index
    %get3A_18 = arith.constant 0 : index
    %get3A_19 = vector.load %arg5[%get3A_17, %get3A_18] : memref<1x3xf32, #tpu.memory_space<vmem>>, vector<1x3xf32>
    %add3A_20 = vector.broadcast %get3A_19 : vector<1x3xf32> to vector<2000x3xf32>
    %add3A_21 = arith.addf %dot_general3A_16, %add3A_20 : vector<2000x3xf32>
    %max3A_22 = arith.constant 0.000000e+00 : f32
    %max3A_23 = vector.broadcast %max3A_22 : f32 to vector<2000x3xf32>
    %max3A_24 = arith.maximumf %add3A_21, %max3A_23 : vector<2000x3xf32>
    %swap3A = arith.constant 0 : index
    %swap3A_25 = arith.constant 0 : index
    %swap3A_26 = vector.load %arg6[%swap3A, %swap3A_25] : memref<2000x3xf32, #tpu.memory_space<vmem>>, vector<2000x3xf32>
    tpu.vector_store %arg6[%swap3A, %swap3A_25], %max3A_24 {strides = array<i32>} : memref<2000x3xf32, #tpu.memory_space<vmem>>, vector<2000x3xf32>,
    return
  }
  func.func @transform_0(%arg0: i32) -> (i32, i32) {
    %c0_i32 = arith.constant 0 : i32
    %c0_i32_0 = arith.constant 0 : i32
    return %arg0, %c0_i32 : i32, i32
  }
  func.func @transform_1(%arg0: i32) -> (i32, i32) {
    %c0_i32 = arith.constant 0 : i32
    %c0_i32_0 = arith.constant 0 : i32
    %c0_i32_1 = arith.constant 0 : i32
    return %c0_i32, %c0_i32_0 : i32, i32
  }
  func.func @transform_2(%arg0: i32) -> (i32, i32) {
    %c0_i32 = arith.constant 0 : i32
    %c0_i32_0 = arith.constant 0 : i32
    %c0_i32_1 = arith.constant 0 : i32
    return %c0_i32, %c0_i32_0 : i32, i32
  }
  func.func @transform_3(%arg0: i32) -> (i32, i32) {
    %c0_i32 = arith.constant 0 : i32
    %c0_i32_0 = arith.constant 0 : i32
    %c0_i32_1 = arith.constant 0 : i32
    return %c0_i32, %c0_i32_0 : i32, i32
  }
  func.func @transform_4(%arg0: i32) -> (i32, i32) {
    %c0_i32 = arith.constant 0 : i32
    %c0_i32_0 = arith.constant 0 : i32
    %c0_i32_1 = arith.constant 0 : i32
    return %c0_i32, %c0_i32_0 : i32, i32
  }
  func.func @transform_5(%arg0: i32) -> (i32, i32) {
    %c0_i32 = arith.constant 0 : i32
    %c0_i32_0 = arith.constant 0 : i32
    return %arg0, %c0_i32 : i32, i32
  }
}

</mosaic_0001>

<sc_bundles>
// kernel: kernel.21.cloned.1.call-start
scs
__scs_entry_jumppad:
0x0: {  	(pc) =	sbr.rel $0x88, $3  }
0x1: {  	(tag) =	ssettag $0x0;
	lr =	simm.s32 $0x1  }
0x2: {  	[smem:$0x3F90] =	sst lr;
	_ =	strace $0xD0000000  }
0x3: {  	_ = 	snop  }
0x4: {  	_ = 	snop  }
0x5: {  	_ = 	snop  }
0x6: {  	_ = 	snop  }
0x7: {  	_ = 	snop  }
__scs_overlays_trampoline_lowered:
0x8: {  	[smem:$0x3F9F] =	sst s0  }
0x9: {  	[smem:$0x3FA0] =	sst s1  }
0xa: {  	[smem:$0x3FA1] =	sst s2  }
0xb: {  	[smem:$0x3FA2] =	sst s3  }
0xc: {  	[smem:$0x3FA3] =	sst s4  }
0xd: {  	[smem:$0x3FA4] =	sst s5  }
0xe: {  	[smem:$0x3FA5] =	sst s6  }
0xf: {  	[smem:$0x3FA6] =	sst s7  }
0x10: {  	[smem:$0x3FA7] =	sst s8  }
0x11: {  	[smem:$0x3FA8] =	sst s9;
	s0 =	simm.s32 @!p0 $0x0  }
0x12: {  	s1 =	sld [smem:$0x3F8E];
	s0 =	simm.s32 @p0 $0x1  }
0x13: {  	[smem:$0x3FA9] =	sst s0;
	s0 =	simm.s32 @!p1 $0x0  }
0x14: {  	s2 =	sld [smem:$0x3F8D];
	s0 =	simm.s32 @p1 $0x1  }
0x15: {  	[smem:$0x3FAA] =	sst s0;
	s0 =	simm.s32 @!p2 $0x0  }
0x16: {  	s3 =	sld [smem:$0x3FDB];
	s0 =	simm.s32 @p2 $0x1  }
0x17: {  	s4 =	simm.s32 $0x1BF5;
	[smem:$0x3FAC] =	sst s0  }
0x18: {  	s0 =	sld [smem:$0x3F8F];
	_ =	swait.ge [sflag:s4], $0x0  }
0x19: {  	s7 =	sld [smem:$0x3F90]  }
0x1a: {  	s8 =	sadd.s32 $0xFFFFE003, lr  }
0x1b: {  	s9 =	sadd.s32 $0xFFFFFEF7, lr;
	s5 =	simm.s32 $0xFFFFFFFF;
	p2 =	slt.u32 s8, $0xFFFFF086  }
0x1c: {  	p1 =	slt.u32 s9, $0xF7A;
	s5 =	simm.s32 @!p2 $0x0  }
0x1d: {  	s5 =	simm.s32 @p1 $0x1;
	p0 =	seq.s32 s7, s2  }
0x1e: {  	s7 =	smul.u32 @!p0 $0xF7A, s2;
	p2 =	seq.s32 @!p0 s5, $0x0  }
0x1f: {  	s9 =	smul.u32 $0xF7A, s1;
	s8 =	simm.s32 @!p0 $0x1BF5;
	p2 =	por !p2, p0  }
0x20: {  	[sflag:s8] =	ssyncset.s32 @!p0 $0xFFFFF086;
	s6 =	sadd.s32 @!p0 s3, s7;
	s7 =	simm.s32 @!p0 $0x108  }
0x21: {  	s3 =	sadd.s32 s3, s9;
	s6 =	sadd.s32 @!p0 $0x88, s6;
	s7 =	simm.s32 @p2 $0x1082  }
0x22: {  	[simem:s7], [sflag:s8] =	dma.local @!p0 [hbm:s6], $0xF7A  }
0x23: {  	s9 =	sor.u32 $0xD0000000, s2;
	s6 =	simm.s32 $0x108;
	_ =	swait.ge @!p0 [sflag:s8], $0x0  }
0x24: {  	s3 =	sadd.s32 $0x88, s3;
	s6 =	simm.s32 @!p1 $0x1082;
	[sflag:s4] =	ssyncset.s32 $0xFFFFF086  }
0x25: {  	[simem:s6], [sflag:s4] =	dma.local [hbm:s3], $0xF7A  }
0x26: {  	[smem:$0x3F90] =	sst s1;
	(tag) =	ssettag s2;
	_ =	strace s9  }
0x27: {  	s1 =	sld [smem:$0x3FA0]  }
0x28: {  	s2 =	sld [smem:$0x3FA1]  }
0x29: {  	s4 =	sld [smem:$0x3FA3]  }
0x2a: {  	p0 =	seq.s32 s5, $0x0;
	s5 =	sld [smem:$0x3FA4]  }
0x2b: {  	s6 =	sld [smem:$0x3FA5]  }
0x2c: {  	s7 =	sld [smem:$0x3FA6]  }
0x2d: {  	s3 =	simm.s32 $0x108;
	s8 =	sld [smem:$0x3FA7]  }
0x2e: {  	s3 =	simm.s32 @!p0 $0x1082;
	s9 =	sld [smem:$0x3FA8]  }
0x2f: {  	lr =	sadd.s32 s0, s3;
	s0 =	sld [smem:$0x3F9F]  }
0x30: {  	s3 =	sld [smem:$0x3FA2]  }
0x31: {  	[smem:$0x3FAB] =	sst s10  }
0x32: {  	s10 =	sld [smem:$0x3FA9];
	_ =	sdelay $0x3  }
0x33: {  	p0 =	seq.s32 s10, $0x1;
	s10 =	sld [smem:$0x3FAB];
	_ =	sdelay $0x3  }
0x34: {  	[smem:$0x3FAB] =	sst s10  }
0x35: {  	s10 =	sld [smem:$0x3FAA];
	_ =	sdelay $0x3  }
0x36: {  	p1 =	seq.s32 s10, $0x1;
	s10 =	sld [smem:$0x3FAB];
	_ =	sdelay $0x3  }
0x37: {  	[smem:$0x3FAB] =	sst s10  }
0x38: {  	s10 =	sld [smem:$0x3FAC]  }
0x39: {  	_ = 	snop;
	(pc) =	sbr.ind lr, $3  }
0x3a: {  	_ = 	snop  }
0x3b: {  	_ = 	snop  }
0x3c: {  	p2 =	seq.s32 s10, $0x1;
	s10 =	sld [smem:$0x3FAB]  }
0x3d: {  	_ =	shalt  }
0x3e: {  	_ =	shalt  }
0x3f: {  	_ =	shalt  }
0x40: {  	_ =	shalt  }
0x41: {  	_ =	shalt  }
0x42: {  	_ =	shalt  }
0x43: {  	_ =	shalt  }
0x44: {  	_ =	shalt  }
0x45: {  	_ =	shalt  }
0x46: {  	_ =	shalt  }
0x47: {  	_ =	shalt  }
0x48: {  	_ =	shalt  }
0x49: {  	_ =	shalt  }
0x4a: {  	_ =	shalt  }
0x4b: {  	_ =	shalt  }
0x4c: {  	_ =	shalt  }
0x4d: {  	_ =	shalt  }
0x4e: {  	_ =	shalt  }
0x4f: {  	_ =	shalt  }
0x50: {  	_ =	shalt  }
0x51: {  	_ =	shalt  }
0x52: {  	_ =	shalt  }
0x53: {  	_ =	shalt  }
0x54: {  	_ =	shalt  }
0x55: {  	_ =	shalt  }
0x56: {  	_ =	shalt  }
0x57: {  	_ =	shalt  }
0x58: {  	_ =	shalt  }
0x59: {  	_ =	shalt  }
0x5a: {  	_ =	shalt  }
0x5b: {  	_ =	shalt  }
0x5c: {  	_ =	shalt  }
0x5d: {  	_ =	shalt  }
0x5e: {  	_ =	shalt  }
0x5f: {  	_ =	shalt  }
0x60: {  	_ =	shalt  }
0x61: {  	_ =	shalt  }
0x62: {  	_ =	shalt  }
0x63: {  	_ =	shalt  }
0x64: {  	_ =	shalt  }
0x65: {  	_ =	shalt  }
0x66: {  	_ =	shalt  }
0x67: {  	_ =	shalt  }
0x68: {  	_ =	shalt  }
0x69: {  	_ =	shalt  }
0x6a: {  	_ =	shalt  }
0x6b: {  	_ =	shalt  }
0x6c: {  	_ =	shalt  }
0x6d: {  	_ =	shalt  }
0x6e: {  	_ =	shalt  }
0x6f: {  	_ =	shalt  }
0x70: {  	_ =	shalt  }
0x71: {  	_ =	shalt  }
0x72: {  	_ =	shalt  }
0x73: {  	_ =	shalt  }
0x74: {  	_ =	shalt  }
0x75: {  	_ =	shalt  }
0x76: {  	_ =	shalt  }
0x77: {  	_ =	shalt  }
0x78: {  	_ =	shalt  }
0x79: {  	_ =	shalt  }
0x7a: {  	_ =	shalt  }
0x7b: {  	_ =	shalt  }
0x7c: {  	_ =	shalt  }
0x7d: {  	_ =	shalt  }
0x7e: {  	_ =	shalt  }
0x7f: {  	_ =	shalt  }
0x80: {  	_ =	shalt  }
0x81: {  	_ =	shalt  }
0x82: {  	_ =	shalt  }
0x83: {  	_ =	shalt  }
0x84: {  	_ =	shalt  }
0x85: {  	_ =	shalt  }
0x86: {  	_ =	shalt  }
0x87: {  	_ =	shalt  }
.Lfunc_end0:
.L_simem_size_0:
called_computation_lowered:
.L_overlay_start_0:
0x88: {  	s2 =	sld [smem:$0x3FD9]  }
0x89: {  	s3 =	sld [smem:$0x3FFE];
	_ =	sdelay $0x1  }
0x8a: {  	s1 =	srdreg.scid  }
0x8b: {  	s0 =	sand.u32 $0x1, s1  }
0x8c: {  	s17 =	sshll.u32 s0, $0xA;
	s2 =	sadd.s32 s3, s2  }
0x8d: {  	s2 =	sadd.s32 s2, s17  }
0x8e: {  	[smem:$0x3FB7] =	sst s2  }
0x8f: {  	_ = 	snop  }
0x90: {  	(tm) =	ssettm $0x1  }
0x91: {  	s18 =	sld [smem:$0x3FFB];
	_ =	sdelay $0x3  }
0x92: {  	_ =	strace s18  }
0x93: {  	s2 =	sld [smem:$0x3FFC];
	_ =	sdelay $0x3  }
0x94: {  	_ =	strace s2  }
0x95: {  	s2 =	sld [smem:$0x3FFD];
	_ =	sdelay $0x3  }
0x96: {  	_ =	strace s2  }
0x97: {  	_ =	strace $0x8FFFFFFF  }
0x98: {  	s19 =	sld [smem:$0x3FDB];
	_ =	sdelay $0x1  }
0x99: {  	s20 =	simm.s32 $_scs_section_size  }
0x9a: {  	s4 =	simm.s32 $_size__tile_overlayer_lowered;
	s5 =	simm.s32 $_tile_overlayer_lowered  }
0x9b: {  	s6 =	simm.s32 $0x1BFF;
	s21 =	sshll.u32 s5, $0x1;
	s3 =	sadd.s32 s20, s19  }
0x9c: {  	s22 =	simm.s32 $0x0;
	s4 =	sshll.u32 s4, $0x1;
	s5 =	sadd.s32 s21, s3  }
0x9d: {  	[timem:s22], [sflag:s6] =	dma.local [hbm:s5], s4  }
0x9e: {  	_ =	swait.ge [sflag:s6], s4  }
0x9f: {  	s4 =	ssub.s32 $0x0, s4;
	[sflag:s6] =	ssyncset.done $0x0  }
0xa0: {  	[sflag:s6] =	ssyncadd.s32 s4;
	_ =	sdelay $0x1  }
0xa1: {  	s23 =	simm.s32 $0x1B8B  }
0xa2: {  	_ =	swait.ge [sflag:s23], $0x1  }
0xa3: {  	[sflag:s23] =	ssyncset.done $0x0  }
0xa4: {  	[sflag:s23] =	ssyncadd.s32 $0xFFFFFFFF  }
0xa5: {  	s4 =	sld [smem:$0x0]  }
0xa6: {  	s5 =	sand.u32 $0xFFFFFFFE, s1  }
0xa7: {  	p0 =	sne.s32 s1, s5  }
0xa8: {  	s5 =	sshll.u32 @p0 s5, $0xE  }
0xa9: {  	s5 =	sadd.s32 @p0 $0x11B8D, s5;
	s6 =	sshll.u32 @p0 s4, $0x11  }
0xaa: {  	s5 =	sor.u32 @p0 s6, s5  }
0xab: {  	[sflag:s5] =	ssyncadd.remote.s32 @p0 $0x1;
	_ =	sdelay $0x1  }
0xac: {  	s5 =	simm.s32 @p0 $0x1B8D  }
0xad: {  	_ =	swait.eq @p0 [sflag:s5], $0x1  }
0xae: {  	[sflag:s5] =	ssyncadd.s32 @p0 $0xFFFFFFFF  }
0xaf: {  	s6 =	sshll.u32 @!p0 s1, $0xE  }
0xb0: {  	s6 =	sor.u32 @!p0 $0x4000, s6;
	s5 =	simm.s32 @!p0 $0x1B8D  }
0xb1: {  	s4 =	sshll.u32 @!p0 s4, $0x11;
	s6 =	sadd.s32 @!p0 $0x11B8D, s6;
	_ =	swait.eq @!p0 [sflag:s5], $0x1  }
0xb2: {  	s4 =	sor.u32 @!p0 s4, s6;
	[sflag:s5] =	ssyncadd.s32 @!p0 $0xFFFFFFFF  }
0xb3: {  	s25 =	simm.s32 $0x1B8E;
	s24 =	sld [smem:$0x3FFE];
	[sflag:s4] =	ssyncadd.remote.s32 @!p0 $0x1  }
0xb4: {  	s26 =	simm.s32 $execute0_lowered;
	[smem:$0x3FD2] =	sst s25  }
0xb5: {  	s5 =	sshll.u32 s26, $0x1;
	_ =	strace $0x80000049;
	[dreg:$0x1] =	wrdreg $0xFFFFFFFF  }
0xb6: {  	s28 =	simm.s32 $_size_execute0_lowered;
	s3 =	sadd.s32 s3, s5;
	[dreg:$0x0] =	wrdreg $0x0  }
0xb7: {  	s5 =	sshll.u32 s28, $0x1;
	[dreg:$0x2] =	wrdreg s3  }
0xb8: {  	[dreg:$0x3] =	wrdreg s5  }
0xb9: {  	[dreg:$0x4] =	wrdreg $0xC0  }
0xba: {  	_ =	task [dreg:s22], $0x5FFFF  }
0xbb: {  	[dreg:$0x1] =	wrdreg $0xFFFFFFFF  }
0xbc: {  	[dreg:$0x0] =	wrdreg $0x60  }
0xbd: {  	[dreg:$0x2] =	wrdreg s24  }
0xbe: {  	[dreg:$0x3] =	wrdreg $0x68000  }
0xbf: {  	[dreg:$0x4] =	wrdreg $0x9  }
0xc0: {  	_ =	task.clear_ibuf [dreg:s22], $0x5FFFF;
	_ =	strace $0x90000049  }
0xc1: {  	s29 =	simm.s32 $0x9;
	_ =	strace $0x8000004B  }
0xc2: {  	_ =	swait.ge [sflag:s29], $0x1  }
0xc3: {  	[sflag:s29] =	ssyncadd.s32 $0xFFFFFFFF  }
0xc4: {  	_ =	strace $0x9000004B  }
0xc5: {  	_ =	sfence  }
0xc6: {  	s30 =	sld [smem:$0x0];
	_ =	sdelay $0x2  }
0xc7: {  	s31 =	sshll.u32 s1, $0xD;
	s1 =	sshrl.u32 s1, $0x2  }
0xc8: {  	s4 =	sand.u32 $0x4000, s31;
	s1 =	sadd.s32 s1, s30  }
0xc9: {  	s0 =	sor.u32 s4, s0;
	s1 =	sshll.u32 s1, $0x11  }
0xca: {  	s0 =	sor.u32 s1, s0  }
0xcb: {  	s0 =	sadd.s32 $0x8F2B, s0  }
0xcc: {  	[sflag:s0] =	ssyncadd.remote.s32 $0x1  }
0xcd: {  	_ =	sfence.sel $0xFFFF  }
0xce: {  	[dreg:$0x0] =	wrdreg $0xFFFFFFFF;
	(pc) =	sbr.abs _section_cstart, $3  }
0xcf: {  	[dreg:$0x1] =	wrdreg $0xFFFFFFFF  }
0xd0: {  	_ =	task.clear_ibuf [dreg:s22], $0x2FFFF;
	_ =	strace $0x9FFFFFFF  }
0xd1: {  	(tm) =	ssettm $0x7FFFFFFF  }
tec
execute0_lowered:
.L_overlay_start_1:
0x0: {  	(tag) =	ssettag $0x1  }
0x1: {  	s5 =	rddreg [dreg:$0x0]  }
0x2: {  	s2 =	rddreg [dreg:$0x1]  }
0x3: {  	s0 =	rddreg [dreg:$0x2]  }
0x4: {  	s1 =	stileid.u32;
	s4 =	srdreg.scid  }
0x5: {  	s3 =	simm.s32 $0x0;
	s14 =	simm.s32 $0x0;
	s6 =	smul.u32 $0x14000, s1  }
0x6: {  	s7 =	sand.u32 $0x1, s4;
	[smem:$0x7FF] =	sst s3;
	s26 =	sshll.u32 s1, $0xB  }
0x7: {  	s4 =	sadd.s32 $0xC200, s5;
	s12 =	smul.u32 $0x50000, s1;
	s30 =	sshll.u32 s1, $0x6  }
0x8: {  	s8 =	smul.u32 $0x140000, s7;
	_ =	strace $0x8000004A;
	s9 =	sadd.s32 s26, s5  }
0x9: {  	s28 =	ssub.s32 $0x2, s7;
	s7 =	sshll.u32 s7, $0xF;
	s10 =	sshrl.u32 s6, $0x3  }
0xa: {  	s11 =	sshrl.u32 s28, $0x1;
	s29 =	sshrl.u32 s12, $0x2;
	s7 =	sadd.s32 s7, s9  }
0xb: {  	s12 =	simm.s32 $0x4000;
	s6 =	sadd.s32 s6, s8;
	s10 =	sadd.s32 s10, s5  }
0xc: {  	s11 =	ssub.s32 s28, s11;
	s31 =	sadd.s32 s29, s2;
	s7 =	sadd.s32 $0x52F200, s7  }
0xd: {  	s6 =	sshrl.u32 s6, $0x3;
	s9 =	smax.u32 s11, $0x1;
	s11 =	simm.s32 $0x1  }
0xe: {  	s13 =	sadd.s32 s6, s5;
	s5 =	sadd.s32 $0x53F200, s10;
	s6 =	sor.u32 $0x1C01, s30  }
0xf: {  	s10 =	sshrl.u32 s31, $0x3;
	s8 =	sadd.s32 $0x567200, s13;
	s13 =	simm.s32 $0x50  }
.LBB2_1:
0x10: {  	[spmem:s10], [sflag:s6] =	dma.local [hbm:s5], $0x2800  }
0x11: {  	_ =	swait.ge [sflag:s11], $0x2800  }
0x12: {  	[sflag:s11] =	ssyncset.done $0x0  }
0x13: {  	[sflag:s11] =	ssyncadd.s32 $0xFFFFD800  }
0x14: {  	[tilespmem:s12], [sflag:$0x1] =	stream.linear.gather [hbm4b:s4+s3], $0x2800, $0x38;
	[tilespmem:$0x1A800] =	vst v63  }
0x15: {  	_ =	swait.ge [sflag:s11], $0x2800  }
0x16: {  	[sflag:s11] =	ssyncset.done $0x0  }
0x17: {  	[sflag:s11] =	ssyncadd.s32 $0xFFFFD800  }
0x18: {  	[bflag:$0x0] =	sbarrier.arrive $0xFFFF  }
0x19: {  	[tilespmem:s3], [sflag:$0x1] =	stream.linear.gather [hbm4b:s7+s3], $0x3E80, $0x38;
	[tilespmem:$0x1A800] =	vst v63  }
0x1a: {  	_ =	swait.ge [sflag:s11], $0x3E80  }
0x1b: {  	[sflag:s11] =	ssyncset.done $0x0  }
0x1c: {  	s15 =	simm.s32 $0x0;
	[sflag:s11] =	ssyncadd.s32 $0xFFFFC180  }
0x1d: {  	[spmem:s2] =	stream.indirect.scatter.add.f32 [tilespmem:s12], [sflag:$0x1], $0x80, s15, s13, $0xb8;
	[tilespmem:$0x1A800] =	vst v63  }
0x1e: {  	_ =	swait.ge [sflag:s11], $0x2800  }
0x1f: {  	s15 =	simm.s32 $0x200;
	[sflag:s11] =	ssyncset.done $0x0  }
.LBB2_2:
0x20: {  	s16 =	sshra.s32 s15, $0x2;
	[sflag:s11] =	ssyncadd.s32 $0xFFFFD800;
	p0 =	sne.s32 s15, $0xF800  }
0x21: {  	[spmem:s2] =	stream.indirect.scatter.add.f32 [tilespmem:s12], [sflag:$0x1], $0x80, s16, s13, $0xb8;
	[tilespmem:$0x1A800] =	vst v63  }
.Ltmp0:
0x22: {  	_ = 	snop;
	(pc) =	sbr.rel @p0 .LBB2_2-.Ltmp0, $4  }
0x23: {  	_ = 	snop  }
0x24: {  	s15 =	sadd.s32 $0x200, s15  }
0x25: {  	_ =	swait.ge [sflag:s11], $0x2800  }
0x26: {  	[sflag:s11] =	ssyncset.done $0x0  }
0x27: {  	s14 =	sadd.s32 $0x1, s14  }
0x28: {  	[sflag:s11] =	ssyncadd.s32 $0xFFFFD800;
	p0 =	sne.s32 s14, s9  }
.Ltmp1:
0x29: {  	[bflag:$0x0] =	sbarrier.arrive $0xFFFF;
	(pc) =	sbr.rel @p0 .LBB2_1-.Ltmp1, $4  }
0x2a: {  	[hbm:s8], [sflag:s6] =	dma.local [spmem:s10], $0x2800  }
0x2b: {  	_ =	swait.ge [sflag:s11], $0x2800  }
0x2c: {  	[sflag:s11] =	ssyncset.done $0x0  }
0x2d: {  	[sflag:s11] =	ssyncadd.s32 $0xFFFFD800  }
0x2e: {  	_ =	sfence.sel $0x180000  }
0x2f: {  	[bflag:$0x0] =	sbarrier.arrive $0xFFFF  }
0x30: {  	p0 =	sne.s32 s1, $0x0;
	_ =	strace $0x9000004A  }
0x31: {  	s0 =	sadd.s32 @!p0 $0x100000, s0;
	[bflag:$0x2] =	sbarrier.arrive $0xFFFF  }
0x32: {  	[sflag:s0] =	ssyncadd.tile.s32 @!p0 $0x1;
	_ =	shalt  }
.Lfunc_end2:
_tile_overlayer_lowered:
.L_overlay_start_2:
0x33: {  	(tag) =	ssettag $0x2  }
0x34: {  	s0 =	rddreg [dreg:$0x0];
	s2 =	stileid.u32  }
0x35: {  	s1 =	rddreg [dreg:$0x1];
	p0 =	sne.s32 s2, $0x0  }
0x36: {  	s3 =	rddreg [dreg:$0x2];
	[bflag:$0x3] =	sbarrier.arrive $0xFFFF;
	s2 =	simm.s32 @!p0 $0x1C01  }
0x37: {  	[timem:s3], [sflag:s2] =	dma.local @!p0 [hbm:s0], s1  }
0x38: {  	s0 =	simm.s32 @!p0 $0x1  }
0x39: {  	_ =	swait.ge @!p0 [sflag:s0], s1  }
0x3a: {  	s1 =	ssub.s32 @!p0 $0x0, s1;
	[sflag:s0] =	ssyncset.done @!p0 $0x0  }
0x3b: {  	[sflag:s0] =	ssyncadd.s32 @!p0 s1  }
0x3c: {  	[bflag:$0x3] =	sbarrier.arrive $0xFFFF  }
0x3d: {  	_ =	shalt  }

// kernel: kernel.24.cloned.1.call-start
scs
__scs_entry_jumppad:
0x0: {  	(pc) =	sbr.rel $0x88, $3  }
0x1: {  	(tag) =	ssettag $0x0;
	lr =	simm.s32 $0x1  }
0x2: {  	[smem:$0x3F90] =	sst lr;
	_ =	strace $0xD0000000  }
0x3: {  	_ = 	snop  }
0x4: {  	_ = 	snop  }
0x5: {  	_ = 	snop  }
0x6: {  	_ = 	snop  }
0x7: {  	_ = 	snop  }
__scs_overlays_trampoline_lowered:
0x8: {  	[smem:$0x3F9F] =	sst s0  }
0x9: {  	[smem:$0x3FA0] =	sst s1  }
0xa: {  	[smem:$0x3FA1] =	sst s2  }
0xb: {  	[smem:$0x3FA2] =	sst s3  }
0xc: {  	[smem:$0x3FA3] =	sst s4  }
0xd: {  	[smem:$0x3FA4] =	sst s5  }
0xe: {  	[smem:$0x3FA5] =	sst s6  }
0xf: {  	[smem:$0x3FA6] =	sst s7  }
0x10: {  	[smem:$0x3FA7] =	sst s8  }
0x11: {  	[smem:$0x3FA8] =	sst s9;
	s0 =	simm.s32 @!p0 $0x0  }
0x12: {  	s1 =	sld [smem:$0x3F8E];
	s0 =	simm.s32 @p0 $0x1  }
0x13: {  	[smem:$0x3FA9] =	sst s0;
	s0 =	simm.s32 @!p1 $0x0  }
0x14: {  	s2 =	sld [smem:$0x3F8D];
	s0 =	simm.s32 @p1 $0x1  }
0x15: {  	[smem:$0x3FAA] =	sst s0;
	s0 =	simm.s32 @!p2 $0x0  }
0x16: {  	s3 =	sld [smem:$0x3FDB];
	s0 =	simm.s32 @p2 $0x1  }
0x17: {  	s4 =	simm.s32 $0x1BF5;
	[smem:$0x3FAC] =	sst s0  }
0x18: {  	s0 =	sld [smem:$0x3F8F];
	_ =	swait.ge [sflag:s4], $0x0  }
0x19: {  	s7 =	sld [smem:$0x3F90]  }
0x1a: {  	s8 =	sadd.s32 $0xFFFFE003, lr  }
0x1b: {  	s9 =	sadd.s32 $0xFFFFFEF7, lr;
	s5 =	simm.s32 $0xFFFFFFFF;
	p2 =	slt.u32 s8, $0xFFFFF086  }
0x1c: {  	p1 =	slt.u32 s9, $0xF7A;
	s5 =	simm.s32 @!p2 $0x0  }
0x1d: {  	s5 =	simm.s32 @p1 $0x1;
	p0 =	seq.s32 s7, s2  }
0x1e: {  	s7 =	smul.u32 @!p0 $0xF7A, s2;
	p2 =	seq.s32 @!p0 s5, $0x0  }
0x1f: {  	s9 =	smul.u32 $0xF7A, s1;
	s8 =	simm.s32 @!p0 $0x1BF5;
	p2 =	por !p2, p0  }
0x20: {  	[sflag:s8] =	ssyncset.s32 @!p0 $0xFFFFF086;
	s6 =	sadd.s32 @!p0 s3, s7;
	s7 =	simm.s32 @!p0 $0x108  }
0x21: {  	s3 =	sadd.s32 s3, s9;
	s6 =	sadd.s32 @!p0 $0x88, s6;
	s7 =	simm.s32 @p2 $0x1082  }
0x22: {  	[simem:s7], [sflag:s8] =	dma.local @!p0 [hbm:s6], $0xF7A  }
0x23: {  	s9 =	sor.u32 $0xD0000000, s2;
	s6 =	simm.s32 $0x108;
	_ =	swait.ge @!p0 [sflag:s8], $0x0  }
0x24: {  	s3 =	sadd.s32 $0x88, s3;
	s6 =	simm.s32 @!p1 $0x1082;
	[sflag:s4] =	ssyncset.s32 $0xFFFFF086  }
0x25: {  	[simem:s6], [sflag:s4] =	dma.local [hbm:s3], $0xF7A  }
0x26: {  	[smem:$0x3F90] =	sst s1;
	(tag) =	ssettag s2;
	_ =	strace s9  }
0x27: {  	s1 =	sld [smem:$0x3FA0]  }
0x28: {  	s2 =	sld [smem:$0x3FA1]  }
0x29: {  	s4 =	sld [smem:$0x3FA3]  }
0x2a: {  	p0 =	seq.s32 s5, $0x0;
	s5 =	sld [smem:$0x3FA4]  }
0x2b: {  	s6 =	sld [smem:$0x3FA5]  }
0x2c: {  	s7 =	sld [smem:$0x3FA6]  }
0x2d: {  	s3 =	simm.s32 $0x108;
	s8 =	sld [smem:$0x3FA7]  }
0x2e: {  	s3 =	simm.s32 @!p0 $0x1082;
	s9 =	sld [smem:$0x3FA8]  }
0x2f: {  	lr =	sadd.s32 s0, s3;
	s0 =	sld [smem:$0x3F9F]  }
0x30: {  	s3 =	sld [smem:$0x3FA2]  }
0x31: {  	[smem:$0x3FAB] =	sst s10  }
0x32: {  	s10 =	sld [smem:$0x3FA9];
	_ =	sdelay $0x3  }
0x33: {  	p0 =	seq.s32 s10, $0x1;
	s10 =	sld [smem:$0x3FAB];
	_ =	sdelay $0x3  }
0x34: {  	[smem:$0x3FAB] =	sst s10  }
0x35: {  	s10 =	sld [smem:$0x3FAA];
	_ =	sdelay $0x3  }
0x36: {  	p1 =	seq.s32 s10, $0x1;
	s10 =	sld [smem:$0x3FAB];
	_ =	sdelay $0x3  }
0x37: {  	[smem:$0x3FAB] =	sst s10  }
0x38: {  	s10 =	sld [smem:$0x3FAC]  }
0x39: {  	_ = 	snop;
	(pc) =	sbr.ind lr, $3  }
0x3a: {  	_ = 	snop  }
0x3b: {  	_ = 	snop  }
0x3c: {  	p2 =	seq.s32 s10, $0x1;
	s10 =	sld [smem:$0x3FAB]  }
0x3d: {  	_ =	shalt  }
0x3e: {  	_ =	shalt  }
0x3f: {  	_ =	shalt  }
0x40: {  	_ =	shalt  }
0x41: {  	_ =	shalt  }
0x42: {  	_ =	shalt  }
0x43: {  	_ =	shalt  }
0x44: {  	_ =	shalt  }
0x45: {  	_ =	shalt  }
0x46: {  	_ =	shalt  }
0x47: {  	_ =	shalt  }
0x48: {  	_ =	shalt  }
0x49: {  	_ =	shalt  }
0x4a: {  	_ =	shalt  }
0x4b: {  	_ =	shalt  }
0x4c: {  	_ =	shalt  }
0x4d: {  	_ =	shalt  }
0x4e: {  	_ =	shalt  }
0x4f: {  	_ =	shalt  }
0x50: {  	_ =	shalt  }
0x51: {  	_ =	shalt  }
0x52: {  	_ =	shalt  }
0x53: {  	_ =	shalt  }
0x54: {  	_ =	shalt  }
0x55: {  	_ =	shalt  }
0x56: {  	_ =	shalt  }
0x57: {  	_ =	shalt  }
0x58: {  	_ =	shalt  }
0x59: {  	_ =	shalt  }
0x5a: {  	_ =	shalt  }
0x5b: {  	_ =	shalt  }
0x5c: {  	_ =	shalt  }
0x5d: {  	_ =	shalt  }
0x5e: {  	_ =	shalt  }
0x5f: {  	_ =	shalt  }
0x60: {  	_ =	shalt  }
0x61: {  	_ =	shalt  }
0x62: {  	_ =	shalt  }
0x63: {  	_ =	shalt  }
0x64: {  	_ =	shalt  }
0x65: {  	_ =	shalt  }
0x66: {  	_ =	shalt  }
0x67: {  	_ =	shalt  }
0x68: {  	_ =	shalt  }
0x69: {  	_ =	shalt  }
0x6a: {  	_ =	shalt  }
0x6b: {  	_ =	shalt  }
0x6c: {  	_ =	shalt  }
0x6d: {  	_ =	shalt  }
0x6e: {  	_ =	shalt  }
0x6f: {  	_ =	shalt  }
0x70: {  	_ =	shalt  }
0x71: {  	_ =	shalt  }
0x72: {  	_ =	shalt  }
0x73: {  	_ =	shalt  }
0x74: {  	_ =	shalt  }
0x75: {  	_ =	shalt  }
0x76: {  	_ =	shalt  }
0x77: {  	_ =	shalt  }
0x78: {  	_ =	shalt  }
0x79: {  	_ =	shalt  }
0x7a: {  	_ =	shalt  }
0x7b: {  	_ =	shalt  }
0x7c: {  	_ =	shalt  }
0x7d: {  	_ =	shalt  }
0x7e: {  	_ =	shalt  }
0x7f: {  	_ =	shalt  }
0x80: {  	_ =	shalt  }
0x81: {  	_ =	shalt  }
0x82: {  	_ =	shalt  }
0x83: {  	_ =	shalt  }
0x84: {  	_ =	shalt  }
0x85: {  	_ =	shalt  }
0x86: {  	_ =	shalt  }
0x87: {  	_ =	shalt  }
.Lfunc_end0:
.L_simem_size_0:
called_computation.1_lowered:
.L_overlay_start_0:
0x88: {  	s2 =	sld [smem:$0x3FD9]  }
0x89: {  	s3 =	sld [smem:$0x3FFE];
	_ =	sdelay $0x1  }
0x8a: {  	s1 =	srdreg.scid  }
0x8b: {  	s0 =	sand.u32 $0x1, s1  }
0x8c: {  	s16 =	sshll.u32 s0, $0xA;
	s2 =	sadd.s32 s3, s2  }
0x8d: {  	s2 =	sadd.s32 s2, s16  }
0x8e: {  	[smem:$0x3FB7] =	sst s2  }
0x8f: {  	_ = 	snop  }
0x90: {  	(tm) =	ssettm $0x1  }
0x91: {  	s17 =	sld [smem:$0x3FFB];
	_ =	sdelay $0x3  }
0x92: {  	_ =	strace s17  }
0x93: {  	s2 =	sld [smem:$0x3FFC];
	_ =	sdelay $0x3  }
0x94: {  	_ =	strace s2  }
0x95: {  	s2 =	sld [smem:$0x3FFD];
	_ =	sdelay $0x3  }
0x96: {  	_ =	strace s2  }
0x97: {  	_ =	strace $0x8FFFFFFF  }
0x98: {  	s18 =	sld [smem:$0x3FDB];
	_ =	sdelay $0x1  }
0x99: {  	s19 =	simm.s32 $_scs_section_size  }
0x9a: {  	s4 =	simm.s32 $_size__tile_overlayer_lowered;
	s5 =	simm.s32 $_tile_overlayer_lowered  }
0x9b: {  	s22 =	simm.s32 $0x1BFF;
	s21 =	sshll.u32 s5, $0x1;
	s2 =	sadd.s32 s19, s18  }
0x9c: {  	s6 =	simm.s32 $0x0;
	s20 =	sshll.u32 s4, $0x1;
	s4 =	sadd.s32 s21, s2  }
0x9d: {  	[timem:s6], [sflag:s22] =	dma.local [hbm:s4], s20  }
0x9e: {  	_ =	swait.ge [sflag:s22], s20  }
0x9f: {  	s3 =	ssub.s32 $0x0, s20;
	[sflag:s22] =	ssyncset.done $0x0  }
0xa0: {  	[sflag:s22] =	ssyncadd.s32 s3;
	_ =	sdelay $0x1  }
0xa1: {  	s23 =	simm.s32 $0x1B8B  }
0xa2: {  	_ =	swait.ge [sflag:s23], $0x1  }
0xa3: {  	[sflag:s23] =	ssyncset.done $0x0  }
0xa4: {  	s25 =	simm.s32 $0x1B8E;
	s24 =	sld [smem:$0x3FFE];
	[sflag:s23] =	ssyncadd.s32 $0xFFFFFFFF  }
0xa5: {  	s26 =	simm.s32 $execute0_lowered;
	[smem:$0x3FD2] =	sst s25  }
0xa6: {  	s4 =	sshll.u32 s26, $0x1;
	_ =	strace $0x80000046;
	[dreg:$0x1] =	wrdreg $0xFFFFFFFF  }
0xa7: {  	s28 =	simm.s32 $_size_execute0_lowered;
	s2 =	sadd.s32 s2, s4;
	[dreg:$0x0] =	wrdreg $0x0  }
0xa8: {  	s4 =	sshll.u32 s28, $0x1;
	[dreg:$0x2] =	wrdreg s2  }
0xa9: {  	[dreg:$0x3] =	wrdreg s4  }
0xaa: {  	[dreg:$0x4] =	wrdreg $0xC0  }
0xab: {  	_ =	task [dreg:s6], $0x5FFFF  }
0xac: {  	[dreg:$0x1] =	wrdreg $0xFFFFFFFF  }
0xad: {  	[dreg:$0x0] =	wrdreg $0x60  }
0xae: {  	[dreg:$0x2] =	wrdreg s24  }
0xaf: {  	[dreg:$0x3] =	wrdreg $0xA  }
0xb0: {  	_ =	task.clear_ibuf [dreg:s6], $0x4FFFF;
	_ =	strace $0x90000046  }
0xb1: {  	s29 =	simm.s32 $0xA;
	_ =	strace $0x80000048  }
0xb2: {  	_ =	swait.ge [sflag:s29], $0x1  }
0xb3: {  	[sflag:s29] =	ssyncadd.s32 $0xFFFFFFFF  }
0xb4: {  	_ =	strace $0x90000048  }
0xb5: {  	_ =	sfence  }
0xb6: {  	s30 =	sld [smem:$0x0];
	_ =	sdelay $0x2  }
0xb7: {  	s31 =	sshll.u32 s1, $0xD;
	s1 =	sshrl.u32 s1, $0x2  }
0xb8: {  	s3 =	sand.u32 $0x4000, s31;
	s1 =	sadd.s32 s1, s30  }
0xb9: {  	s0 =	sor.u32 s3, s0;
	s1 =	sshll.u32 s1, $0x11  }
0xba: {  	s0 =	sor.u32 s1, s0  }
0xbb: {  	s0 =	sadd.s32 $0x8F2B, s0  }
0xbc: {  	[sflag:s0] =	ssyncadd.remote.s32 $0x1  }
0xbd: {  	_ =	sfence.sel $0xFFFF  }
0xbe: {  	[dreg:$0x0] =	wrdreg $0xFFFFFFFF;
	(pc) =	sbr.abs _section_cstart, $3  }
0xbf: {  	[dreg:$0x1] =	wrdreg $0xFFFFFFFF  }
0xc0: {  	_ =	task.clear_ibuf [dreg:s6], $0x2FFFF;
	_ =	strace $0x9FFFFFFF  }
0xc1: {  	(tm) =	ssettm $0x7FFFFFFF  }
tec
execute0_lowered:
.L_overlay_start_1:
0x0: {  	(tag) =	ssettag $0x1  }
0x1: {  	s4 =	rddreg [dreg:$0x0]  }
0x2: {  	s0 =	rddreg [dreg:$0x1];
	s2 =	simm.s32 $0x0;
	s5 =	srdreg.scid  }
0x3: {  	s1 =	stileid.u32;
	s10 =	simm.s32 $0x1;
	s11 =	simm.s32 $0x0  }
0x4: {  	[smem:$0x7FF] =	sst s2;
	s3 =	sadd.s32 $0x26000, s4;
	s5 =	sand.u32 $0x1, s5  }
0x5: {  	s6 =	sshll.u32 s1, $0xB;
	s9 =	smul.u32 $0x27100, s1;
	_ =	strace $0x80000047  }
0x6: {  	s7 =	sshll.u32 s5, $0xF;
	s8 =	smul.u32 $0x271000, s5;
	s5 =	ssub.s32 $0x2, s5  }
0x7: {  	s6 =	sor.u32 s6, s7;
	s30 =	sshrl.u32 s5, $0x1;
	s7 =	simm.s32 $0x2  }
0x8: {  	s6 =	sadd.s32 s6, s4;
	s8 =	sadd.s32 s8, s4;
	s5 =	ssub.s32 s5, s30  }
0x9: {  	s4 =	sadd.s32 $0x16000, s6;
	s5 =	smax.u32 s5, $0x1;
	s31 =	sadd.s32 s9, s8  }
0xa: {  	s8 =	simm.s32 $0x50;
	s9 =	simm.s32 $0x4000;
	s6 =	sadd.s32 $0x4D200, s31  }
.LBB2_1:
0xb: {  	[tilespmem:s2], [sflag:$0x2] =	stream.linear.gather [hbm4b:s4+s2], $0x3E80, $0x38;
	[tilespmem:$0x6800] =	vst v63  }
0xc: {  	_ =	swait.ge [sflag:s7], $0x3E80  }
0xd: {  	[sflag:s7] =	ssyncset.done $0x0  }
0xe: {  	s12 =	simm.s32 $0x0;
	[sflag:s7] =	ssyncadd.s32 $0xFFFFC180  }
0xf: {  	[tilespmem:s9], [sflag:$0x1] =	stream.indirect.gather [hbm4b:s3+s8], $0x80, s12, s8, $0xb8;
	[tilespmem:$0x6800] =	vst v63  }
0x10: {  	_ =	swait.ge [sflag:s10], $0x2800  }
0x11: {  	[sflag:s10] =	ssyncset.done $0x0  }
0x12: {  	[sflag:s10] =	ssyncadd.s32 $0xFFFFD800  }
0x13: {  	[hbm4b:s6+s2] =	stream.linear.scatter [tilespmem:s9], [sflag:$0x2], $0x2800, $0x38;
	[tilespmem:$0x6800] =	vst v63  }
0x14: {  	s13 =	simm.s32 $0x200;
	_ =	swait.ge [sflag:s7], $0x2800  }
0x15: {  	s14 =	simm.s32 $0x400;
	s12 =	sadd.s32 $0x500, s6;
	[sflag:s7] =	ssyncset.done $0x0  }
.LBB2_2:
0x16: {  	s15 =	sshra.s32 s13, $0x2  }
0x17: {  	[sflag:s7] =	ssyncadd.s32 $0xFFFFD800;
	s13 =	smov.u32 s14;
	s16 =	sadd.s32 $0x200, s14  }
0x18: {  	[tilespmem:s9], [sflag:$0x1] =	stream.indirect.gather [hbm4b:s3+s8], $0x80, s15, s8, $0xb8;
	[tilespmem:$0x6800] =	vst v63  }
0x19: {  	p0 =	sne.s32 s14, $0xF800;
	_ =	swait.ge [sflag:s10], $0x2800  }
.Ltmp0:
0x1a: {  	[sflag:s10] =	ssyncset.done $0x0;
	(pc) =	sbr.rel @p0 .LBB2_2-.Ltmp0, $4  }
0x1b: {  	[sflag:s10] =	ssyncadd.s32 $0xFFFFD800  }
0x1c: {  	[hbm4b:s12+s2] =	stream.linear.scatter [tilespmem:s9], [sflag:$0x2], $0x2800, $0x38;
	[tilespmem:$0x6800] =	vst v63  }
0x1d: {  	_ =	swait.ge [sflag:s7], $0x2800  }
0x1e: {  	s14 =	smov.u32 s16;
	s12 =	sadd.s32 $0x500, s12;
	[sflag:s7] =	ssyncset.done $0x0  }
0x1f: {  	s13 =	sshra.s32 s13, $0x2;
	[sflag:s7] =	ssyncadd.s32 $0xFFFFD800  }
0x20: {  	[tilespmem:s9], [sflag:$0x1] =	stream.indirect.gather [hbm4b:s3+s8], $0x80, s13, s8, $0xb8;
	[tilespmem:$0x6800] =	vst v63  }
0x21: {  	s11 =	sadd.s32 $0x1, s11;
	_ =	swait.ge [sflag:s10], $0x2800  }
0x22: {  	p0 =	sne.s32 s11, s5;
	[sflag:s10] =	ssyncset.done $0x0  }
.Ltmp1:
0x23: {  	[sflag:s10] =	ssyncadd.s32 $0xFFFFD800;
	(pc) =	sbr.rel @p0 .LBB2_1-.Ltmp1, $4  }
0x24: {  	[hbm4b:s12+s2] =	stream.linear.scatter [tilespmem:s9], [sflag:$0x2], $0x2800, $0x38;
	[tilespmem:$0x6800] =	vst v63  }
0x25: {  	_ =	swait.ge [sflag:s7], $0x2800  }
0x26: {  	[sflag:s7] =	ssyncset.done $0x0  }
0x27: {  	[sflag:s7] =	ssyncadd.s32 $0xFFFFD800  }
0x28: {  	_ =	sfence.sel $0x180000  }
0x29: {  	[bflag:$0x0] =	sbarrier.arrive $0xFFFF  }
0x2a: {  	p0 =	sne.s32 s1, $0x0;
	_ =	strace $0x90000047  }
0x2b: {  	s0 =	sadd.s32 @!p0 $0x100000, s0;
	[bflag:$0x2] =	sbarrier.arrive $0xFFFF  }
0x2c: {  	[sflag:s0] =	ssyncadd.tile.s32 @!p0 $0x1;
	_ =	shalt  }
.Lfunc_end2:
_tile_overlayer_lowered:
.L_overlay_start_2:
0x2d: {  	(tag) =	ssettag $0x2  }
0x2e: {  	s0 =	rddreg [dreg:$0x0];
	s2 =	stileid.u32  }
0x2f: {  	s1 =	rddreg [dreg:$0x1];
	p0 =	sne.s32 s2, $0x0  }
0x30: {  	s3 =	rddreg [dreg:$0x2];
	[bflag:$0x3] =	sbarrier.arrive $0xFFFF;
	s2 =	simm.s32 @!p0 $0x1C02  }
0x31: {  	[timem:s3], [sflag:s2] =	dma.local @!p0 [hbm:s0], s1  }
0x32: {  	s0 =	simm.s32 @!p0 $0x2  }
0x33: {  	_ =	swait.ge @!p0 [sflag:s0], s1  }
0x34: {  	s1 =	ssub.s32 @!p0 $0x0, s1;
	[sflag:s0] =	ssyncset.done @!p0 $0x0  }
0x35: {  	[sflag:s0] =	ssyncadd.s32 @!p0 s1  }
0x36: {  	[bflag:$0x3] =	sbarrier.arrive $0xFFFF  }
0x37: {  	_ =	shalt  }

// kernel: kernel.27.cloned.1.call-start
scs
__scs_entry_jumppad:
0x0: {  	(pc) =	sbr.rel $0x88, $3  }
0x1: {  	(tag) =	ssettag $0x0;
	lr =	simm.s32 $0x1  }
0x2: {  	[smem:$0x3F90] =	sst lr;
	_ =	strace $0xD0000000  }
0x3: {  	_ = 	snop  }
0x4: {  	_ = 	snop  }
0x5: {  	_ = 	snop  }
0x6: {  	_ = 	snop  }
0x7: {  	_ = 	snop  }
__scs_overlays_trampoline_lowered:
0x8: {  	[smem:$0x3F9F] =	sst s0  }
0x9: {  	[smem:$0x3FA0] =	sst s1  }
0xa: {  	[smem:$0x3FA1] =	sst s2  }
0xb: {  	[smem:$0x3FA2] =	sst s3  }
0xc: {  	[smem:$0x3FA3] =	sst s4  }
0xd: {  	[smem:$0x3FA4] =	sst s5  }
0xe: {  	[smem:$0x3FA5] =	sst s6  }
0xf: {  	[smem:$0x3FA6] =	sst s7  }
0x10: {  	[smem:$0x3FA7] =	sst s8  }
0x11: {  	[smem:$0x3FA8] =	sst s9;
	s0 =	simm.s32 @!p0 $0x0  }
0x12: {  	s1 =	sld [smem:$0x3F8E];
	s0 =	simm.s32 @p0 $0x1  }
0x13: {  	[smem:$0x3FA9] =	sst s0;
	s0 =	simm.s32 @!p1 $0x0  }
0x14: {  	s2 =	sld [smem:$0x3F8D];
	s0 =	simm.s32 @p1 $0x1  }
0x15: {  	[smem:$0x3FAA] =	sst s0;
	s0 =	simm.s32 @!p2 $0x0  }
0x16: {  	s3 =	sld [smem:$0x3FDB];
	s0 =	simm.s32 @p2 $0x1  }
0x17: {  	s4 =	simm.s32 $0x1BF5;
	[smem:$0x3FAC] =	sst s0  }
0x18: {  	s0 =	sld [smem:$0x3F8F];
	_ =	swait.ge [sflag:s4], $0x0  }
0x19: {  	s7 =	sld [smem:$0x3F90]  }
0x1a: {  	s8 =	sadd.s32 $0xFFFFE003, lr  }
0x1b: {  	s9 =	sadd.s32 $0xFFFFFEF7, lr;
	s5 =	simm.s32 $0xFFFFFFFF;
	p2 =	slt.u32 s8, $0xFFFFF086  }
0x1c: {  	p1 =	slt.u32 s9, $0xF7A;
	s5 =	simm.s32 @!p2 $0x0  }
0x1d: {  	s5 =	simm.s32 @p1 $0x1;
	p0 =	seq.s32 s7, s2  }
0x1e: {  	s7 =	smul.u32 @!p0 $0xF7A, s2;
	p2 =	seq.s32 @!p0 s5, $0x0  }
0x1f: {  	s9 =	smul.u32 $0xF7A, s1;
	s8 =	simm.s32 @!p0 $0x1BF5;
	p2 =	por !p2, p0  }
0x20: {  	[sflag:s8] =	ssyncset.s32 @!p0 $0xFFFFF086;
	s6 =	sadd.s32 @!p0 s3, s7;
	s7 =	simm.s32 @!p0 $0x108  }
0x21: {  	s3 =	sadd.s32 s3, s9;
	s6 =	sadd.s32 @!p0 $0x88, s6;
	s7 =	simm.s32 @p2 $0x1082  }
0x22: {  	[simem:s7], [sflag:s8] =	dma.local @!p0 [hbm:s6], $0xF7A  }
0x23: {  	s9 =	sor.u32 $0xD0000000, s2;
	s6 =	simm.s32 $0x108;
	_ =	swait.ge @!p0 [sflag:s8], $0x0  }
0x24: {  	s3 =	sadd.s32 $0x88, s3;
	s6 =	simm.s32 @!p1 $0x1082;
	[sflag:s4] =	ssyncset.s32 $0xFFFFF086  }
0x25: {  	[simem:s6], [sflag:s4] =	dma.local [hbm:s3], $0xF7A  }
0x26: {  	[smem:$0x3F90] =	sst s1;
	(tag) =	ssettag s2;
	_ =	strace s9  }
0x27: {  	s1 =	sld [smem:$0x3FA0]  }
0x28: {  	s2 =	sld [smem:$0x3FA1]  }
0x29: {  	s4 =	sld [smem:$0x3FA3]  }
0x2a: {  	p0 =	seq.s32 s5, $0x0;
	s5 =	sld [smem:$0x3FA4]  }
0x2b: {  	s6 =	sld [smem:$0x3FA5]  }
0x2c: {  	s7 =	sld [smem:$0x3FA6]  }
0x2d: {  	s3 =	simm.s32 $0x108;
	s8 =	sld [smem:$0x3FA7]  }
0x2e: {  	s3 =	simm.s32 @!p0 $0x1082;
	s9 =	sld [smem:$0x3FA8]  }
0x2f: {  	lr =	sadd.s32 s0, s3;
	s0 =	sld [smem:$0x3F9F]  }
0x30: {  	s3 =	sld [smem:$0x3FA2]  }
0x31: {  	[smem:$0x3FAB] =	sst s10  }
0x32: {  	s10 =	sld [smem:$0x3FA9];
	_ =	sdelay $0x3  }
0x33: {  	p0 =	seq.s32 s10, $0x1;
	s10 =	sld [smem:$0x3FAB];
	_ =	sdelay $0x3  }
0x34: {  	[smem:$0x3FAB] =	sst s10  }
0x35: {  	s10 =	sld [smem:$0x3FAA];
	_ =	sdelay $0x3  }
0x36: {  	p1 =	seq.s32 s10, $0x1;
	s10 =	sld [smem:$0x3FAB];
	_ =	sdelay $0x3  }
0x37: {  	[smem:$0x3FAB] =	sst s10  }
0x38: {  	s10 =	sld [smem:$0x3FAC]  }
0x39: {  	_ = 	snop;
	(pc) =	sbr.ind lr, $3  }
0x3a: {  	_ = 	snop  }
0x3b: {  	_ = 	snop  }
0x3c: {  	p2 =	seq.s32 s10, $0x1;
	s10 =	sld [smem:$0x3FAB]  }
0x3d: {  	_ =	shalt  }
0x3e: {  	_ =	shalt  }
0x3f: {  	_ =	shalt  }
0x40: {  	_ =	shalt  }
0x41: {  	_ =	shalt  }
0x42: {  	_ =	shalt  }
0x43: {  	_ =	shalt  }
0x44: {  	_ =	shalt  }
0x45: {  	_ =	shalt  }
0x46: {  	_ =	shalt  }
0x47: {  	_ =	shalt  }
0x48: {  	_ =	shalt  }
0x49: {  	_ =	shalt  }
0x4a: {  	_ =	shalt  }
0x4b: {  	_ =	shalt  }
0x4c: {  	_ =	shalt  }
0x4d: {  	_ =	shalt  }
0x4e: {  	_ =	shalt  }
0x4f: {  	_ =	shalt  }
0x50: {  	_ =	shalt  }
0x51: {  	_ =	shalt  }
0x52: {  	_ =	shalt  }
0x53: {  	_ =	shalt  }
0x54: {  	_ =	shalt  }
0x55: {  	_ =	shalt  }
0x56: {  	_ =	shalt  }
0x57: {  	_ =	shalt  }
0x58: {  	_ =	shalt  }
0x59: {  	_ =	shalt  }
0x5a: {  	_ =	shalt  }
0x5b: {  	_ =	shalt  }
0x5c: {  	_ =	shalt  }
0x5d: {  	_ =	shalt  }
0x5e: {  	_ =	shalt  }
0x5f: {  	_ =	shalt  }
0x60: {  	_ =	shalt  }
0x61: {  	_ =	shalt  }
0x62: {  	_ =	shalt  }
0x63: {  	_ =	shalt  }
0x64: {  	_ =	shalt  }
0x65: {  	_ =	shalt  }
0x66: {  	_ =	shalt  }
0x67: {  	_ =	shalt  }
0x68: {  	_ =	shalt  }
0x69: {  	_ =	shalt  }
0x6a: {  	_ =	shalt  }
0x6b: {  	_ =	shalt  }
0x6c: {  	_ =	shalt  }
0x6d: {  	_ =	shalt  }
0x6e: {  	_ =	shalt  }
0x6f: {  	_ =	shalt  }
0x70: {  	_ =	shalt  }
0x71: {  	_ =	shalt  }
0x72: {  	_ =	shalt  }
0x73: {  	_ =	shalt  }
0x74: {  	_ =	shalt  }
0x75: {  	_ =	shalt  }
0x76: {  	_ =	shalt  }
0x77: {  	_ =	shalt  }
0x78: {  	_ =	shalt  }
0x79: {  	_ =	shalt  }
0x7a: {  	_ =	shalt  }
0x7b: {  	_ =	shalt  }
0x7c: {  	_ =	shalt  }
0x7d: {  	_ =	shalt  }
0x7e: {  	_ =	shalt  }
0x7f: {  	_ =	shalt  }
0x80: {  	_ =	shalt  }
0x81: {  	_ =	shalt  }
0x82: {  	_ =	shalt  }
0x83: {  	_ =	shalt  }
0x84: {  	_ =	shalt  }
0x85: {  	_ =	shalt  }
0x86: {  	_ =	shalt  }
0x87: {  	_ =	shalt  }
.Lfunc_end0:
.L_simem_size_0:
called_computation.2_lowered:
.L_overlay_start_0:
0x88: {  	s2 =	sld [smem:$0x3FD9]  }
0x89: {  	s3 =	sld [smem:$0x3FFE];
	_ =	sdelay $0x1  }
0x8a: {  	s1 =	srdreg.scid  }
0x8b: {  	s0 =	sand.u32 $0x1, s1  }
0x8c: {  	s17 =	sshll.u32 s0, $0xA;
	s2 =	sadd.s32 s3, s2  }
0x8d: {  	s2 =	sadd.s32 s2, s17  }
0x8e: {  	[smem:$0x3FB7] =	sst s2  }
0x8f: {  	_ = 	snop  }
0x90: {  	(tm) =	ssettm $0x1  }
0x91: {  	s18 =	sld [smem:$0x3FFB];
	_ =	sdelay $0x3  }
0x92: {  	_ =	strace s18  }
0x93: {  	s2 =	sld [smem:$0x3FFC];
	_ =	sdelay $0x3  }
0x94: {  	_ =	strace s2  }
0x95: {  	s2 =	sld [smem:$0x3FFD];
	_ =	sdelay $0x3  }
0x96: {  	_ =	strace s2  }
0x97: {  	_ =	strace $0x8FFFFFFF  }
0x98: {  	s19 =	sld [smem:$0x3FDB];
	_ =	sdelay $0x1  }
0x99: {  	s20 =	simm.s32 $_scs_section_size  }
0x9a: {  	s4 =	simm.s32 $_size__tile_overlayer_lowered;
	s5 =	simm.s32 $_tile_overlayer_lowered  }
0x9b: {  	s6 =	simm.s32 $0x1BFF;
	s21 =	sshll.u32 s5, $0x1;
	s3 =	sadd.s32 s20, s19  }
0x9c: {  	s22 =	simm.s32 $0x0;
	s4 =	sshll.u32 s4, $0x1;
	s5 =	sadd.s32 s21, s3  }
0x9d: {  	[timem:s22], [sflag:s6] =	dma.local [hbm:s5], s4  }
0x9e: {  	_ =	swait.ge [sflag:s6], s4  }
0x9f: {  	s4 =	ssub.s32 $0x0, s4;
	[sflag:s6] =	ssyncset.done $0x0  }
0xa0: {  	[sflag:s6] =	ssyncadd.s32 s4;
	_ =	sdelay $0x1  }
0xa1: {  	s23 =	simm.s32 $0x1B8B  }
0xa2: {  	_ =	swait.ge [sflag:s23], $0x1  }
0xa3: {  	[sflag:s23] =	ssyncset.done $0x0  }
0xa4: {  	[sflag:s23] =	ssyncadd.s32 $0xFFFFFFFF  }
0xa5: {  	s4 =	sld [smem:$0x0]  }
0xa6: {  	s5 =	sand.u32 $0xFFFFFFFE, s1  }
0xa7: {  	p0 =	sne.s32 s1, s5  }
0xa8: {  	s5 =	sshll.u32 @p0 s5, $0xE  }
0xa9: {  	s5 =	sadd.s32 @p0 $0x11B8D, s5;
	s6 =	sshll.u32 @p0 s4, $0x11  }
0xaa: {  	s5 =	sor.u32 @p0 s6, s5  }
0xab: {  	[sflag:s5] =	ssyncadd.remote.s32 @p0 $0x1;
	_ =	sdelay $0x1  }
0xac: {  	s5 =	simm.s32 @p0 $0x1B8D  }
0xad: {  	_ =	swait.eq @p0 [sflag:s5], $0x1  }
0xae: {  	[sflag:s5] =	ssyncadd.s32 @p0 $0xFFFFFFFF  }
0xaf: {  	s6 =	sshll.u32 @!p0 s1, $0xE  }
0xb0: {  	s6 =	sor.u32 @!p0 $0x4000, s6;
	s5 =	simm.s32 @!p0 $0x1B8D  }
0xb1: {  	s4 =	sshll.u32 @!p0 s4, $0x11;
	s6 =	sadd.s32 @!p0 $0x11B8D, s6;
	_ =	swait.eq @!p0 [sflag:s5], $0x1  }
0xb2: {  	s4 =	sor.u32 @!p0 s4, s6;
	[sflag:s5] =	ssyncadd.s32 @!p0 $0xFFFFFFFF  }
0xb3: {  	s25 =	simm.s32 $0x1B8E;
	s24 =	sld [smem:$0x3FFE];
	[sflag:s4] =	ssyncadd.remote.s32 @!p0 $0x1  }
0xb4: {  	s26 =	simm.s32 $execute0_lowered;
	[smem:$0x3FD2] =	sst s25  }
0xb5: {  	s5 =	sshll.u32 s26, $0x1;
	_ =	strace $0x8000004C;
	[dreg:$0x1] =	wrdreg $0xFFFFFFFF  }
0xb6: {  	s28 =	simm.s32 $_size_execute0_lowered;
	s3 =	sadd.s32 s3, s5;
	[dreg:$0x0] =	wrdreg $0x0  }
0xb7: {  	s5 =	sshll.u32 s28, $0x1;
	[dreg:$0x2] =	wrdreg s3  }
0xb8: {  	[dreg:$0x3] =	wrdreg s5  }
0xb9: {  	[dreg:$0x4] =	wrdreg $0xC0  }
0xba: {  	_ =	task [dreg:s22], $0x5FFFF  }
0xbb: {  	[dreg:$0x1] =	wrdreg $0xFFFFFFFF  }
0xbc: {  	[dreg:$0x0] =	wrdreg $0x60  }
0xbd: {  	[dreg:$0x2] =	wrdreg s24  }
0xbe: {  	[dreg:$0x3] =	wrdreg $0x68000  }
0xbf: {  	[dreg:$0x4] =	wrdreg $0xA  }
0xc0: {  	_ =	task.clear_ibuf [dreg:s22], $0x5FFFF;
	_ =	strace $0x9000004C  }
0xc1: {  	s29 =	simm.s32 $0xA;
	_ =	strace $0x8000004E  }
0xc2: {  	_ =	swait.ge [sflag:s29], $0x1  }
0xc3: {  	[sflag:s29] =	ssyncadd.s32 $0xFFFFFFFF  }
0xc4: {  	_ =	strace $0x9000004E  }
0xc5: {  	_ =	sfence  }
0xc6: {  	s30 =	sld [smem:$0x0];
	_ =	sdelay $0x2  }
0xc7: {  	s31 =	sshll.u32 s1, $0xD;
	s1 =	sshrl.u32 s1, $0x2  }
0xc8: {  	s4 =	sand.u32 $0x4000, s31;
	s1 =	sadd.s32 s1, s30  }
0xc9: {  	s0 =	sor.u32 s4, s0;
	s1 =	sshll.u32 s1, $0x11  }
0xca: {  	s0 =	sor.u32 s1, s0  }
0xcb: {  	s0 =	sadd.s32 $0x8F2B, s0  }
0xcc: {  	[sflag:s0] =	ssyncadd.remote.s32 $0x1  }
0xcd: {  	_ =	sfence.sel $0xFFFF  }
0xce: {  	[dreg:$0x0] =	wrdreg $0xFFFFFFFF;
	(pc) =	sbr.abs _section_cstart, $3  }
0xcf: {  	[dreg:$0x1] =	wrdreg $0xFFFFFFFF  }
0xd0: {  	_ =	task.clear_ibuf [dreg:s22], $0x2FFFF;
	_ =	strace $0x9FFFFFFF  }
0xd1: {  	(tm) =	ssettm $0x7FFFFFFF  }
tec
execute0_lowered:
.L_overlay_start_1:
0x0: {  	(tag) =	ssettag $0x1  }
0x1: {  	s4 =	rddreg [dreg:$0x0]  }
0x2: {  	s1 =	rddreg [dreg:$0x1]  }
0x3: {  	s2 =	srdreg.scid;
	s0 =	rddreg [dreg:$0x2]  }
0x4: {  	s3 =	simm.s32 $0x0;
	s13 =	simm.s32 $0x1;
	s5 =	sand.u32 $0x1, s2  }
0x5: {  	s14 =	simm.s32 $0x50;
	s2 =	stileid.u32;
	s6 =	smul.u32 $0x271000, s5  }
0x6: {  	s15 =	simm.s32 $0x0;
	[smem:$0x7FF] =	sst s3;
	s7 =	smul.u32 $0x14000, s2  }
0x7: {  	s8 =	sshll.u32 s2, $0xB;
	s9 =	sshll.u32 s5, $0xF;
	s10 =	smul.u32 $0x140000, s5  }
0x8: {  	_ =	strace $0x8000004D;
	s5 =	ssub.s32 $0x2, s5;
	s25 =	smul.u32 $0x50000, s2  }
0x9: {  	s30 =	smul.u32 $0x27100, s2;
	s31 =	sshll.u32 s2, $0x6;
	s23 =	sor.u32 s8, s9  }
0xa: {  	s26 =	sshrl.u32 s5, $0x1;
	s11 =	sadd.s32 s6, s4;
	s6 =	sadd.s32 s23, s4  }
0xb: {  	s24 =	sshrl.u32 s7, $0x3;
	s7 =	sadd.s32 s7, s10;
	s28 =	ssub.s32 s5, s26  }
0xc: {  	s29 =	sshrl.u32 s25, $0x2;
	s5 =	sor.u32 $0x1C02, s31;
	s7 =	sshrl.u32 s7, $0x3  }
0xd: {  	s8 =	sadd.s32 s24, s4;
	s12 =	sadd.s32 s29, s1;
	s6 =	sadd.s32 $0x52F200, s6  }
0xe: {  	s9 =	sadd.s32 s30, s11;
	s11 =	simm.s32 $0x2;
	s7 =	sadd.s32 s7, s4  }
0xf: {  	s4 =	sadd.s32 $0x53F200, s8;
	s8 =	smax.u32 s28, $0x1;
	s9 =	sadd.s32 $0xA99200, s9  }
0x10: {  	s10 =	sshrl.u32 s12, $0x3;
	s12 =	simm.s32 $0x4000;
	s7 =	sadd.s32 $0x4D200, s7  }
.LBB2_1:
0x11: {  	[spmem:s10], [sflag:s5] =	dma.local [hbm:s4], $0x2800  }
0x12: {  	_ =	swait.ge [sflag:s11], $0x2800  }
0x13: {  	[sflag:s11] =	ssyncset.done $0x0  }
0x14: {  	[sflag:s11] =	ssyncadd.s32 $0xFFFFD800  }
0x15: {  	[bflag:$0x0] =	sbarrier.arrive $0xFFFF  }
0x16: {  	[tilespmem:s3], [sflag:$0x2] =	stream.linear.gather [hbm4b:s6+s3], $0x3E80, $0x38;
	[tilespmem:$0x1A800] =	vst v63  }
0x17: {  	_ =	swait.ge [sflag:s11], $0x3E80  }
0x18: {  	[sflag:s11] =	ssyncset.done $0x0  }
0x19: {  	[sflag:s11] =	ssyncadd.s32 $0xFFFFC180  }
0x1a: {  	[tilespmem:s12], [sflag:$0x1] =	stream.linear.gather [hbm4b:s9+s3], $0x2800, $0x38;
	[tilespmem:$0x1A800] =	vst v63  }
0x1b: {  	_ =	swait.ge [sflag:s13], $0x2800  }
0x1c: {  	[sflag:s13] =	ssyncset.done $0x0  }
0x1d: {  	s16 =	simm.s32 $0x0;
	[sflag:s13] =	ssyncadd.s32 $0xFFFFD800  }
0x1e: {  	[spmem:s1] =	stream.indirect.scatter.add.f32 [tilespmem:s12], [sflag:$0x2], $0x80, s16, s14, $0xb8;
	[tilespmem:$0x1A800] =	vst v63  }
0x1f: {  	_ =	swait.ge [sflag:s11], $0x2800  }
0x20: {  	s17 =	smov.u32 s9;
	s16 =	simm.s32 $0x200;
	[sflag:s11] =	ssyncset.done $0x0  }
.LBB2_2:
0x21: {  	p0 =	sne.s32 s16, $0xF800;
	[sflag:s11] =	ssyncadd.s32 $0xFFFFD800;
	s17 =	sadd.s32 $0x500, s17  }
0x22: {  	[tilespmem:s12], [sflag:$0x1] =	stream.linear.gather [hbm4b:s17+s3], $0x2800, $0x38;
	[tilespmem:$0x1A800] =	vst v63  }
0x23: {  	s18 =	smov.u32 s16;
	s16 =	sadd.s32 $0x200, s16;
	_ =	swait.ge [sflag:s13], $0x2800  }
.Ltmp0:
0x24: {  	[sflag:s13] =	ssyncset.done $0x0;
	(pc) =	sbr.rel @p0 .LBB2_2-.Ltmp0, $4  }
0x25: {  	s18 =	sshra.s32 s18, $0x2;
	[sflag:s13] =	ssyncadd.s32 $0xFFFFD800  }
0x26: {  	[spmem:s1] =	stream.indirect.scatter.add.f32 [tilespmem:s12], [sflag:$0x2], $0x80, s18, s14, $0xb8;
	[tilespmem:$0x1A800] =	vst v63  }
0x27: {  	_ =	swait.ge [sflag:s11], $0x2800  }
0x28: {  	[sflag:s11] =	ssyncset.done $0x0  }
0x29: {  	s15 =	sadd.s32 $0x1, s15  }
0x2a: {  	[sflag:s11] =	ssyncadd.s32 $0xFFFFD800;
	p0 =	sne.s32 s15, s8  }
.Ltmp1:
0x2b: {  	[bflag:$0x0] =	sbarrier.arrive $0xFFFF;
	(pc) =	sbr.rel @p0 .LBB2_1-.Ltmp1, $4  }
0x2c: {  	[hbm:s7], [sflag:s5] =	dma.local [spmem:s10], $0x2800  }
0x2d: {  	_ =	swait.ge [sflag:s11], $0x2800  }
0x2e: {  	[sflag:s11] =	ssyncset.done $0x0  }
0x2f: {  	[sflag:s11] =	ssyncadd.s32 $0xFFFFD800  }
0x30: {  	_ =	sfence.sel $0x180000  }
0x31: {  	[bflag:$0x0] =	sbarrier.arrive $0xFFFF  }
0x32: {  	p0 =	sne.s32 s2, $0x0;
	_ =	strace $0x9000004D  }
0x33: {  	s0 =	sadd.s32 @!p0 $0x100000, s0;
	[bflag:$0x2] =	sbarrier.arrive $0xFFFF  }
0x34: {  	[sflag:s0] =	ssyncadd.tile.s32 @!p0 $0x1;
	_ =	shalt  }
.Lfunc_end2:
_tile_overlayer_lowered:
.L_overlay_start_2:
0x35: {  	(tag) =	ssettag $0x2  }
0x36: {  	s0 =	rddreg [dreg:$0x0];
	s2 =	stileid.u32  }
0x37: {  	s1 =	rddreg [dreg:$0x1];
	p0 =	sne.s32 s2, $0x0  }
0x38: {  	s3 =	rddreg [dreg:$0x2];
	[bflag:$0x3] =	sbarrier.arrive $0xFFFF;
	s2 =	simm.s32 @!p0 $0x1C02  }
0x39: {  	[timem:s3], [sflag:s2] =	dma.local @!p0 [hbm:s0], s1  }
0x3a: {  	s0 =	simm.s32 @!p0 $0x2  }
0x3b: {  	_ =	swait.ge @!p0 [sflag:s0], s1  }
0x3c: {  	s1 =	ssub.s32 @!p0 $0x0, s1;
	[sflag:s0] =	ssyncset.done @!p0 $0x0  }
0x3d: {  	[sflag:s0] =	ssyncadd.s32 @!p0 s1  }
0x3e: {  	[bflag:$0x3] =	sbarrier.arrive $0xFFFF  }
0x3f: {  	_ =	shalt  }

// kernel: kernel.30.cloned.1.call-start
scs
__scs_entry_jumppad:
0x0: {  	(pc) =	sbr.rel $0x88, $3  }
0x1: {  	(tag) =	ssettag $0x0;
	lr =	simm.s32 $0x1  }
0x2: {  	[smem:$0x3F90] =	sst lr;
	_ =	strace $0xD0000000  }
0x3: {  	_ = 	snop  }
0x4: {  	_ = 	snop  }
0x5: {  	_ = 	snop  }
0x6: {  	_ = 	snop  }
0x7: {  	_ = 	snop  }
__scs_overlays_trampoline_lowered:
0x8: {  	[smem:$0x3F9F] =	sst s0  }
0x9: {  	[smem:$0x3FA0] =	sst s1  }
0xa: {  	[smem:$0x3FA1] =	sst s2  }
0xb: {  	[smem:$0x3FA2] =	sst s3  }
0xc: {  	[smem:$0x3FA3] =	sst s4  }
0xd: {  	[smem:$0x3FA4] =	sst s5  }
0xe: {  	[smem:$0x3FA5] =	sst s6  }
0xf: {  	[smem:$0x3FA6] =	sst s7  }
0x10: {  	[smem:$0x3FA7] =	sst s8  }
0x11: {  	[smem:$0x3FA8] =	sst s9;
	s0 =	simm.s32 @!p0 $0x0  }
0x12: {  	s1 =	sld [smem:$0x3F8E];
	s0 =	simm.s32 @p0 $0x1  }
0x13: {  	[smem:$0x3FA9] =	sst s0;
	s0 =	simm.s32 @!p1 $0x0  }
0x14: {  	s2 =	sld [smem:$0x3F8D];
	s0 =	simm.s32 @p1 $0x1  }
0x15: {  	[smem:$0x3FAA] =	sst s0;
	s0 =	simm.s32 @!p2 $0x0  }
0x16: {  	s3 =	sld [smem:$0x3FDB];
	s0 =	simm.s32 @p2 $0x1  }
0x17: {  	s4 =	simm.s32 $0x1BF5;
	[smem:$0x3FAC] =	sst s0  }
0x18: {  	s0 =	sld [smem:$0x3F8F];
	_ =	swait.ge [sflag:s4], $0x0  }
0x19: {  	s7 =	sld [smem:$0x3F90]  }
0x1a: {  	s8 =	sadd.s32 $0xFFFFE003, lr  }
0x1b: {  	s9 =	sadd.s32 $0xFFFFFEF7, lr;
	s5 =	simm.s32 $0xFFFFFFFF;
	p2 =	slt.u32 s8, $0xFFFFF086  }
0x1c: {  	p1 =	slt.u32 s9, $0xF7A;
	s5 =	simm.s32 @!p2 $0x0  }
0x1d: {  	s5 =	simm.s32 @p1 $0x1;
	p0 =	seq.s32 s7, s2  }
0x1e: {  	s7 =	smul.u32 @!p0 $0xF7A, s2;
	p2 =	seq.s32 @!p0 s5, $0x0  }
0x1f: {  	s9 =	smul.u32 $0xF7A, s1;
	s8 =	simm.s32 @!p0 $0x1BF5;
	p2 =	por !p2, p0  }
0x20: {  	[sflag:s8] =	ssyncset.s32 @!p0 $0xFFFFF086;
	s6 =	sadd.s32 @!p0 s3, s7;
	s7 =	simm.s32 @!p0 $0x108  }
0x21: {  	s3 =	sadd.s32 s3, s9;
	s6 =	sadd.s32 @!p0 $0x88, s6;
	s7 =	simm.s32 @p2 $0x1082  }
0x22: {  	[simem:s7], [sflag:s8] =	dma.local @!p0 [hbm:s6], $0xF7A  }
0x23: {  	s9 =	sor.u32 $0xD0000000, s2;
	s6 =	simm.s32 $0x108;
	_ =	swait.ge @!p0 [sflag:s8], $0x0  }
0x24: {  	s3 =	sadd.s32 $0x88, s3;
	s6 =	simm.s32 @!p1 $0x1082;
	[sflag:s4] =	ssyncset.s32 $0xFFFFF086  }
0x25: {  	[simem:s6], [sflag:s4] =	dma.local [hbm:s3], $0xF7A  }
0x26: {  	[smem:$0x3F90] =	sst s1;
	(tag) =	ssettag s2;
	_ =	strace s9  }
0x27: {  	s1 =	sld [smem:$0x3FA0]  }
0x28: {  	s2 =	sld [smem:$0x3FA1]  }
0x29: {  	s4 =	sld [smem:$0x3FA3]  }
0x2a: {  	p0 =	seq.s32 s5, $0x0;
	s5 =	sld [smem:$0x3FA4]  }
0x2b: {  	s6 =	sld [smem:$0x3FA5]  }
0x2c: {  	s7 =	sld [smem:$0x3FA6]  }
0x2d: {  	s3 =	simm.s32 $0x108;
	s8 =	sld [smem:$0x3FA7]  }
0x2e: {  	s3 =	simm.s32 @!p0 $0x1082;
	s9 =	sld [smem:$0x3FA8]  }
0x2f: {  	lr =	sadd.s32 s0, s3;
	s0 =	sld [smem:$0x3F9F]  }
0x30: {  	s3 =	sld [smem:$0x3FA2]  }
0x31: {  	[smem:$0x3FAB] =	sst s10  }
0x32: {  	s10 =	sld [smem:$0x3FA9];
	_ =	sdelay $0x3  }
0x33: {  	p0 =	seq.s32 s10, $0x1;
	s10 =	sld [smem:$0x3FAB];
	_ =	sdelay $0x3  }
0x34: {  	[smem:$0x3FAB] =	sst s10  }
0x35: {  	s10 =	sld [smem:$0x3FAA];
	_ =	sdelay $0x3  }
0x36: {  	p1 =	seq.s32 s10, $0x1;
	s10 =	sld [smem:$0x3FAB];
	_ =	sdelay $0x3  }
0x37: {  	[smem:$0x3FAB] =	sst s10  }
0x38: {  	s10 =	sld [smem:$0x3FAC]  }
0x39: {  	_ = 	snop;
	(pc) =	sbr.ind lr, $3  }
0x3a: {  	_ = 	snop  }
0x3b: {  	_ = 	snop  }
0x3c: {  	p2 =	seq.s32 s10, $0x1;
	s10 =	sld [smem:$0x3FAB]  }
0x3d: {  	_ =	shalt  }
0x3e: {  	_ =	shalt  }
0x3f: {  	_ =	shalt  }
0x40: {  	_ =	shalt  }
0x41: {  	_ =	shalt  }
0x42: {  	_ =	shalt  }
0x43: {  	_ =	shalt  }
0x44: {  	_ =	shalt  }
0x45: {  	_ =	shalt  }
0x46: {  	_ =	shalt  }
0x47: {  	_ =	shalt  }
0x48: {  	_ =	shalt  }
0x49: {  	_ =	shalt  }
0x4a: {  	_ =	shalt  }
0x4b: {  	_ =	shalt  }
0x4c: {  	_ =	shalt  }
0x4d: {  	_ =	shalt  }
0x4e: {  	_ =	shalt  }
0x4f: {  	_ =	shalt  }
0x50: {  	_ =	shalt  }
0x51: {  	_ =	shalt  }
0x52: {  	_ =	shalt  }
0x53: {  	_ =	shalt  }
0x54: {  	_ =	shalt  }
0x55: {  	_ =	shalt  }
0x56: {  	_ =	shalt  }
0x57: {  	_ =	shalt  }
0x58: {  	_ =	shalt  }
0x59: {  	_ =	shalt  }
0x5a: {  	_ =	shalt  }
0x5b: {  	_ =	shalt  }
0x5c: {  	_ =	shalt  }
0x5d: {  	_ =	shalt  }
0x5e: {  	_ =	shalt  }
0x5f: {  	_ =	shalt  }
0x60: {  	_ =	shalt  }
0x61: {  	_ =	shalt  }
0x62: {  	_ =	shalt  }
0x63: {  	_ =	shalt  }
0x64: {  	_ =	shalt  }
0x65: {  	_ =	shalt  }
0x66: {  	_ =	shalt  }
0x67: {  	_ =	shalt  }
0x68: {  	_ =	shalt  }
0x69: {  	_ =	shalt  }
0x6a: {  	_ =	shalt  }
0x6b: {  	_ =	shalt  }
0x6c: {  	_ =	shalt  }
0x6d: {  	_ =	shalt  }
0x6e: {  	_ =	shalt  }
0x6f: {  	_ =	shalt  }
0x70: {  	_ =	shalt  }
0x71: {  	_ =	shalt  }
0x72: {  	_ =	shalt  }
0x73: {  	_ =	shalt  }
0x74: {  	_ =	shalt  }
0x75: {  	_ =	shalt  }
0x76: {  	_ =	shalt  }
0x77: {  	_ =	shalt  }
0x78: {  	_ =	shalt  }
0x79: {  	_ =	shalt  }
0x7a: {  	_ =	shalt  }
0x7b: {  	_ =	shalt  }
0x7c: {  	_ =	shalt  }
0x7d: {  	_ =	shalt  }
0x7e: {  	_ =	shalt  }
0x7f: {  	_ =	shalt  }
0x80: {  	_ =	shalt  }
0x81: {  	_ =	shalt  }
0x82: {  	_ =	shalt  }
0x83: {  	_ =	shalt  }
0x84: {  	_ =	shalt  }
0x85: {  	_ =	shalt  }
0x86: {  	_ =	shalt  }
0x87: {  	_ =	shalt  }
.Lfunc_end0:
.L_simem_size_0:
called_computation.3_lowered:
.L_overlay_start_0:
0x88: {  	s2 =	sld [smem:$0x3FD9]  }
0x89: {  	s3 =	sld [smem:$0x3FFE];
	_ =	sdelay $0x1  }
0x8a: {  	s1 =	srdreg.scid  }
0x8b: {  	s0 =	sand.u32 $0x1, s1  }
0x8c: {  	s16 =	sshll.u32 s0, $0xA;
	s2 =	sadd.s32 s3, s2  }
0x8d: {  	s2 =	sadd.s32 s2, s16  }
0x8e: {  	[smem:$0x3FB7] =	sst s2  }
0x8f: {  	_ = 	snop  }
0x90: {  	(tm) =	ssettm $0x1  }
0x91: {  	s17 =	sld [smem:$0x3FFB];
	_ =	sdelay $0x3  }
0x92: {  	_ =	strace s17  }
0x93: {  	s2 =	sld [smem:$0x3FFC];
	_ =	sdelay $0x3  }
0x94: {  	_ =	strace s2  }
0x95: {  	s2 =	sld [smem:$0x3FFD];
	_ =	sdelay $0x3  }
0x96: {  	_ =	strace s2  }
0x97: {  	_ =	strace $0x8FFFFFFF  }
0x98: {  	s18 =	sld [smem:$0x3FDB];
	_ =	sdelay $0x1  }
0x99: {  	s19 =	simm.s32 $_scs_section_size  }
0x9a: {  	s4 =	simm.s32 $_size__tile_overlayer_lowered;
	s5 =	simm.s32 $_tile_overlayer_lowered  }
0x9b: {  	s22 =	simm.s32 $0x1BFF;
	s21 =	sshll.u32 s5, $0x1;
	s2 =	sadd.s32 s19, s18  }
0x9c: {  	s6 =	simm.s32 $0x0;
	s20 =	sshll.u32 s4, $0x1;
	s4 =	sadd.s32 s21, s2  }
0x9d: {  	[timem:s6], [sflag:s22] =	dma.local [hbm:s4], s20  }
0x9e: {  	_ =	swait.ge [sflag:s22], s20  }
0x9f: {  	s3 =	ssub.s32 $0x0, s20;
	[sflag:s22] =	ssyncset.done $0x0  }
0xa0: {  	[sflag:s22] =	ssyncadd.s32 s3;
	_ =	sdelay $0x1  }
0xa1: {  	s23 =	simm.s32 $0x1B8B  }
0xa2: {  	_ =	swait.ge [sflag:s23], $0x1  }
0xa3: {  	[sflag:s23] =	ssyncset.done $0x0  }
0xa4: {  	s25 =	simm.s32 $0x1B8E;
	s24 =	sld [smem:$0x3FFE];
	[sflag:s23] =	ssyncadd.s32 $0xFFFFFFFF  }
0xa5: {  	s26 =	simm.s32 $execute0_lowered;
	[smem:$0x3FD2] =	sst s25  }
0xa6: {  	s4 =	sshll.u32 s26, $0x1;
	_ =	strace $0x8000004F;
	[dreg:$0x1] =	wrdreg $0xFFFFFFFF  }
0xa7: {  	s28 =	simm.s32 $_size_execute0_lowered;
	s2 =	sadd.s32 s2, s4;
	[dreg:$0x0] =	wrdreg $0x0  }
0xa8: {  	s4 =	sshll.u32 s28, $0x1;
	[dreg:$0x2] =	wrdreg s2  }
0xa9: {  	[dreg:$0x3] =	wrdreg s4  }
0xaa: {  	[dreg:$0x4] =	wrdreg $0xC0  }
0xab: {  	_ =	task [dreg:s6], $0x5FFFF  }
0xac: {  	[dreg:$0x1] =	wrdreg $0xFFFFFFFF  }
0xad: {  	[dreg:$0x0] =	wrdreg $0x60  }
0xae: {  	[dreg:$0x2] =	wrdreg s24  }
0xaf: {  	[dreg:$0x3] =	wrdreg $0x9  }
0xb0: {  	_ =	task.clear_ibuf [dreg:s6], $0x4FFFF;
	_ =	strace $0x9000004F  }
0xb1: {  	s29 =	simm.s32 $0x9;
	_ =	strace $0x80000051  }
0xb2: {  	_ =	swait.ge [sflag:s29], $0x1  }
0xb3: {  	[sflag:s29] =	ssyncadd.s32 $0xFFFFFFFF  }
0xb4: {  	_ =	strace $0x90000051  }
0xb5: {  	_ =	sfence  }
0xb6: {  	s30 =	sld [smem:$0x0];
	_ =	sdelay $0x2  }
0xb7: {  	s31 =	sshll.u32 s1, $0xD;
	s1 =	sshrl.u32 s1, $0x2  }
0xb8: {  	s3 =	sand.u32 $0x4000, s31;
	s1 =	sadd.s32 s1, s30  }
0xb9: {  	s0 =	sor.u32 s3, s0;
	s1 =	sshll.u32 s1, $0x11  }
0xba: {  	s0 =	sor.u32 s1, s0  }
0xbb: {  	s0 =	sadd.s32 $0x8F2B, s0  }
0xbc: {  	[sflag:s0] =	ssyncadd.remote.s32 $0x1  }
0xbd: {  	_ =	sfence.sel $0xFFFF  }
0xbe: {  	[dreg:$0x0] =	wrdreg $0xFFFFFFFF;
	(pc) =	sbr.abs _section_cstart, $3  }
0xbf: {  	[dreg:$0x1] =	wrdreg $0xFFFFFFFF  }
0xc0: {  	_ =	task.clear_ibuf [dreg:s6], $0x2FFFF;
	_ =	strace $0x9FFFFFFF  }
0xc1: {  	(tm) =	ssettm $0x7FFFFFFF  }
tec
execute0_lowered:
.L_overlay_start_1:
0x0: {  	(tag) =	ssettag $0x1  }
0x1: {  	s4 =	rddreg [dreg:$0x0]  }
0x2: {  	s0 =	rddreg [dreg:$0x1];
	s2 =	simm.s32 $0x0;
	s5 =	srdreg.scid  }
0x3: {  	s1 =	stileid.u32;
	s10 =	simm.s32 $0x1;
	s11 =	simm.s32 $0x0  }
0x4: {  	[smem:$0x7FF] =	sst s2;
	s3 =	sadd.s32 $0x567200, s4;
	s5 =	sand.u32 $0x1, s5  }
0x5: {  	s6 =	sshll.u32 s1, $0xB;
	s9 =	smul.u32 $0x27100, s1;
	_ =	strace $0x80000050  }
0x6: {  	s7 =	sshll.u32 s5, $0xF;
	s8 =	smul.u32 $0x271000, s5;
	s5 =	ssub.s32 $0x2, s5  }
0x7: {  	s6 =	sor.u32 s6, s7;
	s30 =	sshrl.u32 s5, $0x1;
	s7 =	simm.s32 $0x2  }
0x8: {  	s6 =	sadd.s32 s6, s4;
	s8 =	sadd.s32 s8, s4;
	s5 =	ssub.s32 s5, s30  }
0x9: {  	s4 =	sadd.s32 $0x16000, s6;
	s5 =	smax.u32 s5, $0x1;
	s31 =	sadd.s32 s9, s8  }
0xa: {  	s8 =	simm.s32 $0x50;
	s9 =	simm.s32 $0x4000;
	s6 =	sadd.s32 $0xA99200, s31  }
.LBB2_1:
0xb: {  	[tilespmem:s2], [sflag:$0x2] =	stream.linear.gather [hbm4b:s4+s2], $0x3E80, $0x38;
	[tilespmem:$0x6800] =	vst v63  }
0xc: {  	_ =	swait.ge [sflag:s7], $0x3E80  }
0xd: {  	[sflag:s7] =	ssyncset.done $0x0  }
0xe: {  	s12 =	simm.s32 $0x0;
	[sflag:s7] =	ssyncadd.s32 $0xFFFFC180  }
0xf: {  	[tilespmem:s9], [sflag:$0x1] =	stream.indirect.gather [hbm4b:s3+s8], $0x80, s12, s8, $0xb8;
	[tilespmem:$0x6800] =	vst v63  }
0x10: {  	_ =	swait.ge [sflag:s10], $0x2800  }
0x11: {  	[sflag:s10] =	ssyncset.done $0x0  }
0x12: {  	[sflag:s10] =	ssyncadd.s32 $0xFFFFD800  }
0x13: {  	[hbm4b:s6+s2] =	stream.linear.scatter [tilespmem:s9], [sflag:$0x2], $0x2800, $0x38;
	[tilespmem:$0x6800] =	vst v63  }
0x14: {  	s13 =	simm.s32 $0x200;
	_ =	swait.ge [sflag:s7], $0x2800  }
0x15: {  	s14 =	simm.s32 $0x400;
	s12 =	sadd.s32 $0x500, s6;
	[sflag:s7] =	ssyncset.done $0x0  }
.LBB2_2:
0x16: {  	s15 =	sshra.s32 s13, $0x2  }
0x17: {  	[sflag:s7] =	ssyncadd.s32 $0xFFFFD800;
	s13 =	smov.u32 s14;
	s16 =	sadd.s32 $0x200, s14  }
0x18: {  	[tilespmem:s9], [sflag:$0x1] =	stream.indirect.gather [hbm4b:s3+s8], $0x80, s15, s8, $0xb8;
	[tilespmem:$0x6800] =	vst v63  }
0x19: {  	p0 =	sne.s32 s14, $0xF800;
	_ =	swait.ge [sflag:s10], $0x2800  }
.Ltmp0:
0x1a: {  	[sflag:s10] =	ssyncset.done $0x0;
	(pc) =	sbr.rel @p0 .LBB2_2-.Ltmp0, $4  }
0x1b: {  	[sflag:s10] =	ssyncadd.s32 $0xFFFFD800  }
0x1c: {  	[hbm4b:s12+s2] =	stream.linear.scatter [tilespmem:s9], [sflag:$0x2], $0x2800, $0x38;
	[tilespmem:$0x6800] =	vst v63  }
0x1d: {  	_ =	swait.ge [sflag:s7], $0x2800  }
0x1e: {  	s14 =	smov.u32 s16;
	s12 =	sadd.s32 $0x500, s12;
	[sflag:s7] =	ssyncset.done $0x0  }
0x1f: {  	s13 =	sshra.s32 s13, $0x2;
	[sflag:s7] =	ssyncadd.s32 $0xFFFFD800  }
0x20: {  	[tilespmem:s9], [sflag:$0x1] =	stream.indirect.gather [hbm4b:s3+s8], $0x80, s13, s8, $0xb8;
	[tilespmem:$0x6800] =	vst v63  }
0x21: {  	s11 =	sadd.s32 $0x1, s11;
	_ =	swait.ge [sflag:s10], $0x2800  }
0x22: {  	p0 =	sne.s32 s11, s5;
	[sflag:s10] =	ssyncset.done $0x0  }
.Ltmp1:
0x23: {  	[sflag:s10] =	ssyncadd.s32 $0xFFFFD800;
	(pc) =	sbr.rel @p0 .LBB2_1-.Ltmp1, $4  }
0x24: {  	[hbm4b:s12+s2] =	stream.linear.scatter [tilespmem:s9], [sflag:$0x2], $0x2800, $0x38;
	[tilespmem:$0x6800] =	vst v63  }
0x25: {  	_ =	swait.ge [sflag:s7], $0x2800  }
0x26: {  	[sflag:s7] =	ssyncset.done $0x0  }
0x27: {  	[sflag:s7] =	ssyncadd.s32 $0xFFFFD800  }
0x28: {  	_ =	sfence.sel $0x180000  }
0x29: {  	[bflag:$0x0] =	sbarrier.arrive $0xFFFF  }
0x2a: {  	p0 =	sne.s32 s1, $0x0;
	_ =	strace $0x90000050  }
0x2b: {  	s0 =	sadd.s32 @!p0 $0x100000, s0;
	[bflag:$0x2] =	sbarrier.arrive $0xFFFF  }
0x2c: {  	[sflag:s0] =	ssyncadd.tile.s32 @!p0 $0x1;
	_ =	shalt  }
.Lfunc_end2:
_tile_overlayer_lowered:
.L_overlay_start_2:
0x2d: {  	(tag) =	ssettag $0x2  }
0x2e: {  	s0 =	rddreg [dreg:$0x0];
	s2 =	stileid.u32  }
0x2f: {  	s1 =	rddreg [dreg:$0x1];
	p0 =	sne.s32 s2, $0x0  }
0x30: {  	s3 =	rddreg [dreg:$0x2];
	[bflag:$0x3] =	sbarrier.arrive $0xFFFF;
	s2 =	simm.s32 @!p0 $0x1C02  }
0x31: {  	[timem:s3], [sflag:s2] =	dma.local @!p0 [hbm:s0], s1  }
0x32: {  	s0 =	simm.s32 @!p0 $0x2  }
0x33: {  	_ =	swait.ge @!p0 [sflag:s0], s1  }
0x34: {  	s1 =	ssub.s32 @!p0 $0x0, s1;
	[sflag:s0] =	ssyncset.done @!p0 $0x0  }
0x35: {  	[sflag:s0] =	ssyncadd.s32 @!p0 s1  }
0x36: {  	[bflag:$0x3] =	sbarrier.arrive $0xFFFF  }
0x37: {  	_ =	shalt  }

// kernel: kernel.33.cloned.1.call-start
scs
__scs_entry_jumppad:
0x0: {  	(pc) =	sbr.rel $0x88, $3  }
0x1: {  	(tag) =	ssettag $0x0;
	lr =	simm.s32 $0x1  }
0x2: {  	[smem:$0x3F90] =	sst lr;
	_ =	strace $0xD0000000  }
0x3: {  	_ = 	snop  }
0x4: {  	_ = 	snop  }
0x5: {  	_ = 	snop  }
0x6: {  	_ = 	snop  }
0x7: {  	_ = 	snop  }
__scs_overlays_trampoline_lowered:
0x8: {  	[smem:$0x3F9F] =	sst s0  }
0x9: {  	[smem:$0x3FA0] =	sst s1  }
0xa: {  	[smem:$0x3FA1] =	sst s2  }
0xb: {  	[smem:$0x3FA2] =	sst s3  }
0xc: {  	[smem:$0x3FA3] =	sst s4  }
0xd: {  	[smem:$0x3FA4] =	sst s5  }
0xe: {  	[smem:$0x3FA5] =	sst s6  }
0xf: {  	[smem:$0x3FA6] =	sst s7  }
0x10: {  	[smem:$0x3FA7] =	sst s8  }
0x11: {  	[smem:$0x3FA8] =	sst s9;
	s0 =	simm.s32 @!p0 $0x0  }
0x12: {  	s1 =	sld [smem:$0x3F8E];
	s0 =	simm.s32 @p0 $0x1  }
0x13: {  	[smem:$0x3FA9] =	sst s0;
	s0 =	simm.s32 @!p1 $0x0  }
0x14: {  	s2 =	sld [smem:$0x3F8D];
	s0 =	simm.s32 @p1 $0x1  }
0x15: {  	[smem:$0x3FAA] =	sst s0;
	s0 =	simm.s32 @!p2 $0x0  }
0x16: {  	s3 =	sld [smem:$0x3FDB];
	s0 =	simm.s32 @p2 $0x1  }
0x17: {  	s4 =	simm.s32 $0x1BF5;
	[smem:$0x3FAC] =	sst s0  }
0x18: {  	s0 =	sld [smem:$0x3F8F];
	_ =	swait.ge [sflag:s4], $0x0  }
0x19: {  	s7 =	sld [smem:$0x3F90]  }
0x1a: {  	s8 =	sadd.s32 $0xFFFFE003, lr  }
0x1b: {  	s9 =	sadd.s32 $0xFFFFFEF7, lr;
	s5 =	simm.s32 $0xFFFFFFFF;
	p2 =	slt.u32 s8, $0xFFFFF086  }
0x1c: {  	p1 =	slt.u32 s9, $0xF7A;
	s5 =	simm.s32 @!p2 $0x0  }
0x1d: {  	s5 =	simm.s32 @p1 $0x1;
	p0 =	seq.s32 s7, s2  }
0x1e: {  	s7 =	smul.u32 @!p0 $0xF7A, s2;
	p2 =	seq.s32 @!p0 s5, $0x0  }
0x1f: {  	s9 =	smul.u32 $0xF7A, s1;
	s8 =	simm.s32 @!p0 $0x1BF5;
	p2 =	por !p2, p0  }
0x20: {  	[sflag:s8] =	ssyncset.s32 @!p0 $0xFFFFF086;
	s6 =	sadd.s32 @!p0 s3, s7;
	s7 =	simm.s32 @!p0 $0x108  }
0x21: {  	s3 =	sadd.s32 s3, s9;
	s6 =	sadd.s32 @!p0 $0x88, s6;
	s7 =	simm.s32 @p2 $0x1082  }
0x22: {  	[simem:s7], [sflag:s8] =	dma.local @!p0 [hbm:s6], $0xF7A  }
0x23: {  	s9 =	sor.u32 $0xD0000000, s2;
	s6 =	simm.s32 $0x108;
	_ =	swait.ge @!p0 [sflag:s8], $0x0  }
0x24: {  	s3 =	sadd.s32 $0x88, s3;
	s6 =	simm.s32 @!p1 $0x1082;
	[sflag:s4] =	ssyncset.s32 $0xFFFFF086  }
0x25: {  	[simem:s6], [sflag:s4] =	dma.local [hbm:s3], $0xF7A  }
0x26: {  	[smem:$0x3F90] =	sst s1;
	(tag) =	ssettag s2;
	_ =	strace s9  }
0x27: {  	s1 =	sld [smem:$0x3FA0]  }
0x28: {  	s2 =	sld [smem:$0x3FA1]  }
0x29: {  	s4 =	sld [smem:$0x3FA3]  }
0x2a: {  	p0 =	seq.s32 s5, $0x0;
	s5 =	sld [smem:$0x3FA4]  }
0x2b: {  	s6 =	sld [smem:$0x3FA5]  }
0x2c: {  	s7 =	sld [smem:$0x3FA6]  }
0x2d: {  	s3 =	simm.s32 $0x108;
	s8 =	sld [smem:$0x3FA7]  }
0x2e: {  	s3 =	simm.s32 @!p0 $0x1082;
	s9 =	sld [smem:$0x3FA8]  }
0x2f: {  	lr =	sadd.s32 s0, s3;
	s0 =	sld [smem:$0x3F9F]  }
0x30: {  	s3 =	sld [smem:$0x3FA2]  }
0x31: {  	[smem:$0x3FAB] =	sst s10  }
0x32: {  	s10 =	sld [smem:$0x3FA9];
	_ =	sdelay $0x3  }
0x33: {  	p0 =	seq.s32 s10, $0x1;
	s10 =	sld [smem:$0x3FAB];
	_ =	sdelay $0x3  }
0x34: {  	[smem:$0x3FAB] =	sst s10  }
0x35: {  	s10 =	sld [smem:$0x3FAA];
	_ =	sdelay $0x3  }
0x36: {  	p1 =	seq.s32 s10, $0x1;
	s10 =	sld [smem:$0x3FAB];
	_ =	sdelay $0x3  }
0x37: {  	[smem:$0x3FAB] =	sst s10  }
0x38: {  	s10 =	sld [smem:$0x3FAC]  }
0x39: {  	_ = 	snop;
	(pc) =	sbr.ind lr, $3  }
0x3a: {  	_ = 	snop  }
0x3b: {  	_ = 	snop  }
0x3c: {  	p2 =	seq.s32 s10, $0x1;
	s10 =	sld [smem:$0x3FAB]  }
0x3d: {  	_ =	shalt  }
0x3e: {  	_ =	shalt  }
0x3f: {  	_ =	shalt  }
0x40: {  	_ =	shalt  }
0x41: {  	_ =	shalt  }
0x42: {  	_ =	shalt  }
0x43: {  	_ =	shalt  }
0x44: {  	_ =	shalt  }
0x45: {  	_ =	shalt  }
0x46: {  	_ =	shalt  }
0x47: {  	_ =	shalt  }
0x48: {  	_ =	shalt  }
0x49: {  	_ =	shalt  }
0x4a: {  	_ =	shalt  }
0x4b: {  	_ =	shalt  }
0x4c: {  	_ =	shalt  }
0x4d: {  	_ =	shalt  }
0x4e: {  	_ =	shalt  }
0x4f: {  	_ =	shalt  }
0x50: {  	_ =	shalt  }
0x51: {  	_ =	shalt  }
0x52: {  	_ =	shalt  }
0x53: {  	_ =	shalt  }
0x54: {  	_ =	shalt  }
0x55: {  	_ =	shalt  }
0x56: {  	_ =	shalt  }
0x57: {  	_ =	shalt  }
0x58: {  	_ =	shalt  }
0x59: {  	_ =	shalt  }
0x5a: {  	_ =	shalt  }
0x5b: {  	_ =	shalt  }
0x5c: {  	_ =	shalt  }
0x5d: {  	_ =	shalt  }
0x5e: {  	_ =	shalt  }
0x5f: {  	_ =	shalt  }
0x60: {  	_ =	shalt  }
0x61: {  	_ =	shalt  }
0x62: {  	_ =	shalt  }
0x63: {  	_ =	shalt  }
0x64: {  	_ =	shalt  }
0x65: {  	_ =	shalt  }
0x66: {  	_ =	shalt  }
0x67: {  	_ =	shalt  }
0x68: {  	_ =	shalt  }
0x69: {  	_ =	shalt  }
0x6a: {  	_ =	shalt  }
0x6b: {  	_ =	shalt  }
0x6c: {  	_ =	shalt  }
0x6d: {  	_ =	shalt  }
0x6e: {  	_ =	shalt  }
0x6f: {  	_ =	shalt  }
0x70: {  	_ =	shalt  }
0x71: {  	_ =	shalt  }
0x72: {  	_ =	shalt  }
0x73: {  	_ =	shalt  }
0x74: {  	_ =	shalt  }
0x75: {  	_ =	shalt  }
0x76: {  	_ =	shalt  }
0x77: {  	_ =	shalt  }
0x78: {  	_ =	shalt  }
0x79: {  	_ =	shalt  }
0x7a: {  	_ =	shalt  }
0x7b: {  	_ =	shalt  }
0x7c: {  	_ =	shalt  }
0x7d: {  	_ =	shalt  }
0x7e: {  	_ =	shalt  }
0x7f: {  	_ =	shalt  }
0x80: {  	_ =	shalt  }
0x81: {  	_ =	shalt  }
0x82: {  	_ =	shalt  }
0x83: {  	_ =	shalt  }
0x84: {  	_ =	shalt  }
0x85: {  	_ =	shalt  }
0x86: {  	_ =	shalt  }
0x87: {  	_ =	shalt  }
.Lfunc_end0:
.L_simem_size_0:
called_computation.4_lowered:
.L_overlay_start_0:
0x88: {  	s2 =	sld [smem:$0x3FD9]  }
0x89: {  	s3 =	sld [smem:$0x3FFE];
	_ =	sdelay $0x1  }
0x8a: {  	s1 =	srdreg.scid  }
0x8b: {  	s0 =	sand.u32 $0x1, s1  }
0x8c: {  	s16 =	sshll.u32 s0, $0xA;
	s2 =	sadd.s32 s3, s2  }
0x8d: {  	s2 =	sadd.s32 s2, s16  }
0x8e: {  	[smem:$0x3FB7] =	sst s2  }
0x8f: {  	_ = 	snop  }
0x90: {  	(tm) =	ssettm $0x1  }
0x91: {  	s17 =	sld [smem:$0x3FFB];
	_ =	sdelay $0x3  }
0x92: {  	_ =	strace s17  }
0x93: {  	s2 =	sld [smem:$0x3FFC];
	_ =	sdelay $0x3  }
0x94: {  	_ =	strace s2  }
0x95: {  	s2 =	sld [smem:$0x3FFD];
	_ =	sdelay $0x3  }
0x96: {  	_ =	strace s2  }
0x97: {  	_ =	strace $0x8FFFFFFF  }
0x98: {  	s18 =	sld [smem:$0x3FDB];
	_ =	sdelay $0x1  }
0x99: {  	s19 =	simm.s32 $_scs_section_size  }
0x9a: {  	s4 =	simm.s32 $_size__tile_overlayer_lowered;
	s5 =	simm.s32 $_tile_overlayer_lowered  }
0x9b: {  	s22 =	simm.s32 $0x1BFF;
	s21 =	sshll.u32 s5, $0x1;
	s2 =	sadd.s32 s19, s18  }
0x9c: {  	s6 =	simm.s32 $0x0;
	s20 =	sshll.u32 s4, $0x1;
	s4 =	sadd.s32 s21, s2  }
0x9d: {  	[timem:s6], [sflag:s22] =	dma.local [hbm:s4], s20  }
0x9e: {  	_ =	swait.ge [sflag:s22], s20  }
0x9f: {  	s3 =	ssub.s32 $0x0, s20;
	[sflag:s22] =	ssyncset.done $0x0  }
0xa0: {  	[sflag:s22] =	ssyncadd.s32 s3;
	_ =	sdelay $0x1  }
0xa1: {  	s23 =	simm.s32 $0x1B8B  }
0xa2: {  	_ =	swait.ge [sflag:s23], $0x1  }
0xa3: {  	[sflag:s23] =	ssyncset.done $0x0  }
0xa4: {  	s25 =	simm.s32 $0x1B8E;
	s24 =	sld [smem:$0x3FFE];
	[sflag:s23] =	ssyncadd.s32 $0xFFFFFFFF  }
0xa5: {  	s26 =	simm.s32 $execute0_lowered;
	[smem:$0x3FD2] =	sst s25  }
0xa6: {  	s4 =	sshll.u32 s26, $0x1;
	_ =	strace $0x80000052;
	[dreg:$0x1] =	wrdreg $0xFFFFFFFF  }
0xa7: {  	s28 =	simm.s32 $_size_execute0_lowered;
	s2 =	sadd.s32 s2, s4;
	[dreg:$0x0] =	wrdreg $0x0  }
0xa8: {  	s4 =	sshll.u32 s28, $0x1;
	[dreg:$0x2] =	wrdreg s2  }
0xa9: {  	[dreg:$0x3] =	wrdreg s4  }
0xaa: {  	[dreg:$0x4] =	wrdreg $0xC0  }
0xab: {  	_ =	task [dreg:s6], $0x5FFFF  }
0xac: {  	[dreg:$0x1] =	wrdreg $0xFFFFFFFF  }
0xad: {  	[dreg:$0x0] =	wrdreg $0x60  }
0xae: {  	[dreg:$0x2] =	wrdreg s24  }
0xaf: {  	[dreg:$0x3] =	wrdreg $0x68000  }
0xb0: {  	[dreg:$0x4] =	wrdreg $0x9  }
0xb1: {  	_ =	task.clear_ibuf [dreg:s6], $0x5FFFF;
	_ =	strace $0x90000052  }
0xb2: {  	s29 =	simm.s32 $0x9;
	_ =	strace $0x80000054  }
0xb3: {  	_ =	swait.ge [sflag:s29], $0x1  }
0xb4: {  	[sflag:s29] =	ssyncadd.s32 $0xFFFFFFFF  }
0xb5: {  	_ =	strace $0x90000054  }
0xb6: {  	_ =	sfence  }
0xb7: {  	s30 =	sld [smem:$0x0];
	_ =	sdelay $0x2  }
0xb8: {  	s31 =	sshll.u32 s1, $0xD;
	s1 =	sshrl.u32 s1, $0x2  }
0xb9: {  	s3 =	sand.u32 $0x4000, s31;
	s1 =	sadd.s32 s1, s30  }
0xba: {  	s0 =	sor.u32 s3, s0;
	s1 =	sshll.u32 s1, $0x11  }
0xbb: {  	s0 =	sor.u32 s1, s0  }
0xbc: {  	s0 =	sadd.s32 $0x8F2B, s0  }
0xbd: {  	[sflag:s0] =	ssyncadd.remote.s32 $0x1  }
0xbe: {  	_ =	sfence.sel $0xFFFF  }
0xbf: {  	[dreg:$0x0] =	wrdreg $0xFFFFFFFF;
	(pc) =	sbr.abs _section_cstart, $3  }
0xc0: {  	[dreg:$0x1] =	wrdreg $0xFFFFFFFF  }
0xc1: {  	_ =	task.clear_ibuf [dreg:s6], $0x2FFFF;
	_ =	strace $0x9FFFFFFF  }
0xc2: {  	(tm) =	ssettm $0x7FFFFFFF  }
0xc3: {  	_ =	shalt  }
tec
execute0_lowered:
.L_overlay_start_1:
0x0: {  	(tag) =	ssettag $0x1  }
0x1: {  	s4 =	rddreg [dreg:$0x0]  }
0x2: {  	s1 =	rddreg [dreg:$0x1]  }
0x3: {  	s2 =	srdreg.scid;
	s0 =	rddreg [dreg:$0x2]  }
0x4: {  	s3 =	simm.s32 $0x0;
	s13 =	simm.s32 $0x1;
	s5 =	sand.u32 $0x1, s2  }
0x5: {  	s14 =	simm.s32 $0x50;
	s2 =	stileid.u32;
	s6 =	smul.u32 $0x271000, s5  }
0x6: {  	s15 =	simm.s32 $0x0;
	[smem:$0x7FF] =	sst s3;
	s7 =	smul.u32 $0x14000, s2  }
0x7: {  	s8 =	sshll.u32 s2, $0xB;
	s9 =	sshll.u32 s5, $0xF;
	s10 =	smul.u32 $0x140000, s5  }
0x8: {  	_ =	strace $0x80000053;
	s5 =	ssub.s32 $0x2, s5;
	s25 =	smul.u32 $0x50000, s2  }
0x9: {  	s30 =	smul.u32 $0x27100, s2;
	s31 =	sshll.u32 s2, $0x6;
	s23 =	sor.u32 s8, s9  }
0xa: {  	s26 =	sshrl.u32 s5, $0x1;
	s11 =	sadd.s32 s6, s4;
	s6 =	sadd.s32 s23, s4  }
0xb: {  	s24 =	sshrl.u32 s7, $0x3;
	s7 =	sadd.s32 s7, s10;
	s28 =	ssub.s32 s5, s26  }
0xc: {  	s29 =	sshrl.u32 s25, $0x2;
	s5 =	sor.u32 $0x1C02, s31;
	s7 =	sshrl.u32 s7, $0x3  }
0xd: {  	s8 =	sadd.s32 s24, s4;
	s12 =	sadd.s32 s29, s1;
	s6 =	sadd.s32 $0x52F200, s6  }
0xe: {  	s9 =	sadd.s32 s30, s11;
	s11 =	simm.s32 $0x2;
	s7 =	sadd.s32 s7, s4  }
0xf: {  	s4 =	sadd.s32 $0x53F200, s8;
	s8 =	smax.u32 s28, $0x1;
	s9 =	sadd.s32 $0xF7B200, s9  }
0x10: {  	s10 =	sshrl.u32 s12, $0x3;
	s12 =	simm.s32 $0x4000;
	s7 =	sadd.s32 $0x26000, s7  }
.LBB2_1:
0x11: {  	[spmem:s10], [sflag:s5] =	dma.local [hbm:s4], $0x2800  }
0x12: {  	_ =	swait.ge [sflag:s11], $0x2800  }
0x13: {  	[sflag:s11] =	ssyncset.done $0x0  }
0x14: {  	[sflag:s11] =	ssyncadd.s32 $0xFFFFD800  }
0x15: {  	[bflag:$0x0] =	sbarrier.arrive $0xFFFF  }
0x16: {  	[tilespmem:s3], [sflag:$0x2] =	stream.linear.gather [hbm4b:s6+s3], $0x3E80, $0x38;
	[tilespmem:$0x1A800] =	vst v63  }
0x17: {  	_ =	swait.ge [sflag:s11], $0x3E80  }
0x18: {  	[sflag:s11] =	ssyncset.done $0x0  }
0x19: {  	[sflag:s11] =	ssyncadd.s32 $0xFFFFC180  }
0x1a: {  	[tilespmem:s12], [sflag:$0x1] =	stream.linear.gather [hbm4b:s9+s3], $0x2800, $0x38;
	[tilespmem:$0x1A800] =	vst v63  }
0x1b: {  	_ =	swait.ge [sflag:s13], $0x2800  }
0x1c: {  	[sflag:s13] =	ssyncset.done $0x0  }
0x1d: {  	s16 =	simm.s32 $0x0;
	[sflag:s13] =	ssyncadd.s32 $0xFFFFD800  }
0x1e: {  	[spmem:s1] =	stream.indirect.scatter.add.f32 [tilespmem:s12], [sflag:$0x2], $0x80, s16, s14, $0xb8;
	[tilespmem:$0x1A800] =	vst v63  }
0x1f: {  	_ =	swait.ge [sflag:s11], $0x2800  }
0x20: {  	s17 =	smov.u32 s9;
	s16 =	simm.s32 $0x200;
	[sflag:s11] =	ssyncset.done $0x0  }
.LBB2_2:
0x21: {  	p0 =	sne.s32 s16, $0xF800;
	[sflag:s11] =	ssyncadd.s32 $0xFFFFD800;
	s17 =	sadd.s32 $0x500, s17  }
0x22: {  	[tilespmem:s12], [sflag:$0x1] =	stream.linear.gather [hbm4b:s17+s3], $0x2800, $0x38;
	[tilespmem:$0x1A800] =	vst v63  }
0x23: {  	s18 =	smov.u32 s16;
	s16 =	sadd.s32 $0x200, s16;
	_ =	swait.ge [sflag:s13], $0x2800  }
.Ltmp0:
0x24: {  	[sflag:s13] =	ssyncset.done $0x0;
	(pc) =	sbr.rel @p0 .LBB2_2-.Ltmp0, $4  }
0x25: {  	s18 =	sshra.s32 s18, $0x2;
	[sflag:s13] =	ssyncadd.s32 $0xFFFFD800  }
0x26: {  	[spmem:s1] =	stream.indirect.scatter.add.f32 [tilespmem:s12], [sflag:$0x2], $0x80, s18, s14, $0xb8;
	[tilespmem:$0x1A800] =	vst v63  }
0x27: {  	_ =	swait.ge [sflag:s11], $0x2800  }
0x28: {  	[sflag:s11] =	ssyncset.done $0x0  }
0x29: {  	s15 =	sadd.s32 $0x1, s15  }
0x2a: {  	[sflag:s11] =	ssyncadd.s32 $0xFFFFD800;
	p0 =	sne.s32 s15, s8  }
.Ltmp1:
0x2b: {  	[bflag:$0x0] =	sbarrier.arrive $0xFFFF;
	(pc) =	sbr.rel @p0 .LBB2_1-.Ltmp1, $4  }
0x2c: {  	[hbm:s7], [sflag:s5] =	dma.local [spmem:s10], $0x2800  }
0x2d: {  	_ =	swait.ge [sflag:s11], $0x2800  }
0x2e: {  	[sflag:s11] =	ssyncset.done $0x0  }
0x2f: {  	[sflag:s11] =	ssyncadd.s32 $0xFFFFD800  }
0x30: {  	_ =	sfence.sel $0x180000  }
0x31: {  	[bflag:$0x0] =	sbarrier.arrive $0xFFFF  }
0x32: {  	p0 =	sne.s32 s2, $0x0;
	_ =	strace $0x90000053  }
0x33: {  	s0 =	sadd.s32 @!p0 $0x100000, s0;
	[bflag:$0x2] =	sbarrier.arrive $0xFFFF  }
0x34: {  	[sflag:s0] =	ssyncadd.tile.s32 @!p0 $0x1;
	_ =	shalt  }
.Lfunc_end2:
_tile_overlayer_lowered:
.L_overlay_start_2:
0x35: {  	(tag) =	ssettag $0x2  }
0x36: {  	s0 =	rddreg [dreg:$0x0];
	s2 =	stileid.u32  }
0x37: {  	s1 =	rddreg [dreg:$0x1];
	p0 =	sne.s32 s2, $0x0  }
0x38: {  	s3 =	rddreg [dreg:$0x2];
	[bflag:$0x3] =	sbarrier.arrive $0xFFFF;
	s2 =	simm.s32 @!p0 $0x1C02  }
0x39: {  	[timem:s3], [sflag:s2] =	dma.local @!p0 [hbm:s0], s1  }
0x3a: {  	s0 =	simm.s32 @!p0 $0x2  }
0x3b: {  	_ =	swait.ge @!p0 [sflag:s0], s1  }
0x3c: {  	s1 =	ssub.s32 @!p0 $0x0, s1;
	[sflag:s0] =	ssyncset.done @!p0 $0x0  }
0x3d: {  	[sflag:s0] =	ssyncadd.s32 @!p0 s1  }
0x3e: {  	[bflag:$0x3] =	sbarrier.arrive $0xFFFF  }
0x3f: {  	_ =	shalt  }

// kernel: kernel.36.cloned.1.call-start
scs
__scs_entry_jumppad:
0x0: {  	(pc) =	sbr.rel $0x88, $3  }
0x1: {  	(tag) =	ssettag $0x0;
	lr =	simm.s32 $0x1  }
0x2: {  	[smem:$0x3F90] =	sst lr;
	_ =	strace $0xD0000000  }
0x3: {  	_ = 	snop  }
0x4: {  	_ = 	snop  }
0x5: {  	_ = 	snop  }
0x6: {  	_ = 	snop  }
0x7: {  	_ = 	snop  }
__scs_overlays_trampoline_lowered:
0x8: {  	[smem:$0x3F9F] =	sst s0  }
0x9: {  	[smem:$0x3FA0] =	sst s1  }
0xa: {  	[smem:$0x3FA1] =	sst s2  }
0xb: {  	[smem:$0x3FA2] =	sst s3  }
0xc: {  	[smem:$0x3FA3] =	sst s4  }
0xd: {  	[smem:$0x3FA4] =	sst s5  }
0xe: {  	[smem:$0x3FA5] =	sst s6  }
0xf: {  	[smem:$0x3FA6] =	sst s7  }
0x10: {  	[smem:$0x3FA7] =	sst s8  }
0x11: {  	[smem:$0x3FA8] =	sst s9;
	s0 =	simm.s32 @!p0 $0x0  }
0x12: {  	s1 =	sld [smem:$0x3F8E];
	s0 =	simm.s32 @p0 $0x1  }
0x13: {  	[smem:$0x3FA9] =	sst s0;
	s0 =	simm.s32 @!p1 $0x0  }
0x14: {  	s2 =	sld [smem:$0x3F8D];
	s0 =	simm.s32 @p1 $0x1  }
0x15: {  	[smem:$0x3FAA] =	sst s0;
	s0 =	simm.s32 @!p2 $0x0  }
0x16: {  	s3 =	sld [smem:$0x3FDB];
	s0 =	simm.s32 @p2 $0x1  }
0x17: {  	s4 =	simm.s32 $0x1BF5;
	[smem:$0x3FAC] =	sst s0  }
0x18: {  	s0 =	sld [smem:$0x3F8F];
	_ =	swait.ge [sflag:s4], $0x0  }
0x19: {  	s7 =	sld [smem:$0x3F90]  }
0x1a: {  	s8 =	sadd.s32 $0xFFFFE003, lr  }
0x1b: {  	s9 =	sadd.s32 $0xFFFFFEF7, lr;
	s5 =	simm.s32 $0xFFFFFFFF;
	p2 =	slt.u32 s8, $0xFFFFF086  }
0x1c: {  	p1 =	slt.u32 s9, $0xF7A;
	s5 =	simm.s32 @!p2 $0x0  }
0x1d: {  	s5 =	simm.s32 @p1 $0x1;
	p0 =	seq.s32 s7, s2  }
0x1e: {  	s7 =	smul.u32 @!p0 $0xF7A, s2;
	p2 =	seq.s32 @!p0 s5, $0x0  }
0x1f: {  	s9 =	smul.u32 $0xF7A, s1;
	s8 =	simm.s32 @!p0 $0x1BF5;
	p2 =	por !p2, p0  }
0x20: {  	[sflag:s8] =	ssyncset.s32 @!p0 $0xFFFFF086;
	s6 =	sadd.s32 @!p0 s3, s7;
	s7 =	simm.s32 @!p0 $0x108  }
0x21: {  	s3 =	sadd.s32 s3, s9;
	s6 =	sadd.s32 @!p0 $0x88, s6;
	s7 =	simm.s32 @p2 $0x1082  }
0x22: {  	[simem:s7], [sflag:s8] =	dma.local @!p0 [hbm:s6], $0xF7A  }
0x23: {  	s9 =	sor.u32 $0xD0000000, s2;
	s6 =	simm.s32 $0x108;
	_ =	swait.ge @!p0 [sflag:s8], $0x0  }
0x24: {  	s3 =	sadd.s32 $0x88, s3;
	s6 =	simm.s32 @!p1 $0x1082;
	[sflag:s4] =	ssyncset.s32 $0xFFFFF086  }
0x25: {  	[simem:s6], [sflag:s4] =	dma.local [hbm:s3], $0xF7A  }
0x26: {  	[smem:$0x3F90] =	sst s1;
	(tag) =	ssettag s2;
	_ =	strace s9  }
0x27: {  	s1 =	sld [smem:$0x3FA0]  }
0x28: {  	s2 =	sld [smem:$0x3FA1]  }
0x29: {  	s4 =	sld [smem:$0x3FA3]  }
0x2a: {  	p0 =	seq.s32 s5, $0x0;
	s5 =	sld [smem:$0x3FA4]  }
0x2b: {  	s6 =	sld [smem:$0x3FA5]  }
0x2c: {  	s7 =	sld [smem:$0x3FA6]  }
0x2d: {  	s3 =	simm.s32 $0x108;
	s8 =	sld [smem:$0x3FA7]  }
0x2e: {  	s3 =	simm.s32 @!p0 $0x1082;
	s9 =	sld [smem:$0x3FA8]  }
0x2f: {  	lr =	sadd.s32 s0, s3;
	s0 =	sld [smem:$0x3F9F]  }
0x30: {  	s3 =	sld [smem:$0x3FA2]  }
0x31: {  	[smem:$0x3FAB] =	sst s10  }
0x32: {  	s10 =	sld [smem:$0x3FA9];
	_ =	sdelay $0x3  }
0x33: {  	p0 =	seq.s32 s10, $0x1;
	s10 =	sld [smem:$0x3FAB];
	_ =	sdelay $0x3  }
0x34: {  	[smem:$0x3FAB] =	sst s10  }
0x35: {  	s10 =	sld [smem:$0x3FAA];
	_ =	sdelay $0x3  }
0x36: {  	p1 =	seq.s32 s10, $0x1;
	s10 =	sld [smem:$0x3FAB];
	_ =	sdelay $0x3  }
0x37: {  	[smem:$0x3FAB] =	sst s10  }
0x38: {  	s10 =	sld [smem:$0x3FAC]  }
0x39: {  	_ = 	snop;
	(pc) =	sbr.ind lr, $3  }
0x3a: {  	_ = 	snop  }
0x3b: {  	_ = 	snop  }
0x3c: {  	p2 =	seq.s32 s10, $0x1;
	s10 =	sld [smem:$0x3FAB]  }
0x3d: {  	_ =	shalt  }
0x3e: {  	_ =	shalt  }
0x3f: {  	_ =	shalt  }
0x40: {  	_ =	shalt  }
0x41: {  	_ =	shalt  }
0x42: {  	_ =	shalt  }
0x43: {  	_ =	shalt  }
0x44: {  	_ =	shalt  }
0x45: {  	_ =	shalt  }
0x46: {  	_ =	shalt  }
0x47: {  	_ =	shalt  }
0x48: {  	_ =	shalt  }
0x49: {  	_ =	shalt  }
0x4a: {  	_ =	shalt  }
0x4b: {  	_ =	shalt  }
0x4c: {  	_ =	shalt  }
0x4d: {  	_ =	shalt  }
0x4e: {  	_ =	shalt  }
0x4f: {  	_ =	shalt  }
0x50: {  	_ =	shalt  }
0x51: {  	_ =	shalt  }
0x52: {  	_ =	shalt  }
0x53: {  	_ =	shalt  }
0x54: {  	_ =	shalt  }
0x55: {  	_ =	shalt  }
0x56: {  	_ =	shalt  }
0x57: {  	_ =	shalt  }
0x58: {  	_ =	shalt  }
0x59: {  	_ =	shalt  }
0x5a: {  	_ =	shalt  }
0x5b: {  	_ =	shalt  }
0x5c: {  	_ =	shalt  }
0x5d: {  	_ =	shalt  }
0x5e: {  	_ =	shalt  }
0x5f: {  	_ =	shalt  }
0x60: {  	_ =	shalt  }
0x61: {  	_ =	shalt  }
0x62: {  	_ =	shalt  }
0x63: {  	_ =	shalt  }
0x64: {  	_ =	shalt  }
0x65: {  	_ =	shalt  }
0x66: {  	_ =	shalt  }
0x67: {  	_ =	shalt  }
0x68: {  	_ =	shalt  }
0x69: {  	_ =	shalt  }
0x6a: {  	_ =	shalt  }
0x6b: {  	_ =	shalt  }
0x6c: {  	_ =	shalt  }
0x6d: {  	_ =	shalt  }
0x6e: {  	_ =	shalt  }
0x6f: {  	_ =	shalt  }
0x70: {  	_ =	shalt  }
0x71: {  	_ =	shalt  }
0x72: {  	_ =	shalt  }
0x73: {  	_ =	shalt  }
0x74: {  	_ =	shalt  }
0x75: {  	_ =	shalt  }
0x76: {  	_ =	shalt  }
0x77: {  	_ =	shalt  }
0x78: {  	_ =	shalt  }
0x79: {  	_ =	shalt  }
0x7a: {  	_ =	shalt  }
0x7b: {  	_ =	shalt  }
0x7c: {  	_ =	shalt  }
0x7d: {  	_ =	shalt  }
0x7e: {  	_ =	shalt  }
0x7f: {  	_ =	shalt  }
0x80: {  	_ =	shalt  }
0x81: {  	_ =	shalt  }
0x82: {  	_ =	shalt  }
0x83: {  	_ =	shalt  }
0x84: {  	_ =	shalt  }
0x85: {  	_ =	shalt  }
0x86: {  	_ =	shalt  }
0x87: {  	_ =	shalt  }
.Lfunc_end0:
.L_simem_size_0:
called_computation.5_lowered:
.L_overlay_start_0:
0x88: {  	s2 =	sld [smem:$0x3FD9]  }
0x89: {  	s3 =	sld [smem:$0x3FFE];
	_ =	sdelay $0x1  }
0x8a: {  	s1 =	srdreg.scid  }
0x8b: {  	s0 =	sand.u32 $0x1, s1  }
0x8c: {  	s16 =	sshll.u32 s0, $0xA;
	s2 =	sadd.s32 s3, s2  }
0x8d: {  	s2 =	sadd.s32 s2, s16  }
0x8e: {  	[smem:$0x3FB7] =	sst s2  }
0x8f: {  	_ = 	snop  }
0x90: {  	(tm) =	ssettm $0x1  }
0x91: {  	s17 =	sld [smem:$0x3FFB];
	_ =	sdelay $0x3  }
0x92: {  	_ =	strace s17  }
0x93: {  	s2 =	sld [smem:$0x3FFC];
	_ =	sdelay $0x3  }
0x94: {  	_ =	strace s2  }
0x95: {  	s2 =	sld [smem:$0x3FFD];
	_ =	sdelay $0x3  }
0x96: {  	_ =	strace s2  }
0x97: {  	_ =	strace $0x8FFFFFFF  }
0x98: {  	s18 =	sld [smem:$0x3FDB];
	_ =	sdelay $0x1  }
0x99: {  	s19 =	simm.s32 $_scs_section_size  }
0x9a: {  	s4 =	simm.s32 $_size__tile_overlayer_lowered;
	s5 =	simm.s32 $_tile_overlayer_lowered  }
0x9b: {  	s22 =	simm.s32 $0x1BFF;
	s21 =	sshll.u32 s5, $0x1;
	s2 =	sadd.s32 s19, s18  }
0x9c: {  	s6 =	simm.s32 $0x0;
	s20 =	sshll.u32 s4, $0x1;
	s4 =	sadd.s32 s21, s2  }
0x9d: {  	[timem:s6], [sflag:s22] =	dma.local [hbm:s4], s20  }
0x9e: {  	_ =	swait.ge [sflag:s22], s20  }
0x9f: {  	s3 =	ssub.s32 $0x0, s20;
	[sflag:s22] =	ssyncset.done $0x0  }
0xa0: {  	[sflag:s22] =	ssyncadd.s32 s3;
	_ =	sdelay $0x1  }
0xa1: {  	s23 =	simm.s32 $0x1B8B  }
0xa2: {  	_ =	swait.ge [sflag:s23], $0x1  }
0xa3: {  	[sflag:s23] =	ssyncset.done $0x0  }
0xa4: {  	s25 =	simm.s32 $0x1B8E;
	s24 =	sld [smem:$0x3FFE];
	[sflag:s23] =	ssyncadd.s32 $0xFFFFFFFF  }
0xa5: {  	s26 =	simm.s32 $execute0_lowered;
	[smem:$0x3FD2] =	sst s25  }
0xa6: {  	s4 =	sshll.u32 s26, $0x1;
	_ =	strace $0x80000055;
	[dreg:$0x1] =	wrdreg $0xFFFFFFFF  }
0xa7: {  	s28 =	simm.s32 $_size_execute0_lowered;
	s2 =	sadd.s32 s2, s4;
	[dreg:$0x0] =	wrdreg $0x0  }
0xa8: {  	s4 =	sshll.u32 s28, $0x1;
	[dreg:$0x2] =	wrdreg s2  }
0xa9: {  	[dreg:$0x3] =	wrdreg s4  }
0xaa: {  	[dreg:$0x4] =	wrdreg $0xC0  }
0xab: {  	_ =	task [dreg:s6], $0x5FFFF  }
0xac: {  	[dreg:$0x1] =	wrdreg $0xFFFFFFFF  }
0xad: {  	[dreg:$0x0] =	wrdreg $0x60  }
0xae: {  	[dreg:$0x2] =	wrdreg s24  }
0xaf: {  	[dreg:$0x3] =	wrdreg $0x9  }
0xb0: {  	_ =	task.clear_ibuf [dreg:s6], $0x4FFFF;
	_ =	strace $0x90000055  }
0xb1: {  	s29 =	simm.s32 $0x9;
	_ =	strace $0x80000057  }
0xb2: {  	_ =	swait.ge [sflag:s29], $0x1  }
0xb3: {  	[sflag:s29] =	ssyncadd.s32 $0xFFFFFFFF  }
0xb4: {  	_ =	strace $0x90000057  }
0xb5: {  	_ =	sfence  }
0xb6: {  	s30 =	sld [smem:$0x0];
	_ =	sdelay $0x2  }
0xb7: {  	s31 =	sshll.u32 s1, $0xD;
	s1 =	sshrl.u32 s1, $0x2  }
0xb8: {  	s3 =	sand.u32 $0x4000, s31;
	s1 =	sadd.s32 s1, s30  }
0xb9: {  	s0 =	sor.u32 s3, s0;
	s1 =	sshll.u32 s1, $0x11  }
0xba: {  	s0 =	sor.u32 s1, s0  }
0xbb: {  	s0 =	sadd.s32 $0x8F2B, s0  }
0xbc: {  	[sflag:s0] =	ssyncadd.remote.s32 $0x1  }
0xbd: {  	_ =	sfence.sel $0xFFFF  }
0xbe: {  	[dreg:$0x0] =	wrdreg $0xFFFFFFFF;
	(pc) =	sbr.abs _section_cstart, $3  }
0xbf: {  	[dreg:$0x1] =	wrdreg $0xFFFFFFFF  }
0xc0: {  	_ =	task.clear_ibuf [dreg:s6], $0x2FFFF;
	_ =	strace $0x9FFFFFFF  }
0xc1: {  	(tm) =	ssettm $0x7FFFFFFF  }
tec
execute0_lowered:
.L_overlay_start_1:
0x0: {  	(tag) =	ssettag $0x1  }
0x1: {  	s4 =	rddreg [dreg:$0x0]  }
0x2: {  	s0 =	rddreg [dreg:$0x1];
	s2 =	simm.s32 $0x0;
	s5 =	srdreg.scid  }
0x3: {  	s1 =	stileid.u32;
	s10 =	simm.s32 $0x1;
	s11 =	simm.s32 $0x0  }
0x4: {  	[smem:$0x7FF] =	sst s2;
	s3 =	sadd.s32 $0x567200, s4;
	s5 =	sand.u32 $0x1, s5  }
0x5: {  	s6 =	sshll.u32 s1, $0xB;
	s9 =	smul.u32 $0x27100, s1;
	_ =	strace $0x80000056  }
0x6: {  	s7 =	sshll.u32 s5, $0xF;
	s8 =	smul.u32 $0x271000, s5;
	s5 =	ssub.s32 $0x2, s5  }
0x7: {  	s6 =	sor.u32 s6, s7;
	s30 =	sshrl.u32 s5, $0x1;
	s7 =	simm.s32 $0x2  }
0x8: {  	s6 =	sadd.s32 s6, s4;
	s8 =	sadd.s32 s8, s4;
	s5 =	ssub.s32 s5, s30  }
0x9: {  	s4 =	sadd.s32 $0x16000, s6;
	s5 =	smax.u32 s5, $0x1;
	s31 =	sadd.s32 s9, s8  }
0xa: {  	s8 =	simm.s32 $0x50;
	s9 =	simm.s32 $0x4000;
	s6 =	sadd.s32 $0xA99200, s31  }
.LBB2_1:
0xb: {  	[tilespmem:s2], [sflag:$0x2] =	stream.linear.gather [hbm4b:s4+s2], $0x3E80, $0x38;
	[tilespmem:$0x6800] =	vst v63  }
0xc: {  	_ =	swait.ge [sflag:s7], $0x3E80  }
0xd: {  	[sflag:s7] =	ssyncset.done $0x0  }
0xe: {  	s12 =	simm.s32 $0x0;
	[sflag:s7] =	ssyncadd.s32 $0xFFFFC180  }
0xf: {  	[tilespmem:s9], [sflag:$0x1] =	stream.indirect.gather [hbm4b:s3+s8], $0x80, s12, s8, $0xb8;
	[tilespmem:$0x6800] =	vst v63  }
0x10: {  	_ =	swait.ge [sflag:s10], $0x2800  }
0x11: {  	[sflag:s10] =	ssyncset.done $0x0  }
0x12: {  	[sflag:s10] =	ssyncadd.s32 $0xFFFFD800  }
0x13: {  	[hbm4b:s6+s2] =	stream.linear.scatter [tilespmem:s9], [sflag:$0x2], $0x2800, $0x38;
	[tilespmem:$0x6800] =	vst v63  }
0x14: {  	s13 =	simm.s32 $0x200;
	_ =	swait.ge [sflag:s7], $0x2800  }
0x15: {  	s14 =	simm.s32 $0x400;
	s12 =	sadd.s32 $0x500, s6;
	[sflag:s7] =	ssyncset.done $0x0  }
.LBB2_2:
0x16: {  	s15 =	sshra.s32 s13, $0x2  }
0x17: {  	[sflag:s7] =	ssyncadd.s32 $0xFFFFD800;
	s13 =	smov.u32 s14;
	s16 =	sadd.s32 $0x200, s14  }
0x18: {  	[tilespmem:s9], [sflag:$0x1] =	stream.indirect.gather [hbm4b:s3+s8], $0x80, s15, s8, $0xb8;
	[tilespmem:$0x6800] =	vst v63  }
0x19: {  	p0 =	sne.s32 s14, $0xF800;
	_ =	swait.ge [sflag:s10], $0x2800  }
.Ltmp0:
0x1a: {  	[sflag:s10] =	ssyncset.done $0x0;
	(pc) =	sbr.rel @p0 .LBB2_2-.Ltmp0, $4  }
0x1b: {  	[sflag:s10] =	ssyncadd.s32 $0xFFFFD800  }
0x1c: {  	[hbm4b:s12+s2] =	stream.linear.scatter [tilespmem:s9], [sflag:$0x2], $0x2800, $0x38;
	[tilespmem:$0x6800] =	vst v63  }
0x1d: {  	_ =	swait.ge [sflag:s7], $0x2800  }
0x1e: {  	s14 =	smov.u32 s16;
	s12 =	sadd.s32 $0x500, s12;
	[sflag:s7] =	ssyncset.done $0x0  }
0x1f: {  	s13 =	sshra.s32 s13, $0x2;
	[sflag:s7] =	ssyncadd.s32 $0xFFFFD800  }
0x20: {  	[tilespmem:s9], [sflag:$0x1] =	stream.indirect.gather [hbm4b:s3+s8], $0x80, s13, s8, $0xb8;
	[tilespmem:$0x6800] =	vst v63  }
0x21: {  	s11 =	sadd.s32 $0x1, s11;
	_ =	swait.ge [sflag:s10], $0x2800  }
0x22: {  	p0 =	sne.s32 s11, s5;
	[sflag:s10] =	ssyncset.done $0x0  }
.Ltmp1:
0x23: {  	[sflag:s10] =	ssyncadd.s32 $0xFFFFD800;
	(pc) =	sbr.rel @p0 .LBB2_1-.Ltmp1, $4  }
0x24: {  	[hbm4b:s12+s2] =	stream.linear.scatter [tilespmem:s9], [sflag:$0x2], $0x2800, $0x38;
	[tilespmem:$0x6800] =	vst v63  }
0x25: {  	_ =	swait.ge [sflag:s7], $0x2800  }
0x26: {  	[sflag:s7] =	ssyncset.done $0x0  }
0x27: {  	[sflag:s7] =	ssyncadd.s32 $0xFFFFD800  }
0x28: {  	_ =	sfence.sel $0x180000  }
0x29: {  	[bflag:$0x0] =	sbarrier.arrive $0xFFFF  }
0x2a: {  	p0 =	sne.s32 s1, $0x0;
	_ =	strace $0x90000056  }
0x2b: {  	s0 =	sadd.s32 @!p0 $0x100000, s0;
	[bflag:$0x2] =	sbarrier.arrive $0xFFFF  }
0x2c: {  	[sflag:s0] =	ssyncadd.tile.s32 @!p0 $0x1;
	_ =	shalt  }
.Lfunc_end2:
_tile_overlayer_lowered:
.L_overlay_start_2:
0x2d: {  	(tag) =	ssettag $0x2  }
0x2e: {  	s0 =	rddreg [dreg:$0x0];
	s2 =	stileid.u32  }
0x2f: {  	s1 =	rddreg [dreg:$0x1];
	p0 =	sne.s32 s2, $0x0  }
0x30: {  	s3 =	rddreg [dreg:$0x2];
	[bflag:$0x3] =	sbarrier.arrive $0xFFFF;
	s2 =	simm.s32 @!p0 $0x1C02  }
0x31: {  	[timem:s3], [sflag:s2] =	dma.local @!p0 [hbm:s0], s1  }
0x32: {  	s0 =	simm.s32 @!p0 $0x2  }
0x33: {  	_ =	swait.ge @!p0 [sflag:s0], s1  }
0x34: {  	s1 =	ssub.s32 @!p0 $0x0, s1;
	[sflag:s0] =	ssyncset.done @!p0 $0x0  }
0x35: {  	[sflag:s0] =	ssyncadd.s32 @!p0 s1  }
0x36: {  	[bflag:$0x3] =	sbarrier.arrive $0xFFFF  }
0x37: {  	_ =	shalt  }

// kernel: kernel.39.cloned.1.call-start
scs
__scs_entry_jumppad:
0x0: {  	(pc) =	sbr.rel $0x88, $3  }
0x1: {  	(tag) =	ssettag $0x0;
	lr =	simm.s32 $0x1  }
0x2: {  	[smem:$0x3F90] =	sst lr;
	_ =	strace $0xD0000000  }
0x3: {  	_ = 	snop  }
0x4: {  	_ = 	snop  }
0x5: {  	_ = 	snop  }
0x6: {  	_ = 	snop  }
0x7: {  	_ = 	snop  }
__scs_overlays_trampoline_lowered:
0x8: {  	[smem:$0x3F9F] =	sst s0  }
0x9: {  	[smem:$0x3FA0] =	sst s1  }
0xa: {  	[smem:$0x3FA1] =	sst s2  }
0xb: {  	[smem:$0x3FA2] =	sst s3  }
0xc: {  	[smem:$0x3FA3] =	sst s4  }
0xd: {  	[smem:$0x3FA4] =	sst s5  }
0xe: {  	[smem:$0x3FA5] =	sst s6  }
0xf: {  	[smem:$0x3FA6] =	sst s7  }
0x10: {  	[smem:$0x3FA7] =	sst s8  }
0x11: {  	[smem:$0x3FA8] =	sst s9;
	s0 =	simm.s32 @!p0 $0x0  }
0x12: {  	s1 =	sld [smem:$0x3F8E];
	s0 =	simm.s32 @p0 $0x1  }
0x13: {  	[smem:$0x3FA9] =	sst s0;
	s0 =	simm.s32 @!p1 $0x0  }
0x14: {  	s2 =	sld [smem:$0x3F8D];
	s0 =	simm.s32 @p1 $0x1  }
0x15: {  	[smem:$0x3FAA] =	sst s0;
	s0 =	simm.s32 @!p2 $0x0  }
0x16: {  	s3 =	sld [smem:$0x3FDB];
	s0 =	simm.s32 @p2 $0x1  }
0x17: {  	s4 =	simm.s32 $0x1BF5;
	[smem:$0x3FAC] =	sst s0  }
0x18: {  	s0 =	sld [smem:$0x3F8F];
	_ =	swait.ge [sflag:s4], $0x0  }
0x19: {  	s7 =	sld [smem:$0x3F90]  }
0x1a: {  	s8 =	sadd.s32 $0xFFFFE003, lr  }
0x1b: {  	s9 =	sadd.s32 $0xFFFFFEF7, lr;
	s5 =	simm.s32 $0xFFFFFFFF;
	p2 =	slt.u32 s8, $0xFFFFF086  }
0x1c: {  	p1 =	slt.u32 s9, $0xF7A;
	s5 =	simm.s32 @!p2 $0x0  }
0x1d: {  	s5 =	simm.s32 @p1 $0x1;
	p0 =	seq.s32 s7, s2  }
0x1e: {  	s7 =	smul.u32 @!p0 $0xF7A, s2;
	p2 =	seq.s32 @!p0 s5, $0x0  }
0x1f: {  	s9 =	smul.u32 $0xF7A, s1;
	s8 =	simm.s32 @!p0 $0x1BF5;
	p2 =	por !p2, p0  }
0x20: {  	[sflag:s8] =	ssyncset.s32 @!p0 $0xFFFFF086;
	s6 =	sadd.s32 @!p0 s3, s7;
	s7 =	simm.s32 @!p0 $0x108  }
0x21: {  	s3 =	sadd.s32 s3, s9;
	s6 =	sadd.s32 @!p0 $0x88, s6;
	s7 =	simm.s32 @p2 $0x1082  }
0x22: {  	[simem:s7], [sflag:s8] =	dma.local @!p0 [hbm:s6], $0xF7A  }
0x23: {  	s9 =	sor.u32 $0xD0000000, s2;
	s6 =	simm.s32 $0x108;
	_ =	swait.ge @!p0 [sflag:s8], $0x0  }
0x24: {  	s3 =	sadd.s32 $0x88, s3;
	s6 =	simm.s32 @!p1 $0x1082;
	[sflag:s4] =	ssyncset.s32 $0xFFFFF086  }
0x25: {  	[simem:s6], [sflag:s4] =	dma.local [hbm:s3], $0xF7A  }
0x26: {  	[smem:$0x3F90] =	sst s1;
	(tag) =	ssettag s2;
	_ =	strace s9  }
0x27: {  	s1 =	sld [smem:$0x3FA0]  }
0x28: {  	s2 =	sld [smem:$0x3FA1]  }
0x29: {  	s4 =	sld [smem:$0x3FA3]  }
0x2a: {  	p0 =	seq.s32 s5, $0x0;
	s5 =	sld [smem:$0x3FA4]  }
0x2b: {  	s6 =	sld [smem:$0x3FA5]  }
0x2c: {  	s7 =	sld [smem:$0x3FA6]  }
0x2d: {  	s3 =	simm.s32 $0x108;
	s8 =	sld [smem:$0x3FA7]  }
0x2e: {  	s3 =	simm.s32 @!p0 $0x1082;
	s9 =	sld [smem:$0x3FA8]  }
0x2f: {  	lr =	sadd.s32 s0, s3;
	s0 =	sld [smem:$0x3F9F]  }
0x30: {  	s3 =	sld [smem:$0x3FA2]  }
0x31: {  	[smem:$0x3FAB] =	sst s10  }
0x32: {  	s10 =	sld [smem:$0x3FA9];
	_ =	sdelay $0x3  }
0x33: {  	p0 =	seq.s32 s10, $0x1;
	s10 =	sld [smem:$0x3FAB];
	_ =	sdelay $0x3  }
0x34: {  	[smem:$0x3FAB] =	sst s10  }
0x35: {  	s10 =	sld [smem:$0x3FAA];
	_ =	sdelay $0x3  }
0x36: {  	p1 =	seq.s32 s10, $0x1;
	s10 =	sld [smem:$0x3FAB];
	_ =	sdelay $0x3  }
0x37: {  	[smem:$0x3FAB] =	sst s10  }
0x38: {  	s10 =	sld [smem:$0x3FAC]  }
0x39: {  	_ = 	snop;
	(pc) =	sbr.ind lr, $3  }
0x3a: {  	_ = 	snop  }
0x3b: {  	_ = 	snop  }
0x3c: {  	p2 =	seq.s32 s10, $0x1;
	s10 =	sld [smem:$0x3FAB]  }
0x3d: {  	_ =	shalt  }
0x3e: {  	_ =	shalt  }
0x3f: {  	_ =	shalt  }
0x40: {  	_ =	shalt  }
0x41: {  	_ =	shalt  }
0x42: {  	_ =	shalt  }
0x43: {  	_ =	shalt  }
0x44: {  	_ =	shalt  }
0x45: {  	_ =	shalt  }
0x46: {  	_ =	shalt  }
0x47: {  	_ =	shalt  }
0x48: {  	_ =	shalt  }
0x49: {  	_ =	shalt  }
0x4a: {  	_ =	shalt  }
0x4b: {  	_ =	shalt  }
0x4c: {  	_ =	shalt  }
0x4d: {  	_ =	shalt  }
0x4e: {  	_ =	shalt  }
0x4f: {  	_ =	shalt  }
0x50: {  	_ =	shalt  }
0x51: {  	_ =	shalt  }
0x52: {  	_ =	shalt  }
0x53: {  	_ =	shalt  }
0x54: {  	_ =	shalt  }
0x55: {  	_ =	shalt  }
0x56: {  	_ =	shalt  }
0x57: {  	_ =	shalt  }
0x58: {  	_ =	shalt  }
0x59: {  	_ =	shalt  }
0x5a: {  	_ =	shalt  }
0x5b: {  	_ =	shalt  }
0x5c: {  	_ =	shalt  }
0x5d: {  	_ =	shalt  }
0x5e: {  	_ =	shalt  }
0x5f: {  	_ =	shalt  }
0x60: {  	_ =	shalt  }
0x61: {  	_ =	shalt  }
0x62: {  	_ =	shalt  }
0x63: {  	_ =	shalt  }
0x64: {  	_ =	shalt  }
0x65: {  	_ =	shalt  }
0x66: {  	_ =	shalt  }
0x67: {  	_ =	shalt  }
0x68: {  	_ =	shalt  }
0x69: {  	_ =	shalt  }
0x6a: {  	_ =	shalt  }
0x6b: {  	_ =	shalt  }
0x6c: {  	_ =	shalt  }
0x6d: {  	_ =	shalt  }
0x6e: {  	_ =	shalt  }
0x6f: {  	_ =	shalt  }
0x70: {  	_ =	shalt  }
0x71: {  	_ =	shalt  }
0x72: {  	_ =	shalt  }
0x73: {  	_ =	shalt  }
0x74: {  	_ =	shalt  }
0x75: {  	_ =	shalt  }
0x76: {  	_ =	shalt  }
0x77: {  	_ =	shalt  }
0x78: {  	_ =	shalt  }
0x79: {  	_ =	shalt  }
0x7a: {  	_ =	shalt  }
0x7b: {  	_ =	shalt  }
0x7c: {  	_ =	shalt  }
0x7d: {  	_ =	shalt  }
0x7e: {  	_ =	shalt  }
0x7f: {  	_ =	shalt  }
0x80: {  	_ =	shalt  }
0x81: {  	_ =	shalt  }
0x82: {  	_ =	shalt  }
0x83: {  	_ =	shalt  }
0x84: {  	_ =	shalt  }
0x85: {  	_ =	shalt  }
0x86: {  	_ =	shalt  }
0x87: {  	_ =	shalt  }
.Lfunc_end0:
.L_simem_size_0:
called_computation.6_lowered:
.L_overlay_start_0:
0x88: {  	s2 =	sld [smem:$0x3FD9]  }
0x89: {  	s3 =	sld [smem:$0x3FFE];
	_ =	sdelay $0x1  }
0x8a: {  	s1 =	srdreg.scid  }
0x8b: {  	s0 =	sand.u32 $0x1, s1  }
0x8c: {  	s16 =	sshll.u32 s0, $0xA;
	s2 =	sadd.s32 s3, s2  }
0x8d: {  	s2 =	sadd.s32 s2, s16  }
0x8e: {  	[smem:$0x3FB7] =	sst s2  }
0x8f: {  	_ = 	snop  }
0x90: {  	(tm) =	ssettm $0x1  }
0x91: {  	s17 =	sld [smem:$0x3FFB];
	_ =	sdelay $0x3  }
0x92: {  	_ =	strace s17  }
0x93: {  	s2 =	sld [smem:$0x3FFC];
	_ =	sdelay $0x3  }
0x94: {  	_ =	strace s2  }
0x95: {  	s2 =	sld [smem:$0x3FFD];
	_ =	sdelay $0x3  }
0x96: {  	_ =	strace s2  }
0x97: {  	_ =	strace $0x8FFFFFFF  }
0x98: {  	s18 =	sld [smem:$0x3FDB];
	_ =	sdelay $0x1  }
0x99: {  	s19 =	simm.s32 $_scs_section_size  }
0x9a: {  	s4 =	simm.s32 $_size__tile_overlayer_lowered;
	s5 =	simm.s32 $_tile_overlayer_lowered  }
0x9b: {  	s22 =	simm.s32 $0x1BFF;
	s21 =	sshll.u32 s5, $0x1;
	s2 =	sadd.s32 s19, s18  }
0x9c: {  	s6 =	simm.s32 $0x0;
	s20 =	sshll.u32 s4, $0x1;
	s4 =	sadd.s32 s21, s2  }
0x9d: {  	[timem:s6], [sflag:s22] =	dma.local [hbm:s4], s20  }
0x9e: {  	_ =	swait.ge [sflag:s22], s20  }
0x9f: {  	s3 =	ssub.s32 $0x0, s20;
	[sflag:s22] =	ssyncset.done $0x0  }
0xa0: {  	[sflag:s22] =	ssyncadd.s32 s3;
	_ =	sdelay $0x1  }
0xa1: {  	s23 =	simm.s32 $0x1B8B  }
0xa2: {  	_ =	swait.ge [sflag:s23], $0x1  }
0xa3: {  	[sflag:s23] =	ssyncset.done $0x0  }
0xa4: {  	s25 =	simm.s32 $0x1B8E;
	s24 =	sld [smem:$0x3FFE];
	[sflag:s23] =	ssyncadd.s32 $0xFFFFFFFF  }
0xa5: {  	s26 =	simm.s32 $execute0_lowered;
	[smem:$0x3FD2] =	sst s25  }
0xa6: {  	s4 =	sshll.u32 s26, $0x1;
	_ =	strace $0x80000058;
	[dreg:$0x1] =	wrdreg $0xFFFFFFFF  }
0xa7: {  	s28 =	simm.s32 $_size_execute0_lowered;
	s2 =	sadd.s32 s2, s4;
	[dreg:$0x0] =	wrdreg $0x0  }
0xa8: {  	s4 =	sshll.u32 s28, $0x1;
	[dreg:$0x2] =	wrdreg s2  }
0xa9: {  	[dreg:$0x3] =	wrdreg s4  }
0xaa: {  	[dreg:$0x4] =	wrdreg $0xC0  }
0xab: {  	_ =	task [dreg:s6], $0x5FFFF  }
0xac: {  	[dreg:$0x1] =	wrdreg $0xFFFFFFFF  }
0xad: {  	[dreg:$0x0] =	wrdreg $0x60  }
0xae: {  	[dreg:$0x2] =	wrdreg s24  }
0xaf: {  	[dreg:$0x3] =	wrdreg $0x68000  }
0xb0: {  	[dreg:$0x4] =	wrdreg $0x9  }
0xb1: {  	_ =	task.clear_ibuf [dreg:s6], $0x5FFFF;
	_ =	strace $0x90000058  }
0xb2: {  	s29 =	simm.s32 $0x9;
	_ =	strace $0x8000005A  }
0xb3: {  	_ =	swait.ge [sflag:s29], $0x1  }
0xb4: {  	[sflag:s29] =	ssyncadd.s32 $0xFFFFFFFF  }
0xb5: {  	_ =	strace $0x9000005A  }
0xb6: {  	_ =	sfence  }
0xb7: {  	s30 =	sld [smem:$0x0];
	_ =	sdelay $0x2  }
0xb8: {  	s31 =	sshll.u32 s1, $0xD;
	s1 =	sshrl.u32 s1, $0x2  }
0xb9: {  	s3 =	sand.u32 $0x4000, s31;
	s1 =	sadd.s32 s1, s30  }
0xba: {  	s0 =	sor.u32 s3, s0;
	s1 =	sshll.u32 s1, $0x11  }
0xbb: {  	s0 =	sor.u32 s1, s0  }
0xbc: {  	s0 =	sadd.s32 $0x8F2B, s0  }
0xbd: {  	[sflag:s0] =	ssyncadd.remote.s32 $0x1  }
0xbe: {  	_ =	sfence.sel $0xFFFF  }
0xbf: {  	[dreg:$0x0] =	wrdreg $0xFFFFFFFF;
	(pc) =	sbr.abs _section_cstart, $3  }
0xc0: {  	[dreg:$0x1] =	wrdreg $0xFFFFFFFF  }
0xc1: {  	_ =	task.clear_ibuf [dreg:s6], $0x2FFFF;
	_ =	strace $0x9FFFFFFF  }
0xc2: {  	(tm) =	ssettm $0x7FFFFFFF  }
0xc3: {  	_ =	shalt  }
tec
execute0_lowered:
.L_overlay_start_1:
0x0: {  	(tag) =	ssettag $0x1  }
0x1: {  	s4 =	rddreg [dreg:$0x0]  }
0x2: {  	s1 =	rddreg [dreg:$0x1]  }
0x3: {  	s2 =	srdreg.scid;
	s0 =	rddreg [dreg:$0x2]  }
0x4: {  	s3 =	simm.s32 $0x0;
	s13 =	simm.s32 $0x1;
	s5 =	sand.u32 $0x1, s2  }
0x5: {  	s14 =	simm.s32 $0x50;
	s2 =	stileid.u32;
	s6 =	smul.u32 $0x271000, s5  }
0x6: {  	s15 =	simm.s32 $0x0;
	[smem:$0x7FF] =	sst s3;
	s7 =	smul.u32 $0x14000, s2  }
0x7: {  	s8 =	sshll.u32 s2, $0xB;
	s9 =	sshll.u32 s5, $0xF;
	s10 =	smul.u32 $0x140000, s5  }
0x8: {  	_ =	strace $0x80000059;
	s5 =	ssub.s32 $0x2, s5;
	s25 =	smul.u32 $0x50000, s2  }
0x9: {  	s30 =	smul.u32 $0x27100, s2;
	s31 =	sshll.u32 s2, $0x6;
	s23 =	sor.u32 s8, s9  }
0xa: {  	s26 =	sshrl.u32 s5, $0x1;
	s11 =	sadd.s32 s6, s4;
	s6 =	sadd.s32 s23, s4  }
0xb: {  	s24 =	sshrl.u32 s7, $0x3;
	s7 =	sadd.s32 s7, s10;
	s28 =	ssub.s32 s5, s26  }
0xc: {  	s29 =	sshrl.u32 s25, $0x2;
	s5 =	sor.u32 $0x1C02, s31;
	s7 =	sshrl.u32 s7, $0x3  }
0xd: {  	s8 =	sadd.s32 s24, s4;
	s12 =	sadd.s32 s29, s1;
	s6 =	sadd.s32 $0x52F200, s6  }
0xe: {  	s9 =	sadd.s32 s30, s11;
	s11 =	simm.s32 $0x2;
	s7 =	sadd.s32 s7, s4  }
0xf: {  	s4 =	sadd.s32 $0x53F200, s8;
	s8 =	smax.u32 s28, $0x1;
	s9 =	sadd.s32 $0xF7B200, s9  }
0x10: {  	s10 =	sshrl.u32 s12, $0x3;
	s12 =	simm.s32 $0x4000;
	s7 =	sadd.s32 $0x26000, s7  }
.LBB2_1:
0x11: {  	[spmem:s10], [sflag:s5] =	dma.local [hbm:s4], $0x2800  }
0x12: {  	_ =	swait.ge [sflag:s11], $0x2800  }
0x13: {  	[sflag:s11] =	ssyncset.done $0x0  }
0x14: {  	[sflag:s11] =	ssyncadd.s32 $0xFFFFD800  }
0x15: {  	[bflag:$0x0] =	sbarrier.arrive $0xFFFF  }
0x16: {  	[tilespmem:s3], [sflag:$0x2] =	stream.linear.gather [hbm4b:s6+s3], $0x3E80, $0x38;
	[tilespmem:$0x1A800] =	vst v63  }
0x17: {  	_ =	swait.ge [sflag:s11], $0x3E80  }
0x18: {  	[sflag:s11] =	ssyncset.done $0x0  }
0x19: {  	[sflag:s11] =	ssyncadd.s32 $0xFFFFC180  }
0x1a: {  	[tilespmem:s12], [sflag:$0x1] =	stream.linear.gather [hbm4b:s9+s3], $0x2800, $0x38;
	[tilespmem:$0x1A800] =	vst v63  }
0x1b: {  	_ =	swait.ge [sflag:s13], $0x2800  }
0x1c: {  	[sflag:s13] =	ssyncset.done $0x0  }
0x1d: {  	s16 =	simm.s32 $0x0;
	[sflag:s13] =	ssyncadd.s32 $0xFFFFD800  }
0x1e: {  	[spmem:s1] =	stream.indirect.scatter.add.f32 [tilespmem:s12], [sflag:$0x2], $0x80, s16, s14, $0xb8;
	[tilespmem:$0x1A800] =	vst v63  }
0x1f: {  	_ =	swait.ge [sflag:s11], $0x2800  }
0x20: {  	s17 =	smov.u32 s9;
	s16 =	simm.s32 $0x200;
	[sflag:s11] =	ssyncset.done $0x0  }
.LBB2_2:
0x21: {  	p0 =	sne.s32 s16, $0xF800;
	[sflag:s11] =	ssyncadd.s32 $0xFFFFD800;
	s17 =	sadd.s32 $0x500, s17  }
0x22: {  	[tilespmem:s12], [sflag:$0x1] =	stream.linear.gather [hbm4b:s17+s3], $0x2800, $0x38;
	[tilespmem:$0x1A800] =	vst v63  }
0x23: {  	s18 =	smov.u32 s16;
	s16 =	sadd.s32 $0x200, s16;
	_ =	swait.ge [sflag:s13], $0x2800  }
.Ltmp0:
0x24: {  	[sflag:s13] =	ssyncset.done $0x0;
	(pc) =	sbr.rel @p0 .LBB2_2-.Ltmp0, $4  }
0x25: {  	s18 =	sshra.s32 s18, $0x2;
	[sflag:s13] =	ssyncadd.s32 $0xFFFFD800  }
0x26: {  	[spmem:s1] =	stream.indirect.scatter.add.f32 [tilespmem:s12], [sflag:$0x2], $0x80, s18, s14, $0xb8;
	[tilespmem:$0x1A800] =	vst v63  }
0x27: {  	_ =	swait.ge [sflag:s11], $0x2800  }
0x28: {  	[sflag:s11] =	ssyncset.done $0x0  }
0x29: {  	s15 =	sadd.s32 $0x1, s15  }
0x2a: {  	[sflag:s11] =	ssyncadd.s32 $0xFFFFD800;
	p0 =	sne.s32 s15, s8  }
.Ltmp1:
0x2b: {  	[bflag:$0x0] =	sbarrier.arrive $0xFFFF;
	(pc) =	sbr.rel @p0 .LBB2_1-.Ltmp1, $4  }
0x2c: {  	[hbm:s7], [sflag:s5] =	dma.local [spmem:s10], $0x2800  }
0x2d: {  	_ =	swait.ge [sflag:s11], $0x2800  }
0x2e: {  	[sflag:s11] =	ssyncset.done $0x0  }
0x2f: {  	[sflag:s11] =	ssyncadd.s32 $0xFFFFD800  }
0x30: {  	_ =	sfence.sel $0x180000  }
0x31: {  	[bflag:$0x0] =	sbarrier.arrive $0xFFFF  }
0x32: {  	p0 =	sne.s32 s2, $0x0;
	_ =	strace $0x90000059  }
0x33: {  	s0 =	sadd.s32 @!p0 $0x100000, s0;
	[bflag:$0x2] =	sbarrier.arrive $0xFFFF  }
0x34: {  	[sflag:s0] =	ssyncadd.tile.s32 @!p0 $0x1;
	_ =	shalt  }
.Lfunc_end2:
_tile_overlayer_lowered:
.L_overlay_start_2:
0x35: {  	(tag) =	ssettag $0x2  }
0x36: {  	s0 =	rddreg [dreg:$0x0];
	s2 =	stileid.u32  }
0x37: {  	s1 =	rddreg [dreg:$0x1];
	p0 =	sne.s32 s2, $0x0  }
0x38: {  	s3 =	rddreg [dreg:$0x2];
	[bflag:$0x3] =	sbarrier.arrive $0xFFFF;
	s2 =	simm.s32 @!p0 $0x1C02  }
0x39: {  	[timem:s3], [sflag:s2] =	dma.local @!p0 [hbm:s0], s1  }
0x3a: {  	s0 =	simm.s32 @!p0 $0x2  }
0x3b: {  	_ =	swait.ge @!p0 [sflag:s0], s1  }
0x3c: {  	s1 =	ssub.s32 @!p0 $0x0, s1;
	[sflag:s0] =	ssyncset.done @!p0 $0x0  }
0x3d: {  	[sflag:s0] =	ssyncadd.s32 @!p0 s1  }
0x3e: {  	[bflag:$0x3] =	sbarrier.arrive $0xFFFF  }
0x3f: {  	_ =	shalt  }

// kernel: kernel.42.cloned.1.call-start
scs
__scs_entry_jumppad:
0x0: {  	(pc) =	sbr.rel $0x88, $3  }
0x1: {  	(tag) =	ssettag $0x0;
	lr =	simm.s32 $0x1  }
0x2: {  	[smem:$0x3F90] =	sst lr;
	_ =	strace $0xD0000000  }
0x3: {  	_ = 	snop  }
0x4: {  	_ = 	snop  }
0x5: {  	_ = 	snop  }
0x6: {  	_ = 	snop  }
0x7: {  	_ = 	snop  }
__scs_overlays_trampoline_lowered:
0x8: {  	[smem:$0x3F9F] =	sst s0  }
0x9: {  	[smem:$0x3FA0] =	sst s1  }
0xa: {  	[smem:$0x3FA1] =	sst s2  }
0xb: {  	[smem:$0x3FA2] =	sst s3  }
0xc: {  	[smem:$0x3FA3] =	sst s4  }
0xd: {  	[smem:$0x3FA4] =	sst s5  }
0xe: {  	[smem:$0x3FA5] =	sst s6  }
0xf: {  	[smem:$0x3FA6] =	sst s7  }
0x10: {  	[smem:$0x3FA7] =	sst s8  }
0x11: {  	[smem:$0x3FA8] =	sst s9;
	s0 =	simm.s32 @!p0 $0x0  }
0x12: {  	s1 =	sld [smem:$0x3F8E];
	s0 =	simm.s32 @p0 $0x1  }
0x13: {  	[smem:$0x3FA9] =	sst s0;
	s0 =	simm.s32 @!p1 $0x0  }
0x14: {  	s2 =	sld [smem:$0x3F8D];
	s0 =	simm.s32 @p1 $0x1  }
0x15: {  	[smem:$0x3FAA] =	sst s0;
	s0 =	simm.s32 @!p2 $0x0  }
0x16: {  	s3 =	sld [smem:$0x3FDB];
	s0 =	simm.s32 @p2 $0x1  }
0x17: {  	s4 =	simm.s32 $0x1BF5;
	[smem:$0x3FAC] =	sst s0  }
0x18: {  	s0 =	sld [smem:$0x3F8F];
	_ =	swait.ge [sflag:s4], $0x0  }
0x19: {  	s7 =	sld [smem:$0x3F90]  }
0x1a: {  	s8 =	sadd.s32 $0xFFFFE003, lr  }
0x1b: {  	s9 =	sadd.s32 $0xFFFFFEF7, lr;
	s5 =	simm.s32 $0xFFFFFFFF;
	p2 =	slt.u32 s8, $0xFFFFF086  }
0x1c: {  	p1 =	slt.u32 s9, $0xF7A;
	s5 =	simm.s32 @!p2 $0x0  }
0x1d: {  	s5 =	simm.s32 @p1 $0x1;
	p0 =	seq.s32 s7, s2  }
0x1e: {  	s7 =	smul.u32 @!p0 $0xF7A, s2;
	p2 =	seq.s32 @!p0 s5, $0x0  }
0x1f: {  	s9 =	smul.u32 $0xF7A, s1;
	s8 =	simm.s32 @!p0 $0x1BF5;
	p2 =	por !p2, p0  }
0x20: {  	[sflag:s8] =	ssyncset.s32 @!p0 $0xFFFFF086;
	s6 =	sadd.s32 @!p0 s3, s7;
	s7 =	simm.s32 @!p0 $0x108  }
0x21: {  	s3 =	sadd.s32 s3, s9;
	s6 =	sadd.s32 @!p0 $0x88, s6;
	s7 =	simm.s32 @p2 $0x1082  }
0x22: {  	[simem:s7], [sflag:s8] =	dma.local @!p0 [hbm:s6], $0xF7A  }
0x23: {  	s9 =	sor.u32 $0xD0000000, s2;
	s6 =	simm.s32 $0x108;
	_ =	swait.ge @!p0 [sflag:s8], $0x0  }
0x24: {  	s3 =	sadd.s32 $0x88, s3;
	s6 =	simm.s32 @!p1 $0x1082;
	[sflag:s4] =	ssyncset.s32 $0xFFFFF086  }
0x25: {  	[simem:s6], [sflag:s4] =	dma.local [hbm:s3], $0xF7A  }
0x26: {  	[smem:$0x3F90] =	sst s1;
	(tag) =	ssettag s2;
	_ =	strace s9  }
0x27: {  	s1 =	sld [smem:$0x3FA0]  }
0x28: {  	s2 =	sld [smem:$0x3FA1]  }
0x29: {  	s4 =	sld [smem:$0x3FA3]  }
0x2a: {  	p0 =	seq.s32 s5, $0x0;
	s5 =	sld [smem:$0x3FA4]  }
0x2b: {  	s6 =	sld [smem:$0x3FA5]  }
0x2c: {  	s7 =	sld [smem:$0x3FA6]  }
0x2d: {  	s3 =	simm.s32 $0x108;
	s8 =	sld [smem:$0x3FA7]  }
0x2e: {  	s3 =	simm.s32 @!p0 $0x1082;
	s9 =	sld [smem:$0x3FA8]  }
0x2f: {  	lr =	sadd.s32 s0, s3;
	s0 =	sld [smem:$0x3F9F]  }
0x30: {  	s3 =	sld [smem:$0x3FA2]  }
0x31: {  	[smem:$0x3FAB] =	sst s10  }
0x32: {  	s10 =	sld [smem:$0x3FA9];
	_ =	sdelay $0x3  }
0x33: {  	p0 =	seq.s32 s10, $0x1;
	s10 =	sld [smem:$0x3FAB];
	_ =	sdelay $0x3  }
0x34: {  	[smem:$0x3FAB] =	sst s10  }
0x35: {  	s10 =	sld [smem:$0x3FAA];
	_ =	sdelay $0x3  }
0x36: {  	p1 =	seq.s32 s10, $0x1;
	s10 =	sld [smem:$0x3FAB];
	_ =	sdelay $0x3  }
0x37: {  	[smem:$0x3FAB] =	sst s10  }
0x38: {  	s10 =	sld [smem:$0x3FAC]  }
0x39: {  	_ = 	snop;
	(pc) =	sbr.ind lr, $3  }
0x3a: {  	_ = 	snop  }
0x3b: {  	_ = 	snop  }
0x3c: {  	p2 =	seq.s32 s10, $0x1;
	s10 =	sld [smem:$0x3FAB]  }
0x3d: {  	_ =	shalt  }
0x3e: {  	_ =	shalt  }
0x3f: {  	_ =	shalt  }
0x40: {  	_ =	shalt  }
0x41: {  	_ =	shalt  }
0x42: {  	_ =	shalt  }
0x43: {  	_ =	shalt  }
0x44: {  	_ =	shalt  }
0x45: {  	_ =	shalt  }
0x46: {  	_ =	shalt  }
0x47: {  	_ =	shalt  }
0x48: {  	_ =	shalt  }
0x49: {  	_ =	shalt  }
0x4a: {  	_ =	shalt  }
0x4b: {  	_ =	shalt  }
0x4c: {  	_ =	shalt  }
0x4d: {  	_ =	shalt  }
0x4e: {  	_ =	shalt  }
0x4f: {  	_ =	shalt  }
0x50: {  	_ =	shalt  }
0x51: {  	_ =	shalt  }
0x52: {  	_ =	shalt  }
0x53: {  	_ =	shalt  }
0x54: {  	_ =	shalt  }
0x55: {  	_ =	shalt  }
0x56: {  	_ =	shalt  }
0x57: {  	_ =	shalt  }
0x58: {  	_ =	shalt  }
0x59: {  	_ =	shalt  }
0x5a: {  	_ =	shalt  }
0x5b: {  	_ =	shalt  }
0x5c: {  	_ =	shalt  }
0x5d: {  	_ =	shalt  }
0x5e: {  	_ =	shalt  }
0x5f: {  	_ =	shalt  }
0x60: {  	_ =	shalt  }
0x61: {  	_ =	shalt  }
0x62: {  	_ =	shalt  }
0x63: {  	_ =	shalt  }
0x64: {  	_ =	shalt  }
0x65: {  	_ =	shalt  }
0x66: {  	_ =	shalt  }
0x67: {  	_ =	shalt  }
0x68: {  	_ =	shalt  }
0x69: {  	_ =	shalt  }
0x6a: {  	_ =	shalt  }
0x6b: {  	_ =	shalt  }
0x6c: {  	_ =	shalt  }
0x6d: {  	_ =	shalt  }
0x6e: {  	_ =	shalt  }
0x6f: {  	_ =	shalt  }
0x70: {  	_ =	shalt  }
0x71: {  	_ =	shalt  }
0x72: {  	_ =	shalt  }
0x73: {  	_ =	shalt  }
0x74: {  	_ =	shalt  }
0x75: {  	_ =	shalt  }
0x76: {  	_ =	shalt  }
0x77: {  	_ =	shalt  }
0x78: {  	_ =	shalt  }
0x79: {  	_ =	shalt  }
0x7a: {  	_ =	shalt  }
0x7b: {  	_ =	shalt  }
0x7c: {  	_ =	shalt  }
0x7d: {  	_ =	shalt  }
0x7e: {  	_ =	shalt  }
0x7f: {  	_ =	shalt  }
0x80: {  	_ =	shalt  }
0x81: {  	_ =	shalt  }
0x82: {  	_ =	shalt  }
0x83: {  	_ =	shalt  }
0x84: {  	_ =	shalt  }
0x85: {  	_ =	shalt  }
0x86: {  	_ =	shalt  }
0x87: {  	_ =	shalt  }
.Lfunc_end0:
.L_simem_size_0:
called_computation.7_lowered:
.L_overlay_start_0:
0x88: {  	s2 =	sld [smem:$0x3FD9]  }
0x89: {  	s3 =	sld [smem:$0x3FFE];
	_ =	sdelay $0x1  }
0x8a: {  	s1 =	srdreg.scid  }
0x8b: {  	s0 =	sand.u32 $0x1, s1  }
0x8c: {  	s16 =	sshll.u32 s0, $0xA;
	s2 =	sadd.s32 s3, s2  }
0x8d: {  	s2 =	sadd.s32 s2, s16  }
0x8e: {  	[smem:$0x3FB7] =	sst s2  }
0x8f: {  	_ = 	snop  }
0x90: {  	(tm) =	ssettm $0x1  }
0x91: {  	s17 =	sld [smem:$0x3FFB];
	_ =	sdelay $0x3  }
0x92: {  	_ =	strace s17  }
0x93: {  	s2 =	sld [smem:$0x3FFC];
	_ =	sdelay $0x3  }
0x94: {  	_ =	strace s2  }
0x95: {  	s2 =	sld [smem:$0x3FFD];
	_ =	sdelay $0x3  }
0x96: {  	_ =	strace s2  }
0x97: {  	_ =	strace $0x8FFFFFFF  }
0x98: {  	s18 =	sld [smem:$0x3FDB];
	_ =	sdelay $0x1  }
0x99: {  	s19 =	simm.s32 $_scs_section_size  }
0x9a: {  	s4 =	simm.s32 $_size__tile_overlayer_lowered;
	s5 =	simm.s32 $_tile_overlayer_lowered  }
0x9b: {  	s22 =	simm.s32 $0x1BFF;
	s21 =	sshll.u32 s5, $0x1;
	s2 =	sadd.s32 s19, s18  }
0x9c: {  	s6 =	simm.s32 $0x0;
	s20 =	sshll.u32 s4, $0x1;
	s4 =	sadd.s32 s21, s2  }
0x9d: {  	[timem:s6], [sflag:s22] =	dma.local [hbm:s4], s20  }
0x9e: {  	_ =	swait.ge [sflag:s22], s20  }
0x9f: {  	s3 =	ssub.s32 $0x0, s20;
	[sflag:s22] =	ssyncset.done $0x0  }
0xa0: {  	[sflag:s22] =	ssyncadd.s32 s3;
	_ =	sdelay $0x1  }
0xa1: {  	s23 =	simm.s32 $0x1B8B  }
0xa2: {  	_ =	swait.ge [sflag:s23], $0x1  }
0xa3: {  	[sflag:s23] =	ssyncset.done $0x0  }
0xa4: {  	s25 =	simm.s32 $0x1B8E;
	s24 =	sld [smem:$0x3FFE];
	[sflag:s23] =	ssyncadd.s32 $0xFFFFFFFF  }
0xa5: {  	s26 =	simm.s32 $execute0_lowered;
	[smem:$0x3FD2] =	sst s25  }
0xa6: {  	s4 =	sshll.u32 s26, $0x1;
	_ =	strace $0x8000005B;
	[dreg:$0x1] =	wrdreg $0xFFFFFFFF  }
0xa7: {  	s28 =	simm.s32 $_size_execute0_lowered;
	s2 =	sadd.s32 s2, s4;
	[dreg:$0x0] =	wrdreg $0x0  }
0xa8: {  	s4 =	sshll.u32 s28, $0x1;
	[dreg:$0x2] =	wrdreg s2  }
0xa9: {  	[dreg:$0x3] =	wrdreg s4  }
0xaa: {  	[dreg:$0x4] =	wrdreg $0xC0  }
0xab: {  	_ =	task [dreg:s6], $0x5FFFF  }
0xac: {  	[dreg:$0x1] =	wrdreg $0xFFFFFFFF  }
0xad: {  	[dreg:$0x0] =	wrdreg $0x60  }
0xae: {  	[dreg:$0x2] =	wrdreg s24  }
0xaf: {  	[dreg:$0x3] =	wrdreg $0x9  }
0xb0: {  	_ =	task.clear_ibuf [dreg:s6], $0x4FFFF;
	_ =	strace $0x9000005B  }
0xb1: {  	s29 =	simm.s32 $0x9;
	_ =	strace $0x8000005D  }
0xb2: {  	_ =	swait.ge [sflag:s29], $0x1  }
0xb3: {  	[sflag:s29] =	ssyncadd.s32 $0xFFFFFFFF  }
0xb4: {  	_ =	strace $0x9000005D  }
0xb5: {  	_ =	sfence  }
0xb6: {  	s30 =	sld [smem:$0x0];
	_ =	sdelay $0x2  }
0xb7: {  	s31 =	sshll.u32 s1, $0xD;
	s1 =	sshrl.u32 s1, $0x2  }
0xb8: {  	s3 =	sand.u32 $0x4000, s31;
	s1 =	sadd.s32 s1, s30  }
0xb9: {  	s0 =	sor.u32 s3, s0;
	s1 =	sshll.u32 s1, $0x11  }
0xba: {  	s0 =	sor.u32 s1, s0  }
0xbb: {  	s0 =	sadd.s32 $0x8F2B, s0  }
0xbc: {  	[sflag:s0] =	ssyncadd.remote.s32 $0x1  }
0xbd: {  	_ =	sfence.sel $0xFFFF  }
0xbe: {  	[dreg:$0x0] =	wrdreg $0xFFFFFFFF;
	(pc) =	sbr.abs _section_cstart, $3  }
0xbf: {  	[dreg:$0x1] =	wrdreg $0xFFFFFFFF  }
0xc0: {  	_ =	task.clear_ibuf [dreg:s6], $0x2FFFF;
	_ =	strace $0x9FFFFFFF  }
0xc1: {  	(tm) =	ssettm $0x7FFFFFFF  }
tec
execute0_lowered:
.L_overlay_start_1:
0x0: {  	(tag) =	ssettag $0x1  }
0x1: {  	s4 =	rddreg [dreg:$0x0]  }
0x2: {  	s0 =	rddreg [dreg:$0x1];
	s2 =	simm.s32 $0x0;
	s5 =	srdreg.scid  }
0x3: {  	s1 =	stileid.u32;
	s10 =	simm.s32 $0x1;
	s11 =	simm.s32 $0x0  }
0x4: {  	[smem:$0x7FF] =	sst s2;
	s3 =	sadd.s32 $0x567200, s4;
	s5 =	sand.u32 $0x1, s5  }
0x5: {  	s6 =	sshll.u32 s1, $0xB;
	s9 =	smul.u32 $0x27100, s1;
	_ =	strace $0x8000005C  }
0x6: {  	s7 =	sshll.u32 s5, $0xF;
	s8 =	smul.u32 $0x271000, s5;
	s5 =	ssub.s32 $0x2, s5  }
0x7: {  	s6 =	sor.u32 s6, s7;
	s30 =	sshrl.u32 s5, $0x1;
	s7 =	simm.s32 $0x2  }
0x8: {  	s6 =	sadd.s32 s6, s4;
	s8 =	sadd.s32 s8, s4;
	s5 =	ssub.s32 s5, s30  }
0x9: {  	s4 =	sadd.s32 $0x16000, s6;
	s5 =	smax.u32 s5, $0x1;
	s31 =	sadd.s32 s9, s8  }
0xa: {  	s8 =	simm.s32 $0x50;
	s9 =	simm.s32 $0x4000;
	s6 =	sadd.s32 $0xA99200, s31  }
.LBB2_1:
0xb: {  	[tilespmem:s2], [sflag:$0x2] =	stream.linear.gather [hbm4b:s4+s2], $0x3E80, $0x38;
	[tilespmem:$0x6800] =	vst v63  }
0xc: {  	_ =	swait.ge [sflag:s7], $0x3E80  }
0xd: {  	[sflag:s7] =	ssyncset.done $0x0  }
0xe: {  	s12 =	simm.s32 $0x0;
	[sflag:s7] =	ssyncadd.s32 $0xFFFFC180  }
0xf: {  	[tilespmem:s9], [sflag:$0x1] =	stream.indirect.gather [hbm4b:s3+s8], $0x80, s12, s8, $0xb8;
	[tilespmem:$0x6800] =	vst v63  }
0x10: {  	_ =	swait.ge [sflag:s10], $0x2800  }
0x11: {  	[sflag:s10] =	ssyncset.done $0x0  }
0x12: {  	[sflag:s10] =	ssyncadd.s32 $0xFFFFD800  }
0x13: {  	[hbm4b:s6+s2] =	stream.linear.scatter [tilespmem:s9], [sflag:$0x2], $0x2800, $0x38;
	[tilespmem:$0x6800] =	vst v63  }
0x14: {  	s13 =	simm.s32 $0x200;
	_ =	swait.ge [sflag:s7], $0x2800  }
0x15: {  	s14 =	simm.s32 $0x400;
	s12 =	sadd.s32 $0x500, s6;
	[sflag:s7] =	ssyncset.done $0x0  }
.LBB2_2:
0x16: {  	s15 =	sshra.s32 s13, $0x2  }
0x17: {  	[sflag:s7] =	ssyncadd.s32 $0xFFFFD800;
	s13 =	smov.u32 s14;
	s16 =	sadd.s32 $0x200, s14  }
0x18: {  	[tilespmem:s9], [sflag:$0x1] =	stream.indirect.gather [hbm4b:s3+s8], $0x80, s15, s8, $0xb8;
	[tilespmem:$0x6800] =	vst v63  }
0x19: {  	p0 =	sne.s32 s14, $0xF800;
	_ =	swait.ge [sflag:s10], $0x2800  }
.Ltmp0:
0x1a: {  	[sflag:s10] =	ssyncset.done $0x0;
	(pc) =	sbr.rel @p0 .LBB2_2-.Ltmp0, $4  }
0x1b: {  	[sflag:s10] =	ssyncadd.s32 $0xFFFFD800  }
0x1c: {  	[hbm4b:s12+s2] =	stream.linear.scatter [tilespmem:s9], [sflag:$0x2], $0x2800, $0x38;
	[tilespmem:$0x6800] =	vst v63  }
0x1d: {  	_ =	swait.ge [sflag:s7], $0x2800  }
0x1e: {  	s14 =	smov.u32 s16;
	s12 =	sadd.s32 $0x500, s12;
	[sflag:s7] =	ssyncset.done $0x0  }
0x1f: {  	s13 =	sshra.s32 s13, $0x2;
	[sflag:s7] =	ssyncadd.s32 $0xFFFFD800  }
0x20: {  	[tilespmem:s9], [sflag:$0x1] =	stream.indirect.gather [hbm4b:s3+s8], $0x80, s13, s8, $0xb8;
	[tilespmem:$0x6800] =	vst v63  }
0x21: {  	s11 =	sadd.s32 $0x1, s11;
	_ =	swait.ge [sflag:s10], $0x2800  }
0x22: {  	p0 =	sne.s32 s11, s5;
	[sflag:s10] =	ssyncset.done $0x0  }
.Ltmp1:
0x23: {  	[sflag:s10] =	ssyncadd.s32 $0xFFFFD800;
	(pc) =	sbr.rel @p0 .LBB2_1-.Ltmp1, $4  }
0x24: {  	[hbm4b:s12+s2] =	stream.linear.scatter [tilespmem:s9], [sflag:$0x2], $0x2800, $0x38;
	[tilespmem:$0x6800] =	vst v63  }
0x25: {  	_ =	swait.ge [sflag:s7], $0x2800  }
0x26: {  	[sflag:s7] =	ssyncset.done $0x0  }
0x27: {  	[sflag:s7] =	ssyncadd.s32 $0xFFFFD800  }
0x28: {  	_ =	sfence.sel $0x180000  }
0x29: {  	[bflag:$0x0] =	sbarrier.arrive $0xFFFF  }
0x2a: {  	p0 =	sne.s32 s1, $0x0;
	_ =	strace $0x9000005C  }
0x2b: {  	s0 =	sadd.s32 @!p0 $0x100000, s0;
	[bflag:$0x2] =	sbarrier.arrive $0xFFFF  }
0x2c: {  	[sflag:s0] =	ssyncadd.tile.s32 @!p0 $0x1;
	_ =	shalt  }
.Lfunc_end2:
_tile_overlayer_lowered:
.L_overlay_start_2:
0x2d: {  	(tag) =	ssettag $0x2  }
0x2e: {  	s0 =	rddreg [dreg:$0x0];
	s2 =	stileid.u32  }
0x2f: {  	s1 =	rddreg [dreg:$0x1];
	p0 =	sne.s32 s2, $0x0  }
0x30: {  	s3 =	rddreg [dreg:$0x2];
	[bflag:$0x3] =	sbarrier.arrive $0xFFFF;
	s2 =	simm.s32 @!p0 $0x1C02  }
0x31: {  	[timem:s3], [sflag:s2] =	dma.local @!p0 [hbm:s0], s1  }
0x32: {  	s0 =	simm.s32 @!p0 $0x2  }
0x33: {  	_ =	swait.ge @!p0 [sflag:s0], s1  }
0x34: {  	s1 =	ssub.s32 @!p0 $0x0, s1;
	[sflag:s0] =	ssyncset.done @!p0 $0x0  }
0x35: {  	[sflag:s0] =	ssyncadd.s32 @!p0 s1  }
0x36: {  	[bflag:$0x3] =	sbarrier.arrive $0xFFFF  }
0x37: {  	_ =	shalt  }

// kernel: kernel.45.cloned.1.call-start
scs
__scs_entry_jumppad:
0x0: {  	(pc) =	sbr.rel $0x88, $3  }
0x1: {  	(tag) =	ssettag $0x0;
	lr =	simm.s32 $0x1  }
0x2: {  	[smem:$0x3F90] =	sst lr;
	_ =	strace $0xD0000000  }
0x3: {  	_ = 	snop  }
0x4: {  	_ = 	snop  }
0x5: {  	_ = 	snop  }
0x6: {  	_ = 	snop  }
0x7: {  	_ = 	snop  }
__scs_overlays_trampoline_lowered:
0x8: {  	[smem:$0x3F9F] =	sst s0  }
0x9: {  	[smem:$0x3FA0] =	sst s1  }
0xa: {  	[smem:$0x3FA1] =	sst s2  }
0xb: {  	[smem:$0x3FA2] =	sst s3  }
0xc: {  	[smem:$0x3FA3] =	sst s4  }
0xd: {  	[smem:$0x3FA4] =	sst s5  }
0xe: {  	[smem:$0x3FA5] =	sst s6  }
0xf: {  	[smem:$0x3FA6] =	sst s7  }
0x10: {  	[smem:$0x3FA7] =	sst s8  }
0x11: {  	[smem:$0x3FA8] =	sst s9;
	s0 =	simm.s32 @!p0 $0x0  }
0x12: {  	s1 =	sld [smem:$0x3F8E];
	s0 =	simm.s32 @p0 $0x1  }
0x13: {  	[smem:$0x3FA9] =	sst s0;
	s0 =	simm.s32 @!p1 $0x0  }
0x14: {  	s2 =	sld [smem:$0x3F8D];
	s0 =	simm.s32 @p1 $0x1  }
0x15: {  	[smem:$0x3FAA] =	sst s0;
	s0 =	simm.s32 @!p2 $0x0  }
0x16: {  	s3 =	sld [smem:$0x3FDB];
	s0 =	simm.s32 @p2 $0x1  }
0x17: {  	s4 =	simm.s32 $0x1BF5;
	[smem:$0x3FAC] =	sst s0  }
0x18: {  	s0 =	sld [smem:$0x3F8F];
	_ =	swait.ge [sflag:s4], $0x0  }
0x19: {  	s7 =	sld [smem:$0x3F90]  }
0x1a: {  	s8 =	sadd.s32 $0xFFFFE003, lr  }
0x1b: {  	s9 =	sadd.s32 $0xFFFFFEF7, lr;
	s5 =	simm.s32 $0xFFFFFFFF;
	p2 =	slt.u32 s8, $0xFFFFF086  }
0x1c: {  	p1 =	slt.u32 s9, $0xF7A;
	s5 =	simm.s32 @!p2 $0x0  }
0x1d: {  	s5 =	simm.s32 @p1 $0x1;
	p0 =	seq.s32 s7, s2  }
0x1e: {  	s7 =	smul.u32 @!p0 $0xF7A, s2;
	p2 =	seq.s32 @!p0 s5, $0x0  }
0x1f: {  	s9 =	smul.u32 $0xF7A, s1;
	s8 =	simm.s32 @!p0 $0x1BF5;
	p2 =	por !p2, p0  }
0x20: {  	[sflag:s8] =	ssyncset.s32 @!p0 $0xFFFFF086;
	s6 =	sadd.s32 @!p0 s3, s7;
	s7 =	simm.s32 @!p0 $0x108  }
0x21: {  	s3 =	sadd.s32 s3, s9;
	s6 =	sadd.s32 @!p0 $0x88, s6;
	s7 =	simm.s32 @p2 $0x1082  }
0x22: {  	[simem:s7], [sflag:s8] =	dma.local @!p0 [hbm:s6], $0xF7A  }
0x23: {  	s9 =	sor.u32 $0xD0000000, s2;
	s6 =	simm.s32 $0x108;
	_ =	swait.ge @!p0 [sflag:s8], $0x0  }
0x24: {  	s3 =	sadd.s32 $0x88, s3;
	s6 =	simm.s32 @!p1 $0x1082;
	[sflag:s4] =	ssyncset.s32 $0xFFFFF086  }
0x25: {  	[simem:s6], [sflag:s4] =	dma.local [hbm:s3], $0xF7A  }
0x26: {  	[smem:$0x3F90] =	sst s1;
	(tag) =	ssettag s2;
	_ =	strace s9  }
0x27: {  	s1 =	sld [smem:$0x3FA0]  }
0x28: {  	s2 =	sld [smem:$0x3FA1]  }
0x29: {  	s4 =	sld [smem:$0x3FA3]  }
0x2a: {  	p0 =	seq.s32 s5, $0x0;
	s5 =	sld [smem:$0x3FA4]  }
0x2b: {  	s6 =	sld [smem:$0x3FA5]  }
0x2c: {  	s7 =	sld [smem:$0x3FA6]  }
0x2d: {  	s3 =	simm.s32 $0x108;
	s8 =	sld [smem:$0x3FA7]  }
0x2e: {  	s3 =	simm.s32 @!p0 $0x1082;
	s9 =	sld [smem:$0x3FA8]  }
0x2f: {  	lr =	sadd.s32 s0, s3;
	s0 =	sld [smem:$0x3F9F]  }
0x30: {  	s3 =	sld [smem:$0x3FA2]  }
0x31: {  	[smem:$0x3FAB] =	sst s10  }
0x32: {  	s10 =	sld [smem:$0x3FA9];
	_ =	sdelay $0x3  }
0x33: {  	p0 =	seq.s32 s10, $0x1;
	s10 =	sld [smem:$0x3FAB];
	_ =	sdelay $0x3  }
0x34: {  	[smem:$0x3FAB] =	sst s10  }
0x35: {  	s10 =	sld [smem:$0x3FAA];
	_ =	sdelay $0x3  }
0x36: {  	p1 =	seq.s32 s10, $0x1;
	s10 =	sld [smem:$0x3FAB];
	_ =	sdelay $0x3  }
0x37: {  	[smem:$0x3FAB] =	sst s10  }
0x38: {  	s10 =	sld [smem:$0x3FAC]  }
0x39: {  	_ = 	snop;
	(pc) =	sbr.ind lr, $3  }
0x3a: {  	_ = 	snop  }
0x3b: {  	_ = 	snop  }
0x3c: {  	p2 =	seq.s32 s10, $0x1;
	s10 =	sld [smem:$0x3FAB]  }
0x3d: {  	_ =	shalt  }
0x3e: {  	_ =	shalt  }
0x3f: {  	_ =	shalt  }
0x40: {  	_ =	shalt  }
0x41: {  	_ =	shalt  }
0x42: {  	_ =	shalt  }
0x43: {  	_ =	shalt  }
0x44: {  	_ =	shalt  }
0x45: {  	_ =	shalt  }
0x46: {  	_ =	shalt  }
0x47: {  	_ =	shalt  }
0x48: {  	_ =	shalt  }
0x49: {  	_ =	shalt  }
0x4a: {  	_ =	shalt  }
0x4b: {  	_ =	shalt  }
0x4c: {  	_ =	shalt  }
0x4d: {  	_ =	shalt  }
0x4e: {  	_ =	shalt  }
0x4f: {  	_ =	shalt  }
0x50: {  	_ =	shalt  }
0x51: {  	_ =	shalt  }
0x52: {  	_ =	shalt  }
0x53: {  	_ =	shalt  }
0x54: {  	_ =	shalt  }
0x55: {  	_ =	shalt  }
0x56: {  	_ =	shalt  }
0x57: {  	_ =	shalt  }
0x58: {  	_ =	shalt  }
0x59: {  	_ =	shalt  }
0x5a: {  	_ =	shalt  }
0x5b: {  	_ =	shalt  }
0x5c: {  	_ =	shalt  }
0x5d: {  	_ =	shalt  }
0x5e: {  	_ =	shalt  }
0x5f: {  	_ =	shalt  }
0x60: {  	_ =	shalt  }
0x61: {  	_ =	shalt  }
0x62: {  	_ =	shalt  }
0x63: {  	_ =	shalt  }
0x64: {  	_ =	shalt  }
0x65: {  	_ =	shalt  }
0x66: {  	_ =	shalt  }
0x67: {  	_ =	shalt  }
0x68: {  	_ =	shalt  }
0x69: {  	_ =	shalt  }
0x6a: {  	_ =	shalt  }
0x6b: {  	_ =	shalt  }
0x6c: {  	_ =	shalt  }
0x6d: {  	_ =	shalt  }
0x6e: {  	_ =	shalt  }
0x6f: {  	_ =	shalt  }
0x70: {  	_ =	shalt  }
0x71: {  	_ =	shalt  }
0x72: {  	_ =	shalt  }
0x73: {  	_ =	shalt  }
0x74: {  	_ =	shalt  }
0x75: {  	_ =	shalt  }
0x76: {  	_ =	shalt  }
0x77: {  	_ =	shalt  }
0x78: {  	_ =	shalt  }
0x79: {  	_ =	shalt  }
0x7a: {  	_ =	shalt  }
0x7b: {  	_ =	shalt  }
0x7c: {  	_ =	shalt  }
0x7d: {  	_ =	shalt  }
0x7e: {  	_ =	shalt  }
0x7f: {  	_ =	shalt  }
0x80: {  	_ =	shalt  }
0x81: {  	_ =	shalt  }
0x82: {  	_ =	shalt  }
0x83: {  	_ =	shalt  }
0x84: {  	_ =	shalt  }
0x85: {  	_ =	shalt  }
0x86: {  	_ =	shalt  }
0x87: {  	_ =	shalt  }
.Lfunc_end0:
.L_simem_size_0:
called_computation.8_lowered:
.L_overlay_start_0:
0x88: {  	s2 =	sld [smem:$0x3FD9]  }
0x89: {  	s3 =	sld [smem:$0x3FFE];
	_ =	sdelay $0x1  }
0x8a: {  	s1 =	srdreg.scid  }
0x8b: {  	s0 =	sand.u32 $0x1, s1  }
0x8c: {  	s16 =	sshll.u32 s0, $0xA;
	s2 =	sadd.s32 s3, s2  }
0x8d: {  	s2 =	sadd.s32 s2, s16  }
0x8e: {  	[smem:$0x3FB7] =	sst s2  }
0x8f: {  	_ = 	snop  }
0x90: {  	(tm) =	ssettm $0x1  }
0x91: {  	s17 =	sld [smem:$0x3FFB];
	_ =	sdelay $0x3  }
0x92: {  	_ =	strace s17  }
0x93: {  	s2 =	sld [smem:$0x3FFC];
	_ =	sdelay $0x3  }
0x94: {  	_ =	strace s2  }
0x95: {  	s2 =	sld [smem:$0x3FFD];
	_ =	sdelay $0x3  }
0x96: {  	_ =	strace s2  }
0x97: {  	_ =	strace $0x8FFFFFFF  }
0x98: {  	s18 =	sld [smem:$0x3FDB];
	_ =	sdelay $0x1  }
0x99: {  	s19 =	simm.s32 $_scs_section_size  }
0x9a: {  	s4 =	simm.s32 $_size__tile_overlayer_lowered;
	s5 =	simm.s32 $_tile_overlayer_lowered  }
0x9b: {  	s22 =	simm.s32 $0x1BFF;
	s21 =	sshll.u32 s5, $0x1;
	s2 =	sadd.s32 s19, s18  }
0x9c: {  	s6 =	simm.s32 $0x0;
	s20 =	sshll.u32 s4, $0x1;
	s4 =	sadd.s32 s21, s2  }
0x9d: {  	[timem:s6], [sflag:s22] =	dma.local [hbm:s4], s20  }
0x9e: {  	_ =	swait.ge [sflag:s22], s20  }
0x9f: {  	s3 =	ssub.s32 $0x0, s20;
	[sflag:s22] =	ssyncset.done $0x0  }
0xa0: {  	[sflag:s22] =	ssyncadd.s32 s3;
	_ =	sdelay $0x1  }
0xa1: {  	s23 =	simm.s32 $0x1B8B  }
0xa2: {  	_ =	swait.ge [sflag:s23], $0x1  }
0xa3: {  	[sflag:s23] =	ssyncset.done $0x0  }
0xa4: {  	s25 =	simm.s32 $0x1B8E;
	s24 =	sld [smem:$0x3FFE];
	[sflag:s23] =	ssyncadd.s32 $0xFFFFFFFF  }
0xa5: {  	s26 =	simm.s32 $execute0_lowered;
	[smem:$0x3FD2] =	sst s25  }
0xa6: {  	s4 =	sshll.u32 s26, $0x1;
	_ =	strace $0x8000005E;
	[dreg:$0x1] =	wrdreg $0xFFFFFFFF  }
0xa7: {  	s28 =	simm.s32 $_size_execute0_lowered;
	s2 =	sadd.s32 s2, s4;
	[dreg:$0x0] =	wrdreg $0x0  }
0xa8: {  	s4 =	sshll.u32 s28, $0x1;
	[dreg:$0x2] =	wrdreg s2  }
0xa9: {  	[dreg:$0x3] =	wrdreg s4  }
0xaa: {  	[dreg:$0x4] =	wrdreg $0xC0  }
0xab: {  	_ =	task [dreg:s6], $0x5FFFF  }
0xac: {  	[dreg:$0x1] =	wrdreg $0xFFFFFFFF  }
0xad: {  	[dreg:$0x0] =	wrdreg $0x60  }
0xae: {  	[dreg:$0x2] =	wrdreg s24  }
0xaf: {  	[dreg:$0x3] =	wrdreg $0x68000  }
0xb0: {  	[dreg:$0x4] =	wrdreg $0x9  }
0xb1: {  	_ =	task.clear_ibuf [dreg:s6], $0x5FFFF;
	_ =	strace $0x9000005E  }
0xb2: {  	s29 =	simm.s32 $0x9;
	_ =	strace $0x80000060  }
0xb3: {  	_ =	swait.ge [sflag:s29], $0x1  }
0xb4: {  	[sflag:s29] =	ssyncadd.s32 $0xFFFFFFFF  }
0xb5: {  	_ =	strace $0x90000060  }
0xb6: {  	_ =	sfence  }
0xb7: {  	s30 =	sld [smem:$0x0];
	_ =	sdelay $0x2  }
0xb8: {  	s31 =	sshll.u32 s1, $0xD;
	s1 =	sshrl.u32 s1, $0x2  }
0xb9: {  	s3 =	sand.u32 $0x4000, s31;
	s1 =	sadd.s32 s1, s30  }
0xba: {  	s0 =	sor.u32 s3, s0;
	s1 =	sshll.u32 s1, $0x11  }
0xbb: {  	s0 =	sor.u32 s1, s0  }
0xbc: {  	s0 =	sadd.s32 $0x8F2B, s0  }
0xbd: {  	[sflag:s0] =	ssyncadd.remote.s32 $0x1  }
0xbe: {  	_ =	sfence.sel $0xFFFF  }
0xbf: {  	[dreg:$0x0] =	wrdreg $0xFFFFFFFF;
	(pc) =	sbr.abs _section_cstart, $3  }
0xc0: {  	[dreg:$0x1] =	wrdreg $0xFFFFFFFF  }
0xc1: {  	_ =	task.clear_ibuf [dreg:s6], $0x2FFFF;
	_ =	strace $0x9FFFFFFF  }
0xc2: {  	(tm) =	ssettm $0x7FFFFFFF  }
0xc3: {  	_ =	shalt  }
tec
execute0_lowered:
.L_overlay_start_1:
0x0: {  	(tag) =	ssettag $0x1  }
0x1: {  	s4 =	rddreg [dreg:$0x0]  }
0x2: {  	s1 =	rddreg [dreg:$0x1]  }
0x3: {  	s2 =	srdreg.scid;
	s0 =	rddreg [dreg:$0x2]  }
0x4: {  	s3 =	simm.s32 $0x0;
	s13 =	simm.s32 $0x1;
	s5 =	sand.u32 $0x1, s2  }
0x5: {  	s14 =	simm.s32 $0x50;
	s2 =	stileid.u32;
	s6 =	smul.u32 $0x271000, s5  }
0x6: {  	s15 =	simm.s32 $0x0;
	[smem:$0x7FF] =	sst s3;
	s7 =	smul.u32 $0x14000, s2  }
0x7: {  	s8 =	sshll.u32 s2, $0xB;
	s9 =	sshll.u32 s5, $0xF;
	s10 =	smul.u32 $0x140000, s5  }
0x8: {  	_ =	strace $0x8000005F;
	s5 =	ssub.s32 $0x2, s5;
	s25 =	smul.u32 $0x50000, s2  }
0x9: {  	s30 =	smul.u32 $0x27100, s2;
	s31 =	sshll.u32 s2, $0x6;
	s23 =	sor.u32 s8, s9  }
0xa: {  	s26 =	sshrl.u32 s5, $0x1;
	s11 =	sadd.s32 s6, s4;
	s6 =	sadd.s32 s23, s4  }
0xb: {  	s24 =	sshrl.u32 s7, $0x3;
	s7 =	sadd.s32 s7, s10;
	s28 =	ssub.s32 s5, s26  }
0xc: {  	s29 =	sshrl.u32 s25, $0x2;
	s5 =	sor.u32 $0x1C02, s31;
	s7 =	sshrl.u32 s7, $0x3  }
0xd: {  	s8 =	sadd.s32 s24, s4;
	s12 =	sadd.s32 s29, s1;
	s6 =	sadd.s32 $0x52F200, s6  }
0xe: {  	s9 =	sadd.s32 s30, s11;
	s11 =	simm.s32 $0x2;
	s7 =	sadd.s32 s7, s4  }
0xf: {  	s4 =	sadd.s32 $0x53F200, s8;
	s8 =	smax.u32 s28, $0x1;
	s9 =	sadd.s32 $0xF7B200, s9  }
0x10: {  	s10 =	sshrl.u32 s12, $0x3;
	s12 =	simm.s32 $0x4000;
	s7 =	sadd.s32 $0x14E00, s7  }
.LBB2_1:
0x11: {  	[spmem:s10], [sflag:s5] =	dma.local [hbm:s4], $0x2800  }
0x12: {  	_ =	swait.ge [sflag:s11], $0x2800  }
0x13: {  	[sflag:s11] =	ssyncset.done $0x0  }
0x14: {  	[sflag:s11] =	ssyncadd.s32 $0xFFFFD800  }
0x15: {  	[bflag:$0x0] =	sbarrier.arrive $0xFFFF  }
0x16: {  	[tilespmem:s3], [sflag:$0x2] =	stream.linear.gather [hbm4b:s6+s3], $0x3E80, $0x38;
	[tilespmem:$0x1A800] =	vst v63  }
0x17: {  	_ =	swait.ge [sflag:s11], $0x3E80  }
0x18: {  	[sflag:s11] =	ssyncset.done $0x0  }
0x19: {  	[sflag:s11] =	ssyncadd.s32 $0xFFFFC180  }
0x1a: {  	[tilespmem:s12], [sflag:$0x1] =	stream.linear.gather [hbm4b:s9+s3], $0x2800, $0x38;
	[tilespmem:$0x1A800] =	vst v63  }
0x1b: {  	_ =	swait.ge [sflag:s13], $0x2800  }
0x1c: {  	[sflag:s13] =	ssyncset.done $0x0  }
0x1d: {  	s16 =	simm.s32 $0x0;
	[sflag:s13] =	ssyncadd.s32 $0xFFFFD800  }
0x1e: {  	[spmem:s1] =	stream.indirect.scatter.add.f32 [tilespmem:s12], [sflag:$0x2], $0x80, s16, s14, $0xb8;
	[tilespmem:$0x1A800] =	vst v63  }
0x1f: {  	_ =	swait.ge [sflag:s11], $0x2800  }
0x20: {  	s17 =	smov.u32 s9;
	s16 =	simm.s32 $0x200;
	[sflag:s11] =	ssyncset.done $0x0  }
.LBB2_2:
0x21: {  	p0 =	sne.s32 s16, $0xF800;
	[sflag:s11] =	ssyncadd.s32 $0xFFFFD800;
	s17 =	sadd.s32 $0x500, s17  }
0x22: {  	[tilespmem:s12], [sflag:$0x1] =	stream.linear.gather [hbm4b:s17+s3], $0x2800, $0x38;
	[tilespmem:$0x1A800] =	vst v63  }
0x23: {  	s18 =	smov.u32 s16;
	s16 =	sadd.s32 $0x200, s16;
	_ =	swait.ge [sflag:s13], $0x2800  }
.Ltmp0:
0x24: {  	[sflag:s13] =	ssyncset.done $0x0;
	(pc) =	sbr.rel @p0 .LBB2_2-.Ltmp0, $4  }
0x25: {  	s18 =	sshra.s32 s18, $0x2;
	[sflag:s13] =	ssyncadd.s32 $0xFFFFD800  }
0x26: {  	[spmem:s1] =	stream.indirect.scatter.add.f32 [tilespmem:s12], [sflag:$0x2], $0x80, s18, s14, $0xb8;
	[tilespmem:$0x1A800] =	vst v63  }
0x27: {  	_ =	swait.ge [sflag:s11], $0x2800  }
0x28: {  	[sflag:s11] =	ssyncset.done $0x0  }
0x29: {  	s15 =	sadd.s32 $0x1, s15  }
0x2a: {  	[sflag:s11] =	ssyncadd.s32 $0xFFFFD800;
	p0 =	sne.s32 s15, s8  }
.Ltmp1:
0x2b: {  	[bflag:$0x0] =	sbarrier.arrive $0xFFFF;
	(pc) =	sbr.rel @p0 .LBB2_1-.Ltmp1, $4  }
0x2c: {  	[hbm:s7], [sflag:s5] =	dma.local [spmem:s10], $0x2800  }
0x2d: {  	_ =	swait.ge [sflag:s11], $0x2800  }
0x2e: {  	[sflag:s11] =	ssyncset.done $0x0  }
0x2f: {  	[sflag:s11] =	ssyncadd.s32 $0xFFFFD800  }
0x30: {  	_ =	sfence.sel $0x180000  }
0x31: {  	[bflag:$0x0] =	sbarrier.arrive $0xFFFF  }
0x32: {  	p0 =	sne.s32 s2, $0x0;
	_ =	strace $0x9000005F  }
0x33: {  	s0 =	sadd.s32 @!p0 $0x100000, s0;
	[bflag:$0x2] =	sbarrier.arrive $0xFFFF  }
0x34: {  	[sflag:s0] =	ssyncadd.tile.s32 @!p0 $0x1;
	_ =	shalt  }
.Lfunc_end2:
_tile_overlayer_lowered:
.L_overlay_start_2:
0x35: {  	(tag) =	ssettag $0x2  }
0x36: {  	s0 =	rddreg [dreg:$0x0];
	s2 =	stileid.u32  }
0x37: {  	s1 =	rddreg [dreg:$0x1];
	p0 =	sne.s32 s2, $0x0  }
0x38: {  	s3 =	rddreg [dreg:$0x2];
	[bflag:$0x3] =	sbarrier.arrive $0xFFFF;
	s2 =	simm.s32 @!p0 $0x1C02  }
0x39: {  	[timem:s3], [sflag:s2] =	dma.local @!p0 [hbm:s0], s1  }
0x3a: {  	s0 =	simm.s32 @!p0 $0x2  }
0x3b: {  	_ =	swait.ge @!p0 [sflag:s0], s1  }
0x3c: {  	s1 =	ssub.s32 @!p0 $0x0, s1;
	[sflag:s0] =	ssyncset.done @!p0 $0x0  }
0x3d: {  	[sflag:s0] =	ssyncadd.s32 @!p0 s1  }
0x3e: {  	[bflag:$0x3] =	sbarrier.arrive $0xFFFF  }
0x3f: {  	_ =	shalt  }

</sc_bundles>
